<compile_context>
chip_gen: v7x
topology: tpu7x:2x2x1
jax: 0.10.2.dev20260603
libtpu: 0.0.44.dev20260713+nightly
codegen_flags: <defaults>
</compile_context>

<pallas_src>
import jax
import jax.numpy as jnp
from jax import lax
from jax.experimental import pallas as pl
from jax.experimental.pallas import tpu as pltpu
from jax.experimental.pallas import tpu_sc as plsc

G = 7
NBINS = G * G
D = 21
NC = D * NBINS
DPAD = 22
DH = DPAD // 2
SCALE = 0.0625
H = 64
W = 64
WPAD = 72
PLANE_HW = (H + 1) * WPAD
PLANE_WORDS = DPAD * PLANE_HW
HALF_WORDS = DH * PLANE_HW
UNIT_WORDS = 2 * HALF_WORDS
NROI = 5000
NROI_PAD = 5120
NCHUNKS = 20
GPC = 16
RPP = 32
PIECE_WORDS = RPP * DH
STAGE_WORDS = GPC * 16 * DH
PPC = (GPC * 16) // RPP
NUNITS = 2 * NBINS
NWORKERS = 32
UNITS_PER_TILE = 4
QCHUNK_WORDS = NUNITS * PIECE_WORDS
NQ = NROI_PAD // RPP
NQ_T = 157
QPT = 5
TAIL_ROIS = NROI - (NQ_T - 1) * RPP


def _integral_tc_kernel(f_ref, o_ref):
    row = lax.broadcasted_iota(jnp.int32, (H, H), 0)
    col = lax.broadcasted_iota(jnp.int32, (H, H), 1)
    lower = (row >= col).astype(jnp.float32)
    upper = (row <= col).astype(jnp.float32)
    for d in range(D):
        f = f_ref[0, d, 0]
        a = jnp.dot(lower, f, preferred_element_type=jnp.float32,
                    precision=lax.Precision.HIGHEST)
        b = jnp.dot(a, upper, preferred_element_type=jnp.float32,
                    precision=lax.Precision.HIGHEST)
        buf = jnp.concatenate(
            [jnp.zeros((H, 1), jnp.float32), b,
             jnp.zeros((H, WPAD - 1 - W), jnp.float32)], axis=1)
        buf = jnp.concatenate([jnp.zeros((1, WPAD), jnp.float32), buf],
                              axis=0)
        o_ref[0, 0, d] = buf
    o_ref[0, 0, D] = jnp.zeros((H + 1, WPAD), jnp.float32)


def _integral_image(feat5):
    return pl.pallas_call(
        _integral_tc_kernel,
        grid=(2, NBINS),
        in_specs=[pl.BlockSpec((1, D, 1, H, W), lambda b, p: (b, 0, p, 0, 0))],
        out_specs=pl.BlockSpec((1, 1, DPAD, H + 1, WPAD),
                               lambda b, p: (b, p, 0, 0, 0)),
        out_shape=jax.ShapeDtypeStruct((2, NBINS, DPAD, H + 1, WPAD),
                                       jnp.float32),
    )(feat5)


def _bin_bounds(rois):
    pf = jnp.arange(G, dtype=jnp.float32)[None, :]
    rsw = (jnp.round(rois[:, 1]) * SCALE)[:, None]
    rsh = (jnp.round(rois[:, 2]) * SCALE)[:, None]
    rew = (jnp.round(rois[:, 3] + 1.0) * SCALE)[:, None]
    reh = (jnp.round(rois[:, 4] + 1.0) * SCALE)[:, None]
    roi_w = jnp.maximum(rew - rsw, 0.1)
    roi_h = jnp.maximum(reh - rsh, 0.1)
    bsh = roi_h / G
    bsw = roi_w / G
    hs = jnp.clip(jnp.floor(pf * bsh + rsh), 0, H).astype(jnp.int32)
    he = jnp.clip(jnp.ceil((pf + 1.0) * bsh + rsh), 0, H).astype(jnp.int32)
    ws = jnp.clip(jnp.floor(pf * bsw + rsw), 0, W).astype(jnp.int32)
    we = jnp.clip(jnp.ceil((pf + 1.0) * bsw + rsw), 0, W).astype(jnp.int32)
    return hs, he, ws, we


def _pool_sc_kernel(i_hbm, hshe_hbm, wswe_hbm, batch_hbm,
                    out_hbm, unit_v, hshe_v, wswe_v, batch_v, stage_v, sem):
    wid = lax.axis_index("s") * 2 + lax.axis_index("c")
    lanes = lax.iota(jnp.int32, 16)
    lanes_d = lanes * DH
    pltpu.sync_copy(batch_hbm, batch_v)

    def process_unit(u):
        binidx = u // 2
        dh = u - binidx * 2
        ph = binidx // G
        pw = binidx - ph * G
        doff = dh * HALF_WORDS
        for b in range(2):
            src = (b * NBINS + binidx) * PLANE_WORDS + doff
            pltpu.sync_copy(
                i_hbm.at[pl.ds(src, HALF_WORDS)],
                unit_v.at[pl.ds(b * HALF_WORDS, HALF_WORDS)])
        pltpu.sync_copy(hshe_hbm.at[ph], hshe_v)
        pltpu.sync_copy(wswe_hbm.at[pw], wswe_v)
        unit_off = binidx * (2 * PIECE_WORDS) + dh * PIECE_WORDS

        def chunk_body(c, carry):
            @plsc.parallel_loop(0, GPC, unroll=2)
            def group_body(j):
                base = (c * GPC + j) * 16
                xh = hshe_v[pl.ds(base, 16)]
                xw = wswe_v[pl.ds(base, 16)]
                bvec = batch_v[pl.ds(base, 16)]
                hs = xh & 0xFFFF
                he = xh >> 16
                ws = xw & 0xFFFF
                we = xw >> 16
                area = ((he - hs) * (we - ws)).astype(jnp.float32)
                empty = (he <= hs) | (we <= ws)
                inv = jnp.where(empty, 0.0, 1.0 / jnp.maximum(area, 1.0))
                bterm = bvec * HALF_WORDS
                top = hs * WPAD + bterm
                bot = he * WPAD + bterm
                i_ee = bot + we
                i_se = top + we
                i_es = bot + ws
                i_ss = top + ws
                sbase = j * (16 * DH) + lanes_d
                for d in range(DH):
                    sub = unit_v.at[pl.ds(d * PLANE_HW,
                                          UNIT_WORDS - d * PLANE_HW)]
                    g1 = plsc.load_gather(sub, [i_ee])
                    g2 = plsc.load_gather(sub, [i_se])
                    g3 = plsc.load_gather(sub, [i_es])
                    g4 = plsc.load_gather(sub, [i_ss])
                    val = (g1 - g2 - g3 + g4) * inv
                    plsc.store_scatter(stage_v, [sbase + d], val)

            copies = []
            for i in range(PPC):
                q = c * PPC + i
                copies.append(pltpu.async_copy(
                    stage_v.at[pl.ds(i * PIECE_WORDS, PIECE_WORDS)],
                    out_hbm.at[pl.ds(q * QCHUNK_WORDS + unit_off,
                                     PIECE_WORDS)],
                    sem))
            for cp in copies:
                cp.wait()
            return carry

        lax.fori_loop(0, NCHUNKS, chunk_body, 0)

    def unit_body(k, carry):
        u = wid + k * NWORKERS

        @pl.when(u < NUNITS)
        def _():
            process_unit(u)

        return carry

    lax.fori_loop(0, UNITS_PER_TILE, unit_body, 0)


def _pool(i_img, hshe, wswe, batch):
    mesh = plsc.VectorSubcoreMesh(core_axis_name="c", subcore_axis_name="s")
    f = pl.kernel(
        _pool_sc_kernel,
        out_type=jax.ShapeDtypeStruct((NQ * QCHUNK_WORDS,), jnp.float32),
        mesh=mesh,
        compiler_params=pltpu.CompilerParams(needs_layout_passes=False),
        scratch_types=[
            pltpu.VMEM((UNIT_WORDS,), jnp.float32),
            pltpu.VMEM((NROI_PAD,), jnp.int32),
            pltpu.VMEM((NROI_PAD,), jnp.int32),
            pltpu.VMEM((NROI_PAD,), jnp.int32),
            pltpu.VMEM((STAGE_WORDS,), jnp.float32),
            pltpu.SemaphoreType.DMA,
        ],
    )
    return f(i_img, hshe, wswe, batch)


def _transpose_sc_kernel(pool_hbm, out_hbm, in_v, obuf_v, sem):
    wid = lax.axis_index("s") * 2 + lax.axis_index("c")
    lanes = lax.iota(jnp.int32, 16)

    def process_chunk(q):
        pltpu.sync_copy(pool_hbm.at[pl.ds(q * QCHUNK_WORDS, QCHUNK_WORDS)],
                        in_v)
        boffs = []
        osels = []
        for half in range(RPP // 16):
            r_vec = lanes + half * 16
            boffs.append(r_vec * DH)
            osels.append(r_vec)

        @plsc.parallel_loop(0, NC, unroll=4)
        def c_body(c):
            binidx = c % NBINS
            d = c // NBINS
            dh = d // DH
            dl = d - dh * DH
            pre_c = binidx * (2 * PIECE_WORDS) + dh * PIECE_WORDS + dl
            cvec = jnp.full((16,), c, jnp.int32)
            for half in range(RPP // 16):
                v = plsc.load_gather(in_v, [boffs[half] + pre_c])
                plsc.store_scatter(obuf_v, [osels[half], cvec], v)

        @pl.when(q < NQ_T - 1)
        def _():
            pltpu.sync_copy(obuf_v, out_hbm.at[pl.ds(q * RPP, RPP)])

        @pl.when(q == NQ_T - 1)
        def _():
            pltpu.sync_copy(
                obuf_v.at[pl.ds(0, TAIL_ROIS)],
                out_hbm.at[pl.ds(q * RPP, TAIL_ROIS)])

    def chunk_loop(k, carry):
        q = wid + k * NWORKERS

        @pl.when(q < NQ_T)
        def _():
            process_chunk(q)

        return carry

    lax.fori_loop(0, QPT, chunk_loop, 0)


def _transpose(pool_out):
    mesh = plsc.VectorSubcoreMesh(core_axis_name="c", subcore_axis_name="s")
    f = pl.kernel(
        _transpose_sc_kernel,
        out_type=jax.ShapeDtypeStruct((NROI, NC), jnp.float32),
        mesh=mesh,
        compiler_params=pltpu.CompilerParams(needs_layout_passes=False),
        scratch_types=[
            pltpu.VMEM((QCHUNK_WORDS,), jnp.float32),
            pltpu.VMEM((RPP, NC), jnp.float32),
            pltpu.SemaphoreType.DMA,
        ],
    )
    return f(pool_out)


def kernel(features, rois):
    feat5 = features.reshape(2, D, NBINS, H, W)
    i_img = _integral_image(feat5).reshape(NUNITS * PLANE_WORDS)
    hs, he, ws, we = _bin_bounds(rois)
    pad_b = jnp.zeros((NROI_PAD - NROI, G), jnp.int32)

    def padt(x):
        return jnp.concatenate([x, pad_b], axis=0).T

    hshe = padt(hs | (he << 16))
    wswe = padt(ws | (we << 16))
    batch = jnp.concatenate(
        [rois[:, 0].astype(jnp.int32),
         jnp.zeros((NROI_PAD - NROI,), jnp.int32)])
    pool_out = _pool(i_img, hshe, wswe, batch)
    return _transpose(pool_out).reshape(NROI, D, G, G)

# --- scband reference (transcript-rebuilt; emitter-appended) ---
"""Pipeline reference for scband-psro-ipool-16819091931425 (READ-ONLY COPY).

The authoritative reference and input builder live on the scoring server;
editing this copy changes nothing except your own understanding.
"""

import jax, jax.numpy as jnp
import numpy as np

OUT_SIZE = 7
SPATIAL_SCALE = 0.0625


def setup_inputs(seed: int = 0):
    key = jax.random.key(seed)
    k1, k2, k3, k4 = jax.random.split(key, 4)
    features = jax.random.normal(k1, (2, 1029, 64, 64), dtype=jnp.float32)
    N = 5000
    batch_idx = jax.random.randint(k2, (N,), 0, 2).astype(jnp.float32)
    xy = jax.random.uniform(k3, (N, 2), minval=0.0, maxval=960.0)
    wh = jax.random.uniform(k4, (N, 2), minval=32.0, maxval=512.0)
    x1 = xy[:, 0]
    y1 = xy[:, 1]
    x2 = jnp.minimum(x1 + wh[:, 0], 1023.0)
    y2 = jnp.minimum(y1 + wh[:, 1], 1023.0)
    rois = jnp.stack([batch_idx, x1, y1, x2, y2], axis=1)
    return {"features": features, "rois": rois}


def psroi_pool(features, rois, out_size=OUT_SIZE, spatial_scale=SPATIAL_SCALE):
    # Position-sensitive RoI average pooling (R-FCN), faithful to the CUDA kernel:
    # per-bin average over feature channel c = (ctop*G + ph)*G + pw, with rounded
    # roi coords, floor/ceil bin boundaries, clipping, and 0 for empty bins.
    # Implemented with a 2D integral image so each bin sum is 4 gathers.
    B, C, H, W = features.shape
    G = out_size
    D = C // (G * G)
    feat = features.reshape(B, D, G, G, H, W)
    cs = jnp.cumsum(jnp.cumsum(feat, axis=4), axis=5)
    I = jnp.pad(cs, ((0, 0), (0, 0), (0, 0), (0, 0), (1, 0), (1, 0)))
    It = jnp.moveaxis(I, 1, -1)  # [B, G, G, H+1, W+1, D]
    phg, pwg = jnp.meshgrid(jnp.arange(G), jnp.arange(G), indexing="ij")
    pf = jnp.arange(G, dtype=features.dtype)

    def per_roi(roi):
        b = roi[0].astype(jnp.int32)
        rsw = jnp.round(roi[1]) * spatial_scale
        rsh = jnp.round(roi[2]) * spatial_scale
        rew = jnp.round(roi[3] + 1.0) * spatial_scale
        reh = jnp.round(roi[4] + 1.0) * spatial_scale
        roi_w = jnp.maximum(rew - rsw, 0.1)
        roi_h = jnp.maximum(reh - rsh, 0.1)
        bsh = roi_h / G
        bsw = roi_w / G
        hstart = jnp.clip(jnp.floor(pf * bsh + rsh), 0, H).astype(jnp.int32)
        hend = jnp.clip(jnp.ceil((pf + 1.0) * bsh + rsh), 0, H).astype(jnp.int32)
        wstart = jnp.clip(jnp.floor(pf * bsw + rsw), 0, W).astype(jnp.int32)
        wend = jnp.clip(jnp.ceil((pf + 1.0) * bsw + rsw), 0, W).astype(jnp.int32)
        hs = hstart[phg]
        he = hend[phg]
        ws = wstart[pwg]
        we = wend[pwg]
        s = (It[b, phg, pwg, he, we] - It[b, phg, pwg, hs, we]
             - It[b, phg, pwg, he, ws] + It[b, phg, pwg, hs, ws])  # [G, G, D]
        area = ((he - hs) * (we - ws)).astype(features.dtype)
        empty = (he <= hs) | (we <= ws)
        out = jnp.where(empty[:, :, None], 0.0, s / jnp.maximum(area, 1.0)[:, :, None])
        return jnp.moveaxis(out, -1, 0)  # [D, G, G]

    return jax.vmap(per_roi)(rois)


def reference(features, rois):
    return psroi_pool(features, rois)

if __name__ == "__main__":
    import jax
    _d = setup_inputs()
    print(jax.jit(kernel)(*tuple(_d.values())))

</pallas_src>

<mosaic_0001>
#map = affine_map<(d0, d1) -> (0)>
#map1 = affine_map<(d0, d1) -> (0, 0)>
module attributes {stable_mosaic.version = 14 : i64} {
  func.func @_transpose_sc_kernel(%arg0: i32, %arg1: i32, %arg2: memref<5519360xf32, #tpu.memory_space<hbm>>, %arg3: memref<5000x1029xf32, #tpu.memory_space<hbm>>, %arg4: memref<34496xf32, #tpu.memory_space<vmem>>, %arg5: memref<32x1029xf32, #tpu.memory_space<vmem>>, %arg6: memref<!tpu.dma_semaphore, #tpu.memory_space<semaphore_mem>>) attributes {dimension_semantics = [#tpu.dimension_semantics<core_parallel>, #tpu.dimension_semantics<subcore_parallel>], iteration_bounds = array<i64: 2, 16>, scalar_prefetch = 0 : i64, scratch_operands = 3 : i64, tpu.core_type = #tpu.core_type<sc_vector_subcore>, window_params = [{transform_indices = #map}, {transform_indices = #map1}]} {
    %mul3A = arith.constant 2 : i32
    %mul3A_0 = arith.muli %arg1, %mul3A : i32
    %add3A = arith.addi %mul3A_0, %arg0 : i32
    %iota3A = tpu.iota {dimensions = array<i32: 0>} : vector<16xi32>
    %scan3A = arith.constant 0 : i32
    %scan3A_1 = arith.constant 0 : i32
    %scan3A_2 = arith.constant 5 : i32
    %scan3A_3 = arith.addi %scan3A_1, %scan3A_2 : i32
    %scan3A_4 = arith.constant 1 : i32
    scf.for %scan3A_6 = %scan3A_1 to %scan3A_3 step %scan3A_4  : i32 {
      %mul3A_7 = arith.constant 32 : i32
      %mul3A_8 = arith.muli %scan3A_6, %mul3A_7 : i32
      %add3A_9 = arith.addi %add3A, %mul3A_8 : i32
      %lt3A = arith.constant 157 : i32
      %lt3A_10 = arith.cmpi slt, %add3A_9, %lt3A : i32
      %convert_element_type3A = arith.extui %lt3A_10 : i1 to i32
      %cond3A = arith.constant 0 : i32
      %cond3A_11 = arith.cmpi ne, %convert_element_type3A, %cond3A : i32
      scf.if %cond3A_11 {
        %mul3A_12 = arith.constant 34496 : i32
        %mul3A_13 = arith.muli %add3A_9, %mul3A_12 : i32
        "tpu.region"() ({
          %run_scoped3A = tpu.sem_alloc : memref<!tpu.dma_semaphore, #tpu.memory_space<semaphore_mem>>
          %dma_start3A = tpu.memref_slice %arg2[%mul3A_13] : memref<5519360xf32, #tpu.memory_space<hbm>> -> memref<34496xf32, #tpu.memory_space<hbm>>
          %dma_start3A_37 = tpu.memref_slice %arg2[%mul3A_13] : memref<5519360xf32, #tpu.memory_space<hbm>> -> memref<34496xf32, #tpu.memory_space<hbm>>
          tpu.enqueue_dma source(%dma_start3A_37 : memref<34496xf32, #tpu.memory_space<hbm>>) target(%arg4 : memref<34496xf32, #tpu.memory_space<vmem>>) target_semaphore(%run_scoped3A : memref<!tpu.dma_semaphore, #tpu.memory_space<semaphore_mem>>)
          %dma_wait3A = tpu.memref_slice %arg2[%mul3A_13] : memref<5519360xf32, #tpu.memory_space<hbm>> -> memref<34496xf32, #tpu.memory_space<hbm>>
          %dma_wait3A_38 = tpu.memref_slice %arg2[%mul3A_13] : memref<5519360xf32, #tpu.memory_space<hbm>> -> memref<34496xf32, #tpu.memory_space<hbm>>
          tpu.wait_dma2 semaphore(%run_scoped3A : memref<!tpu.dma_semaphore, #tpu.memory_space<semaphore_mem>>) src(%dma_wait3A_38 : memref<34496xf32, #tpu.memory_space<hbm>>) dst(%arg4 : memref<34496xf32, #tpu.memory_space<vmem>>)
          tpu.yield
        }) : () -> ()
        %add3A_14 = arith.constant 0 : i32
        %add3A_15 = vector.broadcast %add3A_14 : i32 to vector<16xi32>
        %add3A_16 = arith.addi %iota3A, %add3A_15 : vector<16xi32>
        %mul3A_17 = arith.constant 11 : i32
        %mul3A_18 = vector.broadcast %mul3A_17 : i32 to vector<16xi32>
        %mul3A_19 = arith.muli %add3A_16, %mul3A_18 : vector<16xi32>
        %add3A_20 = arith.constant 16 : i32
        %add3A_21 = vector.broadcast %add3A_20 : i32 to vector<16xi32>
        %add3A_22 = arith.addi %iota3A, %add3A_21 : vector<16xi32>
        %mul3A_23 = arith.constant 11 : i32
        %mul3A_24 = vector.broadcast %mul3A_23 : i32 to vector<16xi32>
        %mul3A_25 = arith.muli %add3A_22, %mul3A_24 : vector<16xi32>
        %parallel_loop3A = arith.constant 0 : i32
        %parallel_loop3A_26 = arith.constant 1029 : i32
        %parallel_loop3A_27 = arith.constant 1 : i32
        scf.for %parallel_loop3A_37 = %parallel_loop3A to %parallel_loop3A_26 step %parallel_loop3A_27  : i32 {
          %parallel_loop3A_38 = arith.constant 49 : i32
          %parallel_loop3A_39 = arith.constant 0 : i32
          %parallel_loop3A_40 = arith.cmpi eq, %parallel_loop3A_38, %parallel_loop3A_39 : i32
          %parallel_loop3A_41 = arith.constant 1 : i32
          %parallel_loop3A_42 = arith.select %parallel_loop3A_40, %parallel_loop3A_41, %parallel_loop3A_38 : i32
          %parallel_loop3A_43 = arith.remsi %parallel_loop3A_37, %parallel_loop3A_42 : i32
          %parallel_loop3A_44 = arith.constant 0 : i32
          %parallel_loop3A_45 = arith.cmpi ne, %parallel_loop3A_43, %parallel_loop3A_44 : i32
          %parallel_loop3A_46 = arith.constant 0 : i32
          %parallel_loop3A_47 = arith.cmpi slt, %parallel_loop3A_43, %parallel_loop3A_46 : i32
          %parallel_loop3A_48 = arith.constant 0 : i32
          %parallel_loop3A_49 = arith.cmpi slt, %parallel_loop3A_42, %parallel_loop3A_48 : i32
          %parallel_loop3A_50 = arith.xori %parallel_loop3A_47, %parallel_loop3A_49 : i1
          %parallel_loop3A_51 = arith.andi %parallel_loop3A_50, %parallel_loop3A_45 : i1
          %parallel_loop3A_52 = arith.addi %parallel_loop3A_43, %parallel_loop3A_42 : i32
          %parallel_loop3A_53 = arith.select %parallel_loop3A_51, %parallel_loop3A_52, %parallel_loop3A_43 : i32
          %parallel_loop3A_54 = arith.constant 49 : i32
          %parallel_loop3A_55 = arith.divsi %parallel_loop3A_37, %parallel_loop3A_54 : i32
          %parallel_loop3A_56 = arith.constant 0 : i32
          %parallel_loop3A_57 = arith.cmpi sgt, %parallel_loop3A_37, %parallel_loop3A_56 : i32
          %parallel_loop3A_58 = arith.extui %parallel_loop3A_57 : i1 to i32
          %parallel_loop3A_59 = arith.constant 0 : i32
          %parallel_loop3A_60 = arith.cmpi slt, %parallel_loop3A_37, %parallel_loop3A_59 : i32
          %parallel_loop3A_61 = arith.extui %parallel_loop3A_60 : i1 to i32
          %parallel_loop3A_62 = arith.subi %parallel_loop3A_58, %parallel_loop3A_61 : i32
          %parallel_loop3A_63 = arith.constant 0 : i32
          %parallel_loop3A_64 = arith.cmpi sgt, %parallel_loop3A_54, %parallel_loop3A_63 : i32
          %parallel_loop3A_65 = arith.extui %parallel_loop3A_64 : i1 to i32
          %parallel_loop3A_66 = arith.constant 0 : i32
          %parallel_loop3A_67 = arith.cmpi slt, %parallel_loop3A_54, %parallel_loop3A_66 : i32
          %parallel_loop3A_68 = arith.extui %parallel_loop3A_67 : i1 to i32
          %parallel_loop3A_69 = arith.subi %parallel_loop3A_65, %parallel_loop3A_68 : i32
          %parallel_loop3A_70 = arith.cmpi ne, %parallel_loop3A_62, %parallel_loop3A_69 : i32
          %parallel_loop3A_71 = arith.remsi %parallel_loop3A_37, %parallel_loop3A_54 : i32
          %parallel_loop3A_72 = arith.constant 0 : i32
          %parallel_loop3A_73 = arith.cmpi ne, %parallel_loop3A_71, %parallel_loop3A_72 : i32
          %parallel_loop3A_74 = arith.andi %parallel_loop3A_70, %parallel_loop3A_73 : i1
          %parallel_loop3A_75 = arith.constant 1 : i32
          %parallel_loop3A_76 = arith.subi %parallel_loop3A_55, %parallel_loop3A_75 : i32
          %parallel_loop3A_77 = arith.select %parallel_loop3A_74, %parallel_loop3A_76, %parallel_loop3A_55 : i32
          %parallel_loop3A_78 = arith.constant 11 : i32
          %parallel_loop3A_79 = arith.divsi %parallel_loop3A_77, %parallel_loop3A_78 : i32
          %parallel_loop3A_80 = arith.constant 0 : i32
          %parallel_loop3A_81 = arith.cmpi sgt, %parallel_loop3A_77, %parallel_loop3A_80 : i32
          %parallel_loop3A_82 = arith.extui %parallel_loop3A_81 : i1 to i32
          %parallel_loop3A_83 = arith.constant 0 : i32
          %parallel_loop3A_84 = arith.cmpi slt, %parallel_loop3A_77, %parallel_loop3A_83 : i32
          %parallel_loop3A_85 = arith.extui %parallel_loop3A_84 : i1 to i32
          %parallel_loop3A_86 = arith.subi %parallel_loop3A_82, %parallel_loop3A_85 : i32
          %parallel_loop3A_87 = arith.constant 0 : i32
          %parallel_loop3A_88 = arith.cmpi sgt, %parallel_loop3A_78, %parallel_loop3A_87 : i32
          %parallel_loop3A_89 = arith.extui %parallel_loop3A_88 : i1 to i32
          %parallel_loop3A_90 = arith.constant 0 : i32
          %parallel_loop3A_91 = arith.cmpi slt, %parallel_loop3A_78, %parallel_loop3A_90 : i32
          %parallel_loop3A_92 = arith.extui %parallel_loop3A_91 : i1 to i32
          %parallel_loop3A_93 = arith.subi %parallel_loop3A_89, %parallel_loop3A_92 : i32
          %parallel_loop3A_94 = arith.cmpi ne, %parallel_loop3A_86, %parallel_loop3A_93 : i32
          %parallel_loop3A_95 = arith.remsi %parallel_loop3A_77, %parallel_loop3A_78 : i32
          %parallel_loop3A_96 = arith.constant 0 : i32
          %parallel_loop3A_97 = arith.cmpi ne, %parallel_loop3A_95, %parallel_loop3A_96 : i32
          %parallel_loop3A_98 = arith.andi %parallel_loop3A_94, %parallel_loop3A_97 : i1
          %parallel_loop3A_99 = arith.constant 1 : i32
          %parallel_loop3A_100 = arith.subi %parallel_loop3A_79, %parallel_loop3A_99 : i32
          %parallel_loop3A_101 = arith.select %parallel_loop3A_98, %parallel_loop3A_100, %parallel_loop3A_79 : i32
          %parallel_loop3A_102 = arith.constant 11 : i32
          %parallel_loop3A_103 = arith.muli %parallel_loop3A_101, %parallel_loop3A_102 : i32
          %parallel_loop3A_104 = arith.subi %parallel_loop3A_77, %parallel_loop3A_103 : i32
          %parallel_loop3A_105 = arith.constant 704 : i32
          %parallel_loop3A_106 = arith.muli %parallel_loop3A_53, %parallel_loop3A_105 : i32
          %parallel_loop3A_107 = arith.constant 352 : i32
          %parallel_loop3A_108 = arith.muli %parallel_loop3A_101, %parallel_loop3A_107 : i32
          %parallel_loop3A_109 = arith.addi %parallel_loop3A_106, %parallel_loop3A_108 : i32
          %parallel_loop3A_110 = arith.addi %parallel_loop3A_109, %parallel_loop3A_104 : i32
          %parallel_loop3A_111 = vector.broadcast %parallel_loop3A_37 : i32 to vector<16xi32>
          %parallel_loop3A_112 = vector.broadcast %parallel_loop3A_110 : i32 to vector<16xi32>
          %parallel_loop3A_113 = arith.addi %mul3A_19, %parallel_loop3A_112 : vector<16xi32>
          %parallel_loop3A_114 = tpu.vector_load_idx %arg4[%parallel_loop3A_113] : memref<34496xf32, #tpu.memory_space<vmem>>[vector<16xi32>], vector<16xf32>,
          tpu.vector_store_idx %arg5[%add3A_16, %parallel_loop3A_111], %parallel_loop3A_114 : memref<32x1029xf32, #tpu.memory_space<vmem>>[vector<16xi32>, vector<16xi32>], vector<16xf32>,
          %parallel_loop3A_115 = vector.broadcast %parallel_loop3A_110 : i32 to vector<16xi32>
          %parallel_loop3A_116 = arith.addi %mul3A_25, %parallel_loop3A_115 : vector<16xi32>
          %parallel_loop3A_117 = tpu.vector_load_idx %arg4[%parallel_loop3A_116] : memref<34496xf32, #tpu.memory_space<vmem>>[vector<16xi32>], vector<16xf32>,
          tpu.vector_store_idx %arg5[%add3A_22, %parallel_loop3A_111], %parallel_loop3A_117 : memref<32x1029xf32, #tpu.memory_space<vmem>>[vector<16xi32>, vector<16xi32>], vector<16xf32>,
        } {sc.loop_unroll_factor = 4 : i64, sc.parallel_access}
        %lt3A_28 = arith.constant 156 : i32
        %lt3A_29 = arith.cmpi slt, %add3A_9, %lt3A_28 : i32
        %convert_element_type3A_30 = arith.extui %lt3A_29 : i1 to i32
        %cond3A_31 = arith.constant 0 : i32
        %cond3A_32 = arith.cmpi ne, %convert_element_type3A_30, %cond3A_31 : i32
        scf.if %cond3A_32 {
          %mul3A_37 = arith.constant 32 : i32
          %mul3A_38 = arith.muli %add3A_9, %mul3A_37 : i32
          "tpu.region"() ({
            %run_scoped3A = tpu.sem_alloc : memref<!tpu.dma_semaphore, #tpu.memory_space<semaphore_mem>>
            %dma_start3A = arith.constant 0 : i32
            %dma_start3A_39 = tpu.memref_slice %arg3[%mul3A_38, %dma_start3A] : memref<5000x1029xf32, #tpu.memory_space<hbm>> -> memref<32x1029xf32, #tpu.memory_space<hbm>>
            %dma_start3A_40 = arith.constant 0 : i32
            %dma_start3A_41 = tpu.memref_slice %arg3[%mul3A_38, %dma_start3A_40] : memref<5000x1029xf32, #tpu.memory_space<hbm>> -> memref<32x1029xf32, #tpu.memory_space<hbm>>
            tpu.enqueue_dma source(%arg5 : memref<32x1029xf32, #tpu.memory_space<vmem>>) target(%dma_start3A_41 : memref<32x1029xf32, #tpu.memory_space<hbm>>) target_semaphore(%run_scoped3A : memref<!tpu.dma_semaphore, #tpu.memory_space<semaphore_mem>>)
            %dma_wait3A = arith.constant 0 : i32
            %dma_wait3A_42 = tpu.memref_slice %arg3[%mul3A_38, %dma_wait3A] : memref<5000x1029xf32, #tpu.memory_space<hbm>> -> memref<32x1029xf32, #tpu.memory_space<hbm>>
            %dma_wait3A_43 = arith.constant 0 : i32
            %dma_wait3A_44 = tpu.memref_slice %arg3[%mul3A_38, %dma_wait3A_43] : memref<5000x1029xf32, #tpu.memory_space<hbm>> -> memref<32x1029xf32, #tpu.memory_space<hbm>>
            tpu.wait_dma2 semaphore(%run_scoped3A : memref<!tpu.dma_semaphore, #tpu.memory_space<semaphore_mem>>) src(%arg5 : memref<32x1029xf32, #tpu.memory_space<vmem>>) dst(%dma_wait3A_44 : memref<32x1029xf32, #tpu.memory_space<hbm>>)
            tpu.yield
          }) : () -> ()
        } else {
        }
        %eq3A = arith.constant 156 : i32
        %eq3A_33 = arith.cmpi eq, %add3A_9, %eq3A : i32
        %convert_element_type3A_34 = arith.extui %eq3A_33 : i1 to i32
        %cond3A_35 = arith.constant 0 : i32
        %cond3A_36 = arith.cmpi ne, %convert_element_type3A_34, %cond3A_35 : i32
        scf.if %cond3A_36 {
          %mul3A_37 = arith.constant 32 : i32
          %mul3A_38 = arith.muli %add3A_9, %mul3A_37 : i32
          "tpu.region"() ({
            %run_scoped3A = tpu.sem_alloc : memref<!tpu.dma_semaphore, #tpu.memory_space<semaphore_mem>>
            %dma_start3A = arith.constant 0 : i32
            %dma_start3A_39 = arith.constant 0 : i32
            %dma_start3A_40 = tpu.memref_slice %arg5[%dma_start3A, %dma_start3A_39] : memref<32x1029xf32, #tpu.memory_space<vmem>> -> memref<8x1029xf32, #tpu.memory_space<vmem>>
            %dma_start3A_41 = arith.constant 0 : i32
            %dma_start3A_42 = tpu.memref_slice %arg3[%mul3A_38, %dma_start3A_41] : memref<5000x1029xf32, #tpu.memory_space<hbm>> -> memref<8x1029xf32, #tpu.memory_space<hbm>>
            %dma_start3A_43 = arith.constant 0 : i32
            %dma_start3A_44 = tpu.memref_slice %arg3[%mul3A_38, %dma_start3A_43] : memref<5000x1029xf32, #tpu.memory_space<hbm>> -> memref<8x1029xf32, #tpu.memory_space<hbm>>
            %dma_start3A_45 = arith.constant 0 : i32
            %dma_start3A_46 = arith.constant 0 : i32
            %dma_start3A_47 = tpu.memref_slice %arg5[%dma_start3A_45, %dma_start3A_46] : memref<32x1029xf32, #tpu.memory_space<vmem>> -> memref<8x1029xf32, #tpu.memory_space<vmem>>
            tpu.enqueue_dma source(%dma_start3A_47 : memref<8x1029xf32, #tpu.memory_space<vmem>>) target(%dma_start3A_44 : memref<8x1029xf32, #tpu.memory_space<hbm>>) target_semaphore(%run_scoped3A : memref<!tpu.dma_semaphore, #tpu.memory_space<semaphore_mem>>)
            %dma_wait3A = arith.constant 0 : i32
            %dma_wait3A_48 = arith.constant 0 : i32
            %dma_wait3A_49 = tpu.memref_slice %arg5[%dma_wait3A, %dma_wait3A_48] : memref<32x1029xf32, #tpu.memory_space<vmem>> -> memref<8x1029xf32, #tpu.memory_space<vmem>>
            %dma_wait3A_50 = arith.constant 0 : i32
            %dma_wait3A_51 = tpu.memref_slice %arg3[%mul3A_38, %dma_wait3A_50] : memref<5000x1029xf32, #tpu.memory_space<hbm>> -> memref<8x1029xf32, #tpu.memory_space<hbm>>
            %dma_wait3A_52 = arith.constant 0 : i32
            %dma_wait3A_53 = tpu.memref_slice %arg3[%mul3A_38, %dma_wait3A_52] : memref<5000x1029xf32, #tpu.memory_space<hbm>> -> memref<8x1029xf32, #tpu.memory_space<hbm>>
            %dma_wait3A_54 = arith.constant 0 : i32
            %dma_wait3A_55 = arith.constant 0 : i32
            %dma_wait3A_56 = tpu.memref_slice %arg5[%dma_wait3A_54, %dma_wait3A_55] : memref<32x1029xf32, #tpu.memory_space<vmem>> -> memref<8x1029xf32, #tpu.memory_space<vmem>>
            tpu.wait_dma2 semaphore(%run_scoped3A : memref<!tpu.dma_semaphore, #tpu.memory_space<semaphore_mem>>) src(%dma_wait3A_56 : memref<8x1029xf32, #tpu.memory_space<vmem>>) dst(%dma_wait3A_53 : memref<8x1029xf32, #tpu.memory_space<hbm>>)
            tpu.yield
          }) : () -> ()
        } else {
        }
      } else {
      }
    }
    %scan3A_5 = arith.constant 5 : i32
    return
  }
}

#map = affine_map<(d0, d1) -> (0)>
#map1 = affine_map<(d0, d1) -> (0, 0)>
module attributes {stable_mosaic.version = 14 : i64} {
  func.func @_pool_sc_kernel(%arg0: i32, %arg1: i32, %arg2: memref<10090080xf32, #tpu.memory_space<hbm>>, %arg3: memref<7x5120xi32, #tpu.memory_space<hbm>>, %arg4: memref<7x5120xi32, #tpu.memory_space<hbm>>, %arg5: memref<5120xi32, #tpu.memory_space<hbm>>, %arg6: memref<5519360xf32, #tpu.memory_space<hbm>>, %arg7: memref<102960xf32, #tpu.memory_space<vmem>>, %arg8: memref<5120xi32, #tpu.memory_space<vmem>>, %arg9: memref<5120xi32, #tpu.memory_space<vmem>>, %arg10: memref<5120xi32, #tpu.memory_space<vmem>>, %arg11: memref<2816xf32, #tpu.memory_space<vmem>>, %arg12: memref<!tpu.dma_semaphore, #tpu.memory_space<semaphore_mem>>) attributes {dimension_semantics = [#tpu.dimension_semantics<core_parallel>, #tpu.dimension_semantics<subcore_parallel>], iteration_bounds = array<i64: 2, 16>, scalar_prefetch = 0 : i64, scratch_operands = 6 : i64, tpu.core_type = #tpu.core_type<sc_vector_subcore>, window_params = [{transform_indices = #map}, {transform_indices = #map1}, {transform_indices = #map1}, {transform_indices = #map}, {transform_indices = #map}]} {
    %mul3A = arith.constant 2 : i32
    %mul3A_0 = arith.muli %arg1, %mul3A : i32
    %add3A = arith.addi %mul3A_0, %arg0 : i32
    %iota3A = tpu.iota {dimensions = array<i32: 0>} : vector<16xi32>
    %mul3A_1 = arith.constant 11 : i32
    %mul3A_2 = vector.broadcast %mul3A_1 : i32 to vector<16xi32>
    %mul3A_3 = arith.muli %iota3A, %mul3A_2 : vector<16xi32>
    "tpu.region"() ({
      %run_scoped3A = tpu.sem_alloc : memref<!tpu.dma_semaphore, #tpu.memory_space<semaphore_mem>>
      tpu.enqueue_dma source(%arg5 : memref<5120xi32, #tpu.memory_space<hbm>>) target(%arg10 : memref<5120xi32, #tpu.memory_space<vmem>>) target_semaphore(%run_scoped3A : memref<!tpu.dma_semaphore, #tpu.memory_space<semaphore_mem>>)
      tpu.wait_dma2 semaphore(%run_scoped3A : memref<!tpu.dma_semaphore, #tpu.memory_space<semaphore_mem>>) src(%arg5 : memref<5120xi32, #tpu.memory_space<hbm>>) dst(%arg10 : memref<5120xi32, #tpu.memory_space<vmem>>)
      tpu.yield
    }) : () -> ()
    %scan3A = arith.constant 0 : i32
    %scan3A_4 = arith.constant 0 : i32
    %scan3A_5 = arith.constant 4 : i32
    %scan3A_6 = arith.addi %scan3A_4, %scan3A_5 : i32
    %scan3A_7 = arith.constant 1 : i32
    scf.for %scan3A_9 = %scan3A_4 to %scan3A_6 step %scan3A_7  : i32 {
      %mul3A_10 = arith.constant 32 : i32
      %mul3A_11 = arith.muli %scan3A_9, %mul3A_10 : i32
      %add3A_12 = arith.addi %add3A, %mul3A_11 : i32
      %lt3A = arith.constant 98 : i32
      %lt3A_13 = arith.cmpi slt, %add3A_12, %lt3A : i32
      %convert_element_type3A = arith.extui %lt3A_13 : i1 to i32
      %cond3A = arith.constant 0 : i32
      %cond3A_14 = arith.cmpi ne, %convert_element_type3A, %cond3A : i32
      scf.if %cond3A_14 {
        %jit3A = arith.constant 2 : i32
        %div3A = arith.divsi %add3A_12, %jit3A : i32
        %sign3A = arith.constant 0 : i32
        %sign3A_15 = arith.cmpi sgt, %add3A_12, %sign3A : i32
        %sign3A_16 = arith.extui %sign3A_15 : i1 to i32
        %sign3A_17 = arith.constant 0 : i32
        %sign3A_18 = arith.cmpi slt, %add3A_12, %sign3A_17 : i32
        %sign3A_19 = arith.extui %sign3A_18 : i1 to i32
        %sign3A_20 = arith.subi %sign3A_16, %sign3A_19 : i32
        %sign3A_21 = arith.constant 0 : i32
        %sign3A_22 = arith.cmpi sgt, %jit3A, %sign3A_21 : i32
        %sign3A_23 = arith.extui %sign3A_22 : i1 to i32
        %sign3A_24 = arith.constant 0 : i32
        %sign3A_25 = arith.cmpi slt, %jit3A, %sign3A_24 : i32
        %sign3A_26 = arith.extui %sign3A_25 : i1 to i32
        %sign3A_27 = arith.subi %sign3A_23, %sign3A_26 : i32
        %ne3A = arith.cmpi ne, %sign3A_20, %sign3A_27 : i32
        %rem3A = arith.remsi %add3A_12, %jit3A : i32
        %ne3A_28 = arith.constant 0 : i32
        %ne3A_29 = arith.cmpi ne, %rem3A, %ne3A_28 : i32
        %and3A = arith.andi %ne3A, %ne3A_29 : i1
        %sub3A = arith.constant 1 : i32
        %sub3A_30 = arith.subi %div3A, %sub3A : i32
        %select_n3A = arith.select %and3A, %sub3A_30, %div3A : i32
        %mul3A_31 = arith.constant 2 : i32
        %mul3A_32 = arith.muli %select_n3A, %mul3A_31 : i32
        %sub3A_33 = arith.subi %add3A_12, %mul3A_32 : i32
        %jit3A_34 = arith.constant 7 : i32
        %div3A_35 = arith.divsi %select_n3A, %jit3A_34 : i32
        %sign3A_36 = arith.constant 0 : i32
        %sign3A_37 = arith.cmpi sgt, %select_n3A, %sign3A_36 : i32
        %sign3A_38 = arith.extui %sign3A_37 : i1 to i32
        %sign3A_39 = arith.constant 0 : i32
        %sign3A_40 = arith.cmpi slt, %select_n3A, %sign3A_39 : i32
        %sign3A_41 = arith.extui %sign3A_40 : i1 to i32
        %sign3A_42 = arith.subi %sign3A_38, %sign3A_41 : i32
        %sign3A_43 = arith.constant 0 : i32
        %sign3A_44 = arith.cmpi sgt, %jit3A_34, %sign3A_43 : i32
        %sign3A_45 = arith.extui %sign3A_44 : i1 to i32
        %sign3A_46 = arith.constant 0 : i32
        %sign3A_47 = arith.cmpi slt, %jit3A_34, %sign3A_46 : i32
        %sign3A_48 = arith.extui %sign3A_47 : i1 to i32
        %sign3A_49 = arith.subi %sign3A_45, %sign3A_48 : i32
        %ne3A_50 = arith.cmpi ne, %sign3A_42, %sign3A_49 : i32
        %rem3A_51 = arith.remsi %select_n3A, %jit3A_34 : i32
        %ne3A_52 = arith.constant 0 : i32
        %ne3A_53 = arith.cmpi ne, %rem3A_51, %ne3A_52 : i32
        %and3A_54 = arith.andi %ne3A_50, %ne3A_53 : i1
        %sub3A_55 = arith.constant 1 : i32
        %sub3A_56 = arith.subi %div3A_35, %sub3A_55 : i32
        %select_n3A_57 = arith.select %and3A_54, %sub3A_56, %div3A_35 : i32
        %mul3A_58 = arith.constant 7 : i32
        %mul3A_59 = arith.muli %select_n3A_57, %mul3A_58 : i32
        %sub3A_60 = arith.subi %select_n3A, %mul3A_59 : i32
        %mul3A_61 = arith.constant 51480 : i32
        %mul3A_62 = arith.muli %sub3A_33, %mul3A_61 : i32
        %add3A_63 = arith.constant 0 : i32
        %add3A_64 = arith.addi %add3A_63, %select_n3A : i32
        %mul3A_65 = arith.constant 102960 : i32
        %mul3A_66 = arith.muli %add3A_64, %mul3A_65 : i32
        %add3A_67 = arith.addi %mul3A_66, %mul3A_62 : i32
        "tpu.region"() ({
          %run_scoped3A = tpu.sem_alloc : memref<!tpu.dma_semaphore, #tpu.memory_space<semaphore_mem>>
          %dma_start3A = arith.constant 0 : i32
          %dma_start3A_84 = tpu.memref_slice %arg7[%dma_start3A] : memref<102960xf32, #tpu.memory_space<vmem>> -> memref<51480xf32, #tpu.memory_space<vmem>>
          %dma_start3A_85 = tpu.memref_slice %arg2[%add3A_67] : memref<10090080xf32, #tpu.memory_space<hbm>> -> memref<51480xf32, #tpu.memory_space<hbm>>
          %dma_start3A_86 = arith.constant 0 : i32
          %dma_start3A_87 = tpu.memref_slice %arg7[%dma_start3A_86] : memref<102960xf32, #tpu.memory_space<vmem>> -> memref<51480xf32, #tpu.memory_space<vmem>>
          %dma_start3A_88 = tpu.memref_slice %arg2[%add3A_67] : memref<10090080xf32, #tpu.memory_space<hbm>> -> memref<51480xf32, #tpu.memory_space<hbm>>
          tpu.enqueue_dma source(%dma_start3A_88 : memref<51480xf32, #tpu.memory_space<hbm>>) target(%dma_start3A_87 : memref<51480xf32, #tpu.memory_space<vmem>>) target_semaphore(%run_scoped3A : memref<!tpu.dma_semaphore, #tpu.memory_space<semaphore_mem>>)
          %dma_wait3A = arith.constant 0 : i32
          %dma_wait3A_89 = tpu.memref_slice %arg7[%dma_wait3A] : memref<102960xf32, #tpu.memory_space<vmem>> -> memref<51480xf32, #tpu.memory_space<vmem>>
          %dma_wait3A_90 = tpu.memref_slice %arg2[%add3A_67] : memref<10090080xf32, #tpu.memory_space<hbm>> -> memref<51480xf32, #tpu.memory_space<hbm>>
          %dma_wait3A_91 = arith.constant 0 : i32
          %dma_wait3A_92 = tpu.memref_slice %arg7[%dma_wait3A_91] : memref<102960xf32, #tpu.memory_space<vmem>> -> memref<51480xf32, #tpu.memory_space<vmem>>
          %dma_wait3A_93 = tpu.memref_slice %arg2[%add3A_67] : memref<10090080xf32, #tpu.memory_space<hbm>> -> memref<51480xf32, #tpu.memory_space<hbm>>
          tpu.wait_dma2 semaphore(%run_scoped3A : memref<!tpu.dma_semaphore, #tpu.memory_space<semaphore_mem>>) src(%dma_wait3A_93 : memref<51480xf32, #tpu.memory_space<hbm>>) dst(%dma_wait3A_92 : memref<51480xf32, #tpu.memory_space<vmem>>)
          tpu.yield
        }) : () -> ()
        %add3A_68 = arith.constant 49 : i32
        %add3A_69 = arith.addi %add3A_68, %select_n3A : i32
        %mul3A_70 = arith.constant 102960 : i32
        %mul3A_71 = arith.muli %add3A_69, %mul3A_70 : i32
        %add3A_72 = arith.addi %mul3A_71, %mul3A_62 : i32
        "tpu.region"() ({
          %run_scoped3A = tpu.sem_alloc : memref<!tpu.dma_semaphore, #tpu.memory_space<semaphore_mem>>
          %dma_start3A = arith.constant 51480 : i32
          %dma_start3A_84 = tpu.memref_slice %arg7[%dma_start3A] : memref<102960xf32, #tpu.memory_space<vmem>> -> memref<51480xf32, #tpu.memory_space<vmem>>
          %dma_start3A_85 = tpu.memref_slice %arg2[%add3A_72] : memref<10090080xf32, #tpu.memory_space<hbm>> -> memref<51480xf32, #tpu.memory_space<hbm>>
          %dma_start3A_86 = arith.constant 51480 : i32
          %dma_start3A_87 = tpu.memref_slice %arg7[%dma_start3A_86] : memref<102960xf32, #tpu.memory_space<vmem>> -> memref<51480xf32, #tpu.memory_space<vmem>>
          %dma_start3A_88 = tpu.memref_slice %arg2[%add3A_72] : memref<10090080xf32, #tpu.memory_space<hbm>> -> memref<51480xf32, #tpu.memory_space<hbm>>
          tpu.enqueue_dma source(%dma_start3A_88 : memref<51480xf32, #tpu.memory_space<hbm>>) target(%dma_start3A_87 : memref<51480xf32, #tpu.memory_space<vmem>>) target_semaphore(%run_scoped3A : memref<!tpu.dma_semaphore, #tpu.memory_space<semaphore_mem>>)
          %dma_wait3A = arith.constant 51480 : i32
          %dma_wait3A_89 = tpu.memref_slice %arg7[%dma_wait3A] : memref<102960xf32, #tpu.memory_space<vmem>> -> memref<51480xf32, #tpu.memory_space<vmem>>
          %dma_wait3A_90 = tpu.memref_slice %arg2[%add3A_72] : memref<10090080xf32, #tpu.memory_space<hbm>> -> memref<51480xf32, #tpu.memory_space<hbm>>
          %dma_wait3A_91 = arith.constant 51480 : i32
          %dma_wait3A_92 = tpu.memref_slice %arg7[%dma_wait3A_91] : memref<102960xf32, #tpu.memory_space<vmem>> -> memref<51480xf32, #tpu.memory_space<vmem>>
          %dma_wait3A_93 = tpu.memref_slice %arg2[%add3A_72] : memref<10090080xf32, #tpu.memory_space<hbm>> -> memref<51480xf32, #tpu.memory_space<hbm>>
          tpu.wait_dma2 semaphore(%run_scoped3A : memref<!tpu.dma_semaphore, #tpu.memory_space<semaphore_mem>>) src(%dma_wait3A_93 : memref<51480xf32, #tpu.memory_space<hbm>>) dst(%dma_wait3A_92 : memref<51480xf32, #tpu.memory_space<vmem>>)
          tpu.yield
        }) : () -> ()
        "tpu.region"() ({
          %run_scoped3A = tpu.sem_alloc : memref<!tpu.dma_semaphore, #tpu.memory_space<semaphore_mem>>
          %dma_start3A = arith.constant 0 : i32
          %dma_start3A_84 = tpu.memref_slice %arg3[%select_n3A_57, %dma_start3A] : memref<7x5120xi32, #tpu.memory_space<hbm>> -> memref<1x5120xi32, #tpu.memory_space<hbm>>
          %dma_start3A_85 = tpu.memref_squeeze %dma_start3A_84 : memref<1x5120xi32, #tpu.memory_space<hbm>> -> memref<5120xi32, #tpu.memory_space<hbm>>
          %dma_start3A_86 = arith.constant 0 : i32
          %dma_start3A_87 = tpu.memref_slice %arg3[%select_n3A_57, %dma_start3A_86] : memref<7x5120xi32, #tpu.memory_space<hbm>> -> memref<1x5120xi32, #tpu.memory_space<hbm>>
          %dma_start3A_88 = tpu.memref_squeeze %dma_start3A_87 : memref<1x5120xi32, #tpu.memory_space<hbm>> -> memref<5120xi32, #tpu.memory_space<hbm>>
          tpu.enqueue_dma source(%dma_start3A_88 : memref<5120xi32, #tpu.memory_space<hbm>>) target(%arg8 : memref<5120xi32, #tpu.memory_space<vmem>>) target_semaphore(%run_scoped3A : memref<!tpu.dma_semaphore, #tpu.memory_space<semaphore_mem>>)
          %dma_wait3A = arith.constant 0 : i32
          %dma_wait3A_89 = tpu.memref_slice %arg3[%select_n3A_57, %dma_wait3A] : memref<7x5120xi32, #tpu.memory_space<hbm>> -> memref<1x5120xi32, #tpu.memory_space<hbm>>
          %dma_wait3A_90 = tpu.memref_squeeze %dma_wait3A_89 : memref<1x5120xi32, #tpu.memory_space<hbm>> -> memref<5120xi32, #tpu.memory_space<hbm>>
          %dma_wait3A_91 = arith.constant 0 : i32
          %dma_wait3A_92 = tpu.memref_slice %arg3[%select_n3A_57, %dma_wait3A_91] : memref<7x5120xi32, #tpu.memory_space<hbm>> -> memref<1x5120xi32, #tpu.memory_space<hbm>>
          %dma_wait3A_93 = tpu.memref_squeeze %dma_wait3A_92 : memref<1x5120xi32, #tpu.memory_space<hbm>> -> memref<5120xi32, #tpu.memory_space<hbm>>
          tpu.wait_dma2 semaphore(%run_scoped3A : memref<!tpu.dma_semaphore, #tpu.memory_space<semaphore_mem>>) src(%dma_wait3A_93 : memref<5120xi32, #tpu.memory_space<hbm>>) dst(%arg8 : memref<5120xi32, #tpu.memory_space<vmem>>)
          tpu.yield
        }) : () -> ()
        "tpu.region"() ({
          %run_scoped3A = tpu.sem_alloc : memref<!tpu.dma_semaphore, #tpu.memory_space<semaphore_mem>>
          %dma_start3A = arith.constant 0 : i32
          %dma_start3A_84 = tpu.memref_slice %arg4[%sub3A_60, %dma_start3A] : memref<7x5120xi32, #tpu.memory_space<hbm>> -> memref<1x5120xi32, #tpu.memory_space<hbm>>
          %dma_start3A_85 = tpu.memref_squeeze %dma_start3A_84 : memref<1x5120xi32, #tpu.memory_space<hbm>> -> memref<5120xi32, #tpu.memory_space<hbm>>
          %dma_start3A_86 = arith.constant 0 : i32
          %dma_start3A_87 = tpu.memref_slice %arg4[%sub3A_60, %dma_start3A_86] : memref<7x5120xi32, #tpu.memory_space<hbm>> -> memref<1x5120xi32, #tpu.memory_space<hbm>>
          %dma_start3A_88 = tpu.memref_squeeze %dma_start3A_87 : memref<1x5120xi32, #tpu.memory_space<hbm>> -> memref<5120xi32, #tpu.memory_space<hbm>>
          tpu.enqueue_dma source(%dma_start3A_88 : memref<5120xi32, #tpu.memory_space<hbm>>) target(%arg9 : memref<5120xi32, #tpu.memory_space<vmem>>) target_semaphore(%run_scoped3A : memref<!tpu.dma_semaphore, #tpu.memory_space<semaphore_mem>>)
          %dma_wait3A = arith.constant 0 : i32
          %dma_wait3A_89 = tpu.memref_slice %arg4[%sub3A_60, %dma_wait3A] : memref<7x5120xi32, #tpu.memory_space<hbm>> -> memref<1x5120xi32, #tpu.memory_space<hbm>>
          %dma_wait3A_90 = tpu.memref_squeeze %dma_wait3A_89 : memref<1x5120xi32, #tpu.memory_space<hbm>> -> memref<5120xi32, #tpu.memory_space<hbm>>
          %dma_wait3A_91 = arith.constant 0 : i32
          %dma_wait3A_92 = tpu.memref_slice %arg4[%sub3A_60, %dma_wait3A_91] : memref<7x5120xi32, #tpu.memory_space<hbm>> -> memref<1x5120xi32, #tpu.memory_space<hbm>>
          %dma_wait3A_93 = tpu.memref_squeeze %dma_wait3A_92 : memref<1x5120xi32, #tpu.memory_space<hbm>> -> memref<5120xi32, #tpu.memory_space<hbm>>
          tpu.wait_dma2 semaphore(%run_scoped3A : memref<!tpu.dma_semaphore, #tpu.memory_space<semaphore_mem>>) src(%dma_wait3A_93 : memref<5120xi32, #tpu.memory_space<hbm>>) dst(%arg9 : memref<5120xi32, #tpu.memory_space<vmem>>)
          tpu.yield
        }) : () -> ()
        %mul3A_73 = arith.constant 704 : i32
        %mul3A_74 = arith.muli %select_n3A, %mul3A_73 : i32
        %mul3A_75 = arith.constant 352 : i32
        %mul3A_76 = arith.muli %sub3A_33, %mul3A_75 : i32
        %add3A_77 = arith.addi %mul3A_74, %mul3A_76 : i32
        %scan3A_78 = arith.constant 0 : i32
        %scan3A_79 = arith.constant 0 : i32
        %scan3A_80 = arith.constant 20 : i32
        %scan3A_81 = arith.addi %scan3A_79, %scan3A_80 : i32
        %scan3A_82 = arith.constant 1 : i32
        scf.for %scan3A_84 = %scan3A_79 to %scan3A_81 step %scan3A_82  : i32 {
          %parallel_loop3A = arith.constant 0 : i32
          %parallel_loop3A_85 = arith.constant 16 : i32
          %parallel_loop3A_86 = arith.constant 1 : i32
          scf.for %parallel_loop3A_237 = %parallel_loop3A to %parallel_loop3A_85 step %parallel_loop3A_86  : i32 {
            %parallel_loop3A_238 = arith.constant 16 : i32
            %parallel_loop3A_239 = arith.muli %scan3A_84, %parallel_loop3A_238 : i32
            %parallel_loop3A_240 = arith.addi %parallel_loop3A_239, %parallel_loop3A_237 : i32
            %parallel_loop3A_241 = arith.constant 16 : i32
            %parallel_loop3A_242 = arith.muli %parallel_loop3A_240, %parallel_loop3A_241 : i32
            %parallel_loop3A_243 = arith.index_cast %parallel_loop3A_242 : i32 to index
            %parallel_loop3A_244 = tpu.vector_load %arg8[%parallel_loop3A_243] {strides = array<i32>} : memref<5120xi32, #tpu.memory_space<vmem>>, vector<16xi32>,
            %parallel_loop3A_245 = arith.index_cast %parallel_loop3A_242 : i32 to index
            %parallel_loop3A_246 = tpu.vector_load %arg9[%parallel_loop3A_245] {strides = array<i32>} : memref<5120xi32, #tpu.memory_space<vmem>>, vector<16xi32>,
            %parallel_loop3A_247 = arith.index_cast %parallel_loop3A_242 : i32 to index
            %parallel_loop3A_248 = tpu.vector_load %arg10[%parallel_loop3A_247] {strides = array<i32>} : memref<5120xi32, #tpu.memory_space<vmem>>, vector<16xi32>,
            %parallel_loop3A_249 = arith.constant 65535 : i32
            %parallel_loop3A_250 = vector.broadcast %parallel_loop3A_249 : i32 to vector<16xi32>
            %parallel_loop3A_251 = arith.andi %parallel_loop3A_244, %parallel_loop3A_250 : vector<16xi32>
            %parallel_loop3A_252 = arith.constant 16 : i32
            %parallel_loop3A_253 = vector.broadcast %parallel_loop3A_252 : i32 to vector<16xi32>
            %parallel_loop3A_254 = arith.shrsi %parallel_loop3A_244, %parallel_loop3A_253 : vector<16xi32>
            %parallel_loop3A_255 = arith.constant 65535 : i32
            %parallel_loop3A_256 = vector.broadcast %parallel_loop3A_255 : i32 to vector<16xi32>
            %parallel_loop3A_257 = arith.andi %parallel_loop3A_246, %parallel_loop3A_256 : vector<16xi32>
            %parallel_loop3A_258 = arith.constant 16 : i32
            %parallel_loop3A_259 = vector.broadcast %parallel_loop3A_258 : i32 to vector<16xi32>
            %parallel_loop3A_260 = arith.shrsi %parallel_loop3A_246, %parallel_loop3A_259 : vector<16xi32>
            %parallel_loop3A_261 = arith.subi %parallel_loop3A_254, %parallel_loop3A_251 : vector<16xi32>
            %parallel_loop3A_262 = arith.subi %parallel_loop3A_260, %parallel_loop3A_257 : vector<16xi32>
            %parallel_loop3A_263 = arith.muli %parallel_loop3A_261, %parallel_loop3A_262 : vector<16xi32>
            %parallel_loop3A_264 = arith.sitofp %parallel_loop3A_263 : vector<16xi32> to vector<16xf32>
            %parallel_loop3A_265 = arith.cmpi sle, %parallel_loop3A_254, %parallel_loop3A_251 : vector<16xi32>
            %parallel_loop3A_266 = arith.cmpi sle, %parallel_loop3A_260, %parallel_loop3A_257 : vector<16xi32>
            %parallel_loop3A_267 = arith.ori %parallel_loop3A_265, %parallel_loop3A_266 : vector<16xi1>
            %parallel_loop3A_268 = arith.constant 1.000000e+00 : f32
            %parallel_loop3A_269 = vector.broadcast %parallel_loop3A_268 : f32 to vector<16xf32>
            %parallel_loop3A_270 = arith.maximumf %parallel_loop3A_264, %parallel_loop3A_269 : vector<16xf32>
            %parallel_loop3A_271 = arith.constant 1.000000e+00 : f32
            %parallel_loop3A_272 = vector.broadcast %parallel_loop3A_271 : f32 to vector<16xf32>
            %parallel_loop3A_273 = arith.divf %parallel_loop3A_272, %parallel_loop3A_270 : vector<16xf32>
            %parallel_loop3A_274 = arith.constant 0.000000e+00 : f32
            %parallel_loop3A_275 = vector.broadcast %parallel_loop3A_274 : f32 to vector<16xf32>
            %parallel_loop3A_276 = arith.select %parallel_loop3A_267, %parallel_loop3A_275, %parallel_loop3A_273 : vector<16xi1>, vector<16xf32>
            %parallel_loop3A_277 = arith.constant 51480 : i32
            %parallel_loop3A_278 = vector.broadcast %parallel_loop3A_277 : i32 to vector<16xi32>
            %parallel_loop3A_279 = arith.muli %parallel_loop3A_248, %parallel_loop3A_278 : vector<16xi32>
            %parallel_loop3A_280 = arith.constant 72 : i32
            %parallel_loop3A_281 = vector.broadcast %parallel_loop3A_280 : i32 to vector<16xi32>
            %parallel_loop3A_282 = arith.muli %parallel_loop3A_251, %parallel_loop3A_281 : vector<16xi32>
            %parallel_loop3A_283 = arith.addi %parallel_loop3A_282, %parallel_loop3A_279 : vector<16xi32>
            %parallel_loop3A_284 = arith.constant 72 : i32
            %parallel_loop3A_285 = vector.broadcast %parallel_loop3A_284 : i32 to vector<16xi32>
            %parallel_loop3A_286 = arith.muli %parallel_loop3A_254, %parallel_loop3A_285 : vector<16xi32>
            %parallel_loop3A_287 = arith.addi %parallel_loop3A_286, %parallel_loop3A_279 : vector<16xi32>
            %parallel_loop3A_288 = arith.addi %parallel_loop3A_287, %parallel_loop3A_260 : vector<16xi32>
            %parallel_loop3A_289 = arith.addi %parallel_loop3A_283, %parallel_loop3A_260 : vector<16xi32>
            %parallel_loop3A_290 = arith.addi %parallel_loop3A_287, %parallel_loop3A_257 : vector<16xi32>
            %parallel_loop3A_291 = arith.addi %parallel_loop3A_283, %parallel_loop3A_257 : vector<16xi32>
            %parallel_loop3A_292 = arith.constant 176 : i32
            %parallel_loop3A_293 = arith.muli %parallel_loop3A_237, %parallel_loop3A_292 : i32
            %parallel_loop3A_294 = vector.broadcast %parallel_loop3A_293 : i32 to vector<16xi32>
            %parallel_loop3A_295 = arith.addi %parallel_loop3A_294, %mul3A_3 : vector<16xi32>
            %parallel_loop3A_296 = arith.constant 0 : i32
            %parallel_loop3A_297 = tpu.memref_slice %arg7[%parallel_loop3A_296] : memref<102960xf32, #tpu.memory_space<vmem>> -> memref<102960xf32, #tpu.memory_space<vmem>>
            %parallel_loop3A_298 = tpu.vector_load_idx %parallel_loop3A_297[%parallel_loop3A_288] : memref<102960xf32, #tpu.memory_space<vmem>>[vector<16xi32>], vector<16xf32>,
            %parallel_loop3A_299 = arith.constant 0 : i32
            %parallel_loop3A_300 = tpu.memref_slice %arg7[%parallel_loop3A_299] : memref<102960xf32, #tpu.memory_space<vmem>> -> memref<102960xf32, #tpu.memory_space<vmem>>
            %parallel_loop3A_301 = tpu.vector_load_idx %parallel_loop3A_300[%parallel_loop3A_289] : memref<102960xf32, #tpu.memory_space<vmem>>[vector<16xi32>], vector<16xf32>,
            %parallel_loop3A_302 = arith.constant 0 : i32
            %parallel_loop3A_303 = tpu.memref_slice %arg7[%parallel_loop3A_302] : memref<102960xf32, #tpu.memory_space<vmem>> -> memref<102960xf32, #tpu.memory_space<vmem>>
            %parallel_loop3A_304 = tpu.vector_load_idx %parallel_loop3A_303[%parallel_loop3A_290] : memref<102960xf32, #tpu.memory_space<vmem>>[vector<16xi32>], vector<16xf32>,
            %parallel_loop3A_305 = arith.constant 0 : i32
            %parallel_loop3A_306 = tpu.memref_slice %arg7[%parallel_loop3A_305] : memref<102960xf32, #tpu.memory_space<vmem>> -> memref<102960xf32, #tpu.memory_space<vmem>>
            %parallel_loop3A_307 = tpu.vector_load_idx %parallel_loop3A_306[%parallel_loop3A_291] : memref<102960xf32, #tpu.memory_space<vmem>>[vector<16xi32>], vector<16xf32>,
            %parallel_loop3A_308 = arith.subf %parallel_loop3A_298, %parallel_loop3A_301 : vector<16xf32>
            %parallel_loop3A_309 = arith.subf %parallel_loop3A_308, %parallel_loop3A_304 : vector<16xf32>
            %parallel_loop3A_310 = arith.addf %parallel_loop3A_309, %parallel_loop3A_307 : vector<16xf32>
            %parallel_loop3A_311 = arith.mulf %parallel_loop3A_310, %parallel_loop3A_276 : vector<16xf32>
            %parallel_loop3A_312 = arith.constant 0 : i32
            %parallel_loop3A_313 = vector.broadcast %parallel_loop3A_312 : i32 to vector<16xi32>
            %parallel_loop3A_314 = arith.addi %parallel_loop3A_295, %parallel_loop3A_313 : vector<16xi32>
            tpu.vector_store_idx %arg11[%parallel_loop3A_314], %parallel_loop3A_311 : memref<2816xf32, #tpu.memory_space<vmem>>[vector<16xi32>], vector<16xf32>,
            %parallel_loop3A_315 = arith.constant 4680 : i32
            %parallel_loop3A_316 = tpu.memref_slice %arg7[%parallel_loop3A_315] : memref<102960xf32, #tpu.memory_space<vmem>> -> memref<98280xf32, #tpu.memory_space<vmem>>
            %parallel_loop3A_317 = tpu.vector_load_idx %parallel_loop3A_316[%parallel_loop3A_288] : memref<98280xf32, #tpu.memory_space<vmem>>[vector<16xi32>], vector<16xf32>,
            %parallel_loop3A_318 = arith.constant 4680 : i32
            %parallel_loop3A_319 = tpu.memref_slice %arg7[%parallel_loop3A_318] : memref<102960xf32, #tpu.memory_space<vmem>> -> memref<98280xf32, #tpu.memory_space<vmem>>
            %parallel_loop3A_320 = tpu.vector_load_idx %parallel_loop3A_319[%parallel_loop3A_289] : memref<98280xf32, #tpu.memory_space<vmem>>[vector<16xi32>], vector<16xf32>,
            %parallel_loop3A_321 = arith.constant 4680 : i32
            %parallel_loop3A_322 = tpu.memref_slice %arg7[%parallel_loop3A_321] : memref<102960xf32, #tpu.memory_space<vmem>> -> memref<98280xf32, #tpu.memory_space<vmem>>
            %parallel_loop3A_323 = tpu.vector_load_idx %parallel_loop3A_322[%parallel_loop3A_290] : memref<98280xf32, #tpu.memory_space<vmem>>[vector<16xi32>], vector<16xf32>,
            %parallel_loop3A_324 = arith.constant 4680 : i32
            %parallel_loop3A_325 = tpu.memref_slice %arg7[%parallel_loop3A_324] : memref<102960xf32, #tpu.memory_space<vmem>> -> memref<98280xf32, #tpu.memory_space<vmem>>
            %parallel_loop3A_326 = tpu.vector_load_idx %parallel_loop3A_325[%parallel_loop3A_291] : memref<98280xf32, #tpu.memory_space<vmem>>[vector<16xi32>], vector<16xf32>,
            %parallel_loop3A_327 = arith.subf %parallel_loop3A_317, %parallel_loop3A_320 : vector<16xf32>
            %parallel_loop3A_328 = arith.subf %parallel_loop3A_327, %parallel_loop3A_323 : vector<16xf32>
            %parallel_loop3A_329 = arith.addf %parallel_loop3A_328, %parallel_loop3A_326 : vector<16xf32>
            %parallel_loop3A_330 = arith.mulf %parallel_loop3A_329, %parallel_loop3A_276 : vector<16xf32>
            %parallel_loop3A_331 = arith.constant 1 : i32
            %parallel_loop3A_332 = vector.broadcast %parallel_loop3A_331 : i32 to vector<16xi32>
            %parallel_loop3A_333 = arith.addi %parallel_loop3A_295, %parallel_loop3A_332 : vector<16xi32>
            tpu.vector_store_idx %arg11[%parallel_loop3A_333], %parallel_loop3A_330 : memref<2816xf32, #tpu.memory_space<vmem>>[vector<16xi32>], vector<16xf32>,
            %parallel_loop3A_334 = arith.constant 9360 : i32
            %parallel_loop3A_335 = tpu.memref_slice %arg7[%parallel_loop3A_334] : memref<102960xf32, #tpu.memory_space<vmem>> -> memref<93600xf32, #tpu.memory_space<vmem>>
            %parallel_loop3A_336 = tpu.vector_load_idx %parallel_loop3A_335[%parallel_loop3A_288] : memref<93600xf32, #tpu.memory_space<vmem>>[vector<16xi32>], vector<16xf32>,
            %parallel_loop3A_337 = arith.constant 9360 : i32
            %parallel_loop3A_338 = tpu.memref_slice %arg7[%parallel_loop3A_337] : memref<102960xf32, #tpu.memory_space<vmem>> -> memref<93600xf32, #tpu.memory_space<vmem>>
            %parallel_loop3A_339 = tpu.vector_load_idx %parallel_loop3A_338[%parallel_loop3A_289] : memref<93600xf32, #tpu.memory_space<vmem>>[vector<16xi32>], vector<16xf32>,
            %parallel_loop3A_340 = arith.constant 9360 : i32
            %parallel_loop3A_341 = tpu.memref_slice %arg7[%parallel_loop3A_340] : memref<102960xf32, #tpu.memory_space<vmem>> -> memref<93600xf32, #tpu.memory_space<vmem>>
            %parallel_loop3A_342 = tpu.vector_load_idx %parallel_loop3A_341[%parallel_loop3A_290] : memref<93600xf32, #tpu.memory_space<vmem>>[vector<16xi32>], vector<16xf32>,
            %parallel_loop3A_343 = arith.constant 9360 : i32
            %parallel_loop3A_344 = tpu.memref_slice %arg7[%parallel_loop3A_343] : memref<102960xf32, #tpu.memory_space<vmem>> -> memref<93600xf32, #tpu.memory_space<vmem>>
            %parallel_loop3A_345 = tpu.vector_load_idx %parallel_loop3A_344[%parallel_loop3A_291] : memref<93600xf32, #tpu.memory_space<vmem>>[vector<16xi32>], vector<16xf32>,
            %parallel_loop3A_346 = arith.subf %parallel_loop3A_336, %parallel_loop3A_339 : vector<16xf32>
            %parallel_loop3A_347 = arith.subf %parallel_loop3A_346, %parallel_loop3A_342 : vector<16xf32>
            %parallel_loop3A_348 = arith.addf %parallel_loop3A_347, %parallel_loop3A_345 : vector<16xf32>
            %parallel_loop3A_349 = arith.mulf %parallel_loop3A_348, %parallel_loop3A_276 : vector<16xf32>
            %parallel_loop3A_350 = arith.constant 2 : i32
            %parallel_loop3A_351 = vector.broadcast %parallel_loop3A_350 : i32 to vector<16xi32>
            %parallel_loop3A_352 = arith.addi %parallel_loop3A_295, %parallel_loop3A_351 : vector<16xi32>
            tpu.vector_store_idx %arg11[%parallel_loop3A_352], %parallel_loop3A_349 : memref<2816xf32, #tpu.memory_space<vmem>>[vector<16xi32>], vector<16xf32>,
            %parallel_loop3A_353 = arith.constant 14040 : i32
            %parallel_loop3A_354 = tpu.memref_slice %arg7[%parallel_loop3A_353] : memref<102960xf32, #tpu.memory_space<vmem>> -> memref<88920xf32, #tpu.memory_space<vmem>>
            %parallel_loop3A_355 = tpu.vector_load_idx %parallel_loop3A_354[%parallel_loop3A_288] : memref<88920xf32, #tpu.memory_space<vmem>>[vector<16xi32>], vector<16xf32>,
            %parallel_loop3A_356 = arith.constant 14040 : i32
            %parallel_loop3A_357 = tpu.memref_slice %arg7[%parallel_loop3A_356] : memref<102960xf32, #tpu.memory_space<vmem>> -> memref<88920xf32, #tpu.memory_space<vmem>>
            %parallel_loop3A_358 = tpu.vector_load_idx %parallel_loop3A_357[%parallel_loop3A_289] : memref<88920xf32, #tpu.memory_space<vmem>>[vector<16xi32>], vector<16xf32>,
            %parallel_loop3A_359 = arith.constant 14040 : i32
            %parallel_loop3A_360 = tpu.memref_slice %arg7[%parallel_loop3A_359] : memref<102960xf32, #tpu.memory_space<vmem>> -> memref<88920xf32, #tpu.memory_space<vmem>>
            %parallel_loop3A_361 = tpu.vector_load_idx %parallel_loop3A_360[%parallel_loop3A_290] : memref<88920xf32, #tpu.memory_space<vmem>>[vector<16xi32>], vector<16xf32>,
            %parallel_loop3A_362 = arith.constant 14040 : i32
            %parallel_loop3A_363 = tpu.memref_slice %arg7[%parallel_loop3A_362] : memref<102960xf32, #tpu.memory_space<vmem>> -> memref<88920xf32, #tpu.memory_space<vmem>>
            %parallel_loop3A_364 = tpu.vector_load_idx %parallel_loop3A_363[%parallel_loop3A_291] : memref<88920xf32, #tpu.memory_space<vmem>>[vector<16xi32>], vector<16xf32>,
            %parallel_loop3A_365 = arith.subf %parallel_loop3A_355, %parallel_loop3A_358 : vector<16xf32>
            %parallel_loop3A_366 = arith.subf %parallel_loop3A_365, %parallel_loop3A_361 : vector<16xf32>
            %parallel_loop3A_367 = arith.addf %parallel_loop3A_366, %parallel_loop3A_364 : vector<16xf32>
            %parallel_loop3A_368 = arith.mulf %parallel_loop3A_367, %parallel_loop3A_276 : vector<16xf32>
            %parallel_loop3A_369 = arith.constant 3 : i32
            %parallel_loop3A_370 = vector.broadcast %parallel_loop3A_369 : i32 to vector<16xi32>
            %parallel_loop3A_371 = arith.addi %parallel_loop3A_295, %parallel_loop3A_370 : vector<16xi32>
            tpu.vector_store_idx %arg11[%parallel_loop3A_371], %parallel_loop3A_368 : memref<2816xf32, #tpu.memory_space<vmem>>[vector<16xi32>], vector<16xf32>,
            %parallel_loop3A_372 = arith.constant 18720 : i32
            %parallel_loop3A_373 = tpu.memref_slice %arg7[%parallel_loop3A_372] : memref<102960xf32, #tpu.memory_space<vmem>> -> memref<84240xf32, #tpu.memory_space<vmem>>
            %parallel_loop3A_374 = tpu.vector_load_idx %parallel_loop3A_373[%parallel_loop3A_288] : memref<84240xf32, #tpu.memory_space<vmem>>[vector<16xi32>], vector<16xf32>,
            %parallel_loop3A_375 = arith.constant 18720 : i32
            %parallel_loop3A_376 = tpu.memref_slice %arg7[%parallel_loop3A_375] : memref<102960xf32, #tpu.memory_space<vmem>> -> memref<84240xf32, #tpu.memory_space<vmem>>
            %parallel_loop3A_377 = tpu.vector_load_idx %parallel_loop3A_376[%parallel_loop3A_289] : memref<84240xf32, #tpu.memory_space<vmem>>[vector<16xi32>], vector<16xf32>,
            %parallel_loop3A_378 = arith.constant 18720 : i32
            %parallel_loop3A_379 = tpu.memref_slice %arg7[%parallel_loop3A_378] : memref<102960xf32, #tpu.memory_space<vmem>> -> memref<84240xf32, #tpu.memory_space<vmem>>
            %parallel_loop3A_380 = tpu.vector_load_idx %parallel_loop3A_379[%parallel_loop3A_290] : memref<84240xf32, #tpu.memory_space<vmem>>[vector<16xi32>], vector<16xf32>,
            %parallel_loop3A_381 = arith.constant 18720 : i32
            %parallel_loop3A_382 = tpu.memref_slice %arg7[%parallel_loop3A_381] : memref<102960xf32, #tpu.memory_space<vmem>> -> memref<84240xf32, #tpu.memory_space<vmem>>
            %parallel_loop3A_383 = tpu.vector_load_idx %parallel_loop3A_382[%parallel_loop3A_291] : memref<84240xf32, #tpu.memory_space<vmem>>[vector<16xi32>], vector<16xf32>,
            %parallel_loop3A_384 = arith.subf %parallel_loop3A_374, %parallel_loop3A_377 : vector<16xf32>
            %parallel_loop3A_385 = arith.subf %parallel_loop3A_384, %parallel_loop3A_380 : vector<16xf32>
            %parallel_loop3A_386 = arith.addf %parallel_loop3A_385, %parallel_loop3A_383 : vector<16xf32>
            %parallel_loop3A_387 = arith.mulf %parallel_loop3A_386, %parallel_loop3A_276 : vector<16xf32>
            %parallel_loop3A_388 = arith.constant 4 : i32
            %parallel_loop3A_389 = vector.broadcast %parallel_loop3A_388 : i32 to vector<16xi32>
            %parallel_loop3A_390 = arith.addi %parallel_loop3A_295, %parallel_loop3A_389 : vector<16xi32>
            tpu.vector_store_idx %arg11[%parallel_loop3A_390], %parallel_loop3A_387 : memref<2816xf32, #tpu.memory_space<vmem>>[vector<16xi32>], vector<16xf32>,
            %parallel_loop3A_391 = arith.constant 23400 : i32
            %parallel_loop3A_392 = tpu.memref_slice %arg7[%parallel_loop3A_391] : memref<102960xf32, #tpu.memory_space<vmem>> -> memref<79560xf32, #tpu.memory_space<vmem>>
            %parallel_loop3A_393 = tpu.vector_load_idx %parallel_loop3A_392[%parallel_loop3A_288] : memref<79560xf32, #tpu.memory_space<vmem>>[vector<16xi32>], vector<16xf32>,
            %parallel_loop3A_394 = arith.constant 23400 : i32
            %parallel_loop3A_395 = tpu.memref_slice %arg7[%parallel_loop3A_394] : memref<102960xf32, #tpu.memory_space<vmem>> -> memref<79560xf32, #tpu.memory_space<vmem>>
            %parallel_loop3A_396 = tpu.vector_load_idx %parallel_loop3A_395[%parallel_loop3A_289] : memref<79560xf32, #tpu.memory_space<vmem>>[vector<16xi32>], vector<16xf32>,
            %parallel_loop3A_397 = arith.constant 23400 : i32
            %parallel_loop3A_398 = tpu.memref_slice %arg7[%parallel_loop3A_397] : memref<102960xf32, #tpu.memory_space<vmem>> -> memref<79560xf32, #tpu.memory_space<vmem>>
            %parallel_loop3A_399 = tpu.vector_load_idx %parallel_loop3A_398[%parallel_loop3A_290] : memref<79560xf32, #tpu.memory_space<vmem>>[vector<16xi32>], vector<16xf32>,
            %parallel_loop3A_400 = arith.constant 23400 : i32
            %parallel_loop3A_401 = tpu.memref_slice %arg7[%parallel_loop3A_400] : memref<102960xf32, #tpu.memory_space<vmem>> -> memref<79560xf32, #tpu.memory_space<vmem>>
            %parallel_loop3A_402 = tpu.vector_load_idx %parallel_loop3A_401[%parallel_loop3A_291] : memref<79560xf32, #tpu.memory_space<vmem>>[vector<16xi32>], vector<16xf32>,
            %parallel_loop3A_403 = arith.subf %parallel_loop3A_393, %parallel_loop3A_396 : vector<16xf32>
            %parallel_loop3A_404 = arith.subf %parallel_loop3A_403, %parallel_loop3A_399 : vector<16xf32>
            %parallel_loop3A_405 = arith.addf %parallel_loop3A_404, %parallel_loop3A_402 : vector<16xf32>
            %parallel_loop3A_406 = arith.mulf %parallel_loop3A_405, %parallel_loop3A_276 : vector<16xf32>
            %parallel_loop3A_407 = arith.constant 5 : i32
            %parallel_loop3A_408 = vector.broadcast %parallel_loop3A_407 : i32 to vector<16xi32>
            %parallel_loop3A_409 = arith.addi %parallel_loop3A_295, %parallel_loop3A_408 : vector<16xi32>
            tpu.vector_store_idx %arg11[%parallel_loop3A_409], %parallel_loop3A_406 : memref<2816xf32, #tpu.memory_space<vmem>>[vector<16xi32>], vector<16xf32>,
            %parallel_loop3A_410 = arith.constant 28080 : i32
            %parallel_loop3A_411 = tpu.memref_slice %arg7[%parallel_loop3A_410] : memref<102960xf32, #tpu.memory_space<vmem>> -> memref<74880xf32, #tpu.memory_space<vmem>>
            %parallel_loop3A_412 = tpu.vector_load_idx %parallel_loop3A_411[%parallel_loop3A_288] : memref<74880xf32, #tpu.memory_space<vmem>>[vector<16xi32>], vector<16xf32>,
            %parallel_loop3A_413 = arith.constant 28080 : i32
            %parallel_loop3A_414 = tpu.memref_slice %arg7[%parallel_loop3A_413] : memref<102960xf32, #tpu.memory_space<vmem>> -> memref<74880xf32, #tpu.memory_space<vmem>>
            %parallel_loop3A_415 = tpu.vector_load_idx %parallel_loop3A_414[%parallel_loop3A_289] : memref<74880xf32, #tpu.memory_space<vmem>>[vector<16xi32>], vector<16xf32>,
            %parallel_loop3A_416 = arith.constant 28080 : i32
            %parallel_loop3A_417 = tpu.memref_slice %arg7[%parallel_loop3A_416] : memref<102960xf32, #tpu.memory_space<vmem>> -> memref<74880xf32, #tpu.memory_space<vmem>>
            %parallel_loop3A_418 = tpu.vector_load_idx %parallel_loop3A_417[%parallel_loop3A_290] : memref<74880xf32, #tpu.memory_space<vmem>>[vector<16xi32>], vector<16xf32>,
            %parallel_loop3A_419 = arith.constant 28080 : i32
            %parallel_loop3A_420 = tpu.memref_slice %arg7[%parallel_loop3A_419] : memref<102960xf32, #tpu.memory_space<vmem>> -> memref<74880xf32, #tpu.memory_space<vmem>>
            %parallel_loop3A_421 = tpu.vector_load_idx %parallel_loop3A_420[%parallel_loop3A_291] : memref<74880xf32, #tpu.memory_space<vmem>>[vector<16xi32>], vector<16xf32>,
            %parallel_loop3A_422 = arith.subf %parallel_loop3A_412, %parallel_loop3A_415 : vector<16xf32>
            %parallel_loop3A_423 = arith.subf %parallel_loop3A_422, %parallel_loop3A_418 : vector<16xf32>
            %parallel_loop3A_424 = arith.addf %parallel_loop3A_423, %parallel_loop3A_421 : vector<16xf32>
            %parallel_loop3A_425 = arith.mulf %parallel_loop3A_424, %parallel_loop3A_276 : vector<16xf32>
            %parallel_loop3A_426 = arith.constant 6 : i32
            %parallel_loop3A_427 = vector.broadcast %parallel_loop3A_426 : i32 to vector<16xi32>
            %parallel_loop3A_428 = arith.addi %parallel_loop3A_295, %parallel_loop3A_427 : vector<16xi32>
            tpu.vector_store_idx %arg11[%parallel_loop3A_428], %parallel_loop3A_425 : memref<2816xf32, #tpu.memory_space<vmem>>[vector<16xi32>], vector<16xf32>,
            %parallel_loop3A_429 = arith.constant 32760 : i32
            %parallel_loop3A_430 = tpu.memref_slice %arg7[%parallel_loop3A_429] : memref<102960xf32, #tpu.memory_space<vmem>> -> memref<70200xf32, #tpu.memory_space<vmem>>
            %parallel_loop3A_431 = tpu.vector_load_idx %parallel_loop3A_430[%parallel_loop3A_288] : memref<70200xf32, #tpu.memory_space<vmem>>[vector<16xi32>], vector<16xf32>,
            %parallel_loop3A_432 = arith.constant 32760 : i32
            %parallel_loop3A_433 = tpu.memref_slice %arg7[%parallel_loop3A_432] : memref<102960xf32, #tpu.memory_space<vmem>> -> memref<70200xf32, #tpu.memory_space<vmem>>
            %parallel_loop3A_434 = tpu.vector_load_idx %parallel_loop3A_433[%parallel_loop3A_289] : memref<70200xf32, #tpu.memory_space<vmem>>[vector<16xi32>], vector<16xf32>,
            %parallel_loop3A_435 = arith.constant 32760 : i32
            %parallel_loop3A_436 = tpu.memref_slice %arg7[%parallel_loop3A_435] : memref<102960xf32, #tpu.memory_space<vmem>> -> memref<70200xf32, #tpu.memory_space<vmem>>
            %parallel_loop3A_437 = tpu.vector_load_idx %parallel_loop3A_436[%parallel_loop3A_290] : memref<70200xf32, #tpu.memory_space<vmem>>[vector<16xi32>], vector<16xf32>,
            %parallel_loop3A_438 = arith.constant 32760 : i32
            %parallel_loop3A_439 = tpu.memref_slice %arg7[%parallel_loop3A_438] : memref<102960xf32, #tpu.memory_space<vmem>> -> memref<70200xf32, #tpu.memory_space<vmem>>
            %parallel_loop3A_440 = tpu.vector_load_idx %parallel_loop3A_439[%parallel_loop3A_291] : memref<70200xf32, #tpu.memory_space<vmem>>[vector<16xi32>], vector<16xf32>,
            %parallel_loop3A_441 = arith.subf %parallel_loop3A_431, %parallel_loop3A_434 : vector<16xf32>
            %parallel_loop3A_442 = arith.subf %parallel_loop3A_441, %parallel_loop3A_437 : vector<16xf32>
            %parallel_loop3A_443 = arith.addf %parallel_loop3A_442, %parallel_loop3A_440 : vector<16xf32>
            %parallel_loop3A_444 = arith.mulf %parallel_loop3A_443, %parallel_loop3A_276 : vector<16xf32>
            %parallel_loop3A_445 = arith.constant 7 : i32
            %parallel_loop3A_446 = vector.broadcast %parallel_loop3A_445 : i32 to vector<16xi32>
            %parallel_loop3A_447 = arith.addi %parallel_loop3A_295, %parallel_loop3A_446 : vector<16xi32>
            tpu.vector_store_idx %arg11[%parallel_loop3A_447], %parallel_loop3A_444 : memref<2816xf32, #tpu.memory_space<vmem>>[vector<16xi32>], vector<16xf32>,
            %parallel_loop3A_448 = arith.constant 37440 : i32
            %parallel_loop3A_449 = tpu.memref_slice %arg7[%parallel_loop3A_448] : memref<102960xf32, #tpu.memory_space<vmem>> -> memref<65520xf32, #tpu.memory_space<vmem>>
            %parallel_loop3A_450 = tpu.vector_load_idx %parallel_loop3A_449[%parallel_loop3A_288] : memref<65520xf32, #tpu.memory_space<vmem>>[vector<16xi32>], vector<16xf32>,
            %parallel_loop3A_451 = arith.constant 37440 : i32
            %parallel_loop3A_452 = tpu.memref_slice %arg7[%parallel_loop3A_451] : memref<102960xf32, #tpu.memory_space<vmem>> -> memref<65520xf32, #tpu.memory_space<vmem>>
            %parallel_loop3A_453 = tpu.vector_load_idx %parallel_loop3A_452[%parallel_loop3A_289] : memref<65520xf32, #tpu.memory_space<vmem>>[vector<16xi32>], vector<16xf32>,
            %parallel_loop3A_454 = arith.constant 37440 : i32
            %parallel_loop3A_455 = tpu.memref_slice %arg7[%parallel_loop3A_454] : memref<102960xf32, #tpu.memory_space<vmem>> -> memref<65520xf32, #tpu.memory_space<vmem>>
            %parallel_loop3A_456 = tpu.vector_load_idx %parallel_loop3A_455[%parallel_loop3A_290] : memref<65520xf32, #tpu.memory_space<vmem>>[vector<16xi32>], vector<16xf32>,
            %parallel_loop3A_457 = arith.constant 37440 : i32
            %parallel_loop3A_458 = tpu.memref_slice %arg7[%parallel_loop3A_457] : memref<102960xf32, #tpu.memory_space<vmem>> -> memref<65520xf32, #tpu.memory_space<vmem>>
            %parallel_loop3A_459 = tpu.vector_load_idx %parallel_loop3A_458[%parallel_loop3A_291] : memref<65520xf32, #tpu.memory_space<vmem>>[vector<16xi32>], vector<16xf32>,
            %parallel_loop3A_460 = arith.subf %parallel_loop3A_450, %parallel_loop3A_453 : vector<16xf32>
            %parallel_loop3A_461 = arith.subf %parallel_loop3A_460, %parallel_loop3A_456 : vector<16xf32>
            %parallel_loop3A_462 = arith.addf %parallel_loop3A_461, %parallel_loop3A_459 : vector<16xf32>
            %parallel_loop3A_463 = arith.mulf %parallel_loop3A_462, %parallel_loop3A_276 : vector<16xf32>
            %parallel_loop3A_464 = arith.constant 8 : i32
            %parallel_loop3A_465 = vector.broadcast %parallel_loop3A_464 : i32 to vector<16xi32>
            %parallel_loop3A_466 = arith.addi %parallel_loop3A_295, %parallel_loop3A_465 : vector<16xi32>
            tpu.vector_store_idx %arg11[%parallel_loop3A_466], %parallel_loop3A_463 : memref<2816xf32, #tpu.memory_space<vmem>>[vector<16xi32>], vector<16xf32>,
            %parallel_loop3A_467 = arith.constant 42120 : i32
            %parallel_loop3A_468 = tpu.memref_slice %arg7[%parallel_loop3A_467] : memref<102960xf32, #tpu.memory_space<vmem>> -> memref<60840xf32, #tpu.memory_space<vmem>>
            %parallel_loop3A_469 = tpu.vector_load_idx %parallel_loop3A_468[%parallel_loop3A_288] : memref<60840xf32, #tpu.memory_space<vmem>>[vector<16xi32>], vector<16xf32>,
            %parallel_loop3A_470 = arith.constant 42120 : i32
            %parallel_loop3A_471 = tpu.memref_slice %arg7[%parallel_loop3A_470] : memref<102960xf32, #tpu.memory_space<vmem>> -> memref<60840xf32, #tpu.memory_space<vmem>>
            %parallel_loop3A_472 = tpu.vector_load_idx %parallel_loop3A_471[%parallel_loop3A_289] : memref<60840xf32, #tpu.memory_space<vmem>>[vector<16xi32>], vector<16xf32>,
            %parallel_loop3A_473 = arith.constant 42120 : i32
            %parallel_loop3A_474 = tpu.memref_slice %arg7[%parallel_loop3A_473] : memref<102960xf32, #tpu.memory_space<vmem>> -> memref<60840xf32, #tpu.memory_space<vmem>>
            %parallel_loop3A_475 = tpu.vector_load_idx %parallel_loop3A_474[%parallel_loop3A_290] : memref<60840xf32, #tpu.memory_space<vmem>>[vector<16xi32>], vector<16xf32>,
            %parallel_loop3A_476 = arith.constant 42120 : i32
            %parallel_loop3A_477 = tpu.memref_slice %arg7[%parallel_loop3A_476] : memref<102960xf32, #tpu.memory_space<vmem>> -> memref<60840xf32, #tpu.memory_space<vmem>>
            %parallel_loop3A_478 = tpu.vector_load_idx %parallel_loop3A_477[%parallel_loop3A_291] : memref<60840xf32, #tpu.memory_space<vmem>>[vector<16xi32>], vector<16xf32>,
            %parallel_loop3A_479 = arith.subf %parallel_loop3A_469, %parallel_loop3A_472 : vector<16xf32>
            %parallel_loop3A_480 = arith.subf %parallel_loop3A_479, %parallel_loop3A_475 : vector<16xf32>
            %parallel_loop3A_481 = arith.addf %parallel_loop3A_480, %parallel_loop3A_478 : vector<16xf32>
            %parallel_loop3A_482 = arith.mulf %parallel_loop3A_481, %parallel_loop3A_276 : vector<16xf32>
            %parallel_loop3A_483 = arith.constant 9 : i32
            %parallel_loop3A_484 = vector.broadcast %parallel_loop3A_483 : i32 to vector<16xi32>
            %parallel_loop3A_485 = arith.addi %parallel_loop3A_295, %parallel_loop3A_484 : vector<16xi32>
            tpu.vector_store_idx %arg11[%parallel_loop3A_485], %parallel_loop3A_482 : memref<2816xf32, #tpu.memory_space<vmem>>[vector<16xi32>], vector<16xf32>,
            %parallel_loop3A_486 = arith.constant 46800 : i32
            %parallel_loop3A_487 = tpu.memref_slice %arg7[%parallel_loop3A_486] : memref<102960xf32, #tpu.memory_space<vmem>> -> memref<56160xf32, #tpu.memory_space<vmem>>
            %parallel_loop3A_488 = tpu.vector_load_idx %parallel_loop3A_487[%parallel_loop3A_288] : memref<56160xf32, #tpu.memory_space<vmem>>[vector<16xi32>], vector<16xf32>,
            %parallel_loop3A_489 = arith.constant 46800 : i32
            %parallel_loop3A_490 = tpu.memref_slice %arg7[%parallel_loop3A_489] : memref<102960xf32, #tpu.memory_space<vmem>> -> memref<56160xf32, #tpu.memory_space<vmem>>
            %parallel_loop3A_491 = tpu.vector_load_idx %parallel_loop3A_490[%parallel_loop3A_289] : memref<56160xf32, #tpu.memory_space<vmem>>[vector<16xi32>], vector<16xf32>,
            %parallel_loop3A_492 = arith.constant 46800 : i32
            %parallel_loop3A_493 = tpu.memref_slice %arg7[%parallel_loop3A_492] : memref<102960xf32, #tpu.memory_space<vmem>> -> memref<56160xf32, #tpu.memory_space<vmem>>
            %parallel_loop3A_494 = tpu.vector_load_idx %parallel_loop3A_493[%parallel_loop3A_290] : memref<56160xf32, #tpu.memory_space<vmem>>[vector<16xi32>], vector<16xf32>,
            %parallel_loop3A_495 = arith.constant 46800 : i32
            %parallel_loop3A_496 = tpu.memref_slice %arg7[%parallel_loop3A_495] : memref<102960xf32, #tpu.memory_space<vmem>> -> memref<56160xf32, #tpu.memory_space<vmem>>
            %parallel_loop3A_497 = tpu.vector_load_idx %parallel_loop3A_496[%parallel_loop3A_291] : memref<56160xf32, #tpu.memory_space<vmem>>[vector<16xi32>], vector<16xf32>,
            %parallel_loop3A_498 = arith.subf %parallel_loop3A_488, %parallel_loop3A_491 : vector<16xf32>
            %parallel_loop3A_499 = arith.subf %parallel_loop3A_498, %parallel_loop3A_494 : vector<16xf32>
            %parallel_loop3A_500 = arith.addf %parallel_loop3A_499, %parallel_loop3A_497 : vector<16xf32>
            %parallel_loop3A_501 = arith.mulf %parallel_loop3A_500, %parallel_loop3A_276 : vector<16xf32>
            %parallel_loop3A_502 = arith.constant 10 : i32
            %parallel_loop3A_503 = vector.broadcast %parallel_loop3A_502 : i32 to vector<16xi32>
            %parallel_loop3A_504 = arith.addi %parallel_loop3A_295, %parallel_loop3A_503 : vector<16xi32>
            tpu.vector_store_idx %arg11[%parallel_loop3A_504], %parallel_loop3A_501 : memref<2816xf32, #tpu.memory_space<vmem>>[vector<16xi32>], vector<16xf32>,
          } {sc.loop_unroll_factor = 2 : i64, sc.parallel_access}
          %mul3A_87 = arith.constant 8 : i32
          %mul3A_88 = arith.muli %scan3A_84, %mul3A_87 : i32
          %add3A_89 = arith.constant 0 : i32
          %add3A_90 = arith.addi %mul3A_88, %add3A_89 : i32
          %mul3A_91 = arith.constant 34496 : i32
          %mul3A_92 = arith.muli %add3A_90, %mul3A_91 : i32
          %add3A_93 = arith.addi %mul3A_92, %add3A_77 : i32
          %dma_start3A = arith.constant 0 : i32
          %dma_start3A_94 = tpu.memref_slice %arg11[%dma_start3A] : memref<2816xf32, #tpu.memory_space<vmem>> -> memref<352xf32, #tpu.memory_space<vmem>>
          %dma_start3A_95 = tpu.memref_slice %arg6[%add3A_93] : memref<5519360xf32, #tpu.memory_space<hbm>> -> memref<352xf32, #tpu.memory_space<hbm>>
          %dma_start3A_96 = tpu.memref_slice %arg6[%add3A_93] : memref<5519360xf32, #tpu.memory_space<hbm>> -> memref<352xf32, #tpu.memory_space<hbm>>
          %dma_start3A_97 = arith.constant 0 : i32
          %dma_start3A_98 = tpu.memref_slice %arg11[%dma_start3A_97] : memref<2816xf32, #tpu.memory_space<vmem>> -> memref<352xf32, #tpu.memory_space<vmem>>
          tpu.enqueue_dma source(%dma_start3A_98 : memref<352xf32, #tpu.memory_space<vmem>>) target(%dma_start3A_96 : memref<352xf32, #tpu.memory_space<hbm>>) target_semaphore(%arg12 : memref<!tpu.dma_semaphore, #tpu.memory_space<semaphore_mem>>)
          %mul3A_99 = arith.constant 8 : i32
          %mul3A_100 = arith.muli %scan3A_84, %mul3A_99 : i32
          %add3A_101 = arith.constant 1 : i32
          %add3A_102 = arith.addi %mul3A_100, %add3A_101 : i32
          %mul3A_103 = arith.constant 34496 : i32
          %mul3A_104 = arith.muli %add3A_102, %mul3A_103 : i32
          %add3A_105 = arith.addi %mul3A_104, %add3A_77 : i32
          %dma_start3A_106 = arith.constant 352 : i32
          %dma_start3A_107 = tpu.memref_slice %arg11[%dma_start3A_106] : memref<2816xf32, #tpu.memory_space<vmem>> -> memref<352xf32, #tpu.memory_space<vmem>>
          %dma_start3A_108 = tpu.memref_slice %arg6[%add3A_105] : memref<5519360xf32, #tpu.memory_space<hbm>> -> memref<352xf32, #tpu.memory_space<hbm>>
          %dma_start3A_109 = tpu.memref_slice %arg6[%add3A_105] : memref<5519360xf32, #tpu.memory_space<hbm>> -> memref<352xf32, #tpu.memory_space<hbm>>
          %dma_start3A_110 = arith.constant 352 : i32
          %dma_start3A_111 = tpu.memref_slice %arg11[%dma_start3A_110] : memref<2816xf32, #tpu.memory_space<vmem>> -> memref<352xf32, #tpu.memory_space<vmem>>
          tpu.enqueue_dma source(%dma_start3A_111 : memref<352xf32, #tpu.memory_space<vmem>>) target(%dma_start3A_109 : memref<352xf32, #tpu.memory_space<hbm>>) target_semaphore(%arg12 : memref<!tpu.dma_semaphore, #tpu.memory_space<semaphore_mem>>)
          %mul3A_112 = arith.constant 8 : i32
          %mul3A_113 = arith.muli %scan3A_84, %mul3A_112 : i32
          %add3A_114 = arith.constant 2 : i32
          %add3A_115 = arith.addi %mul3A_113, %add3A_114 : i32
          %mul3A_116 = arith.constant 34496 : i32
          %mul3A_117 = arith.muli %add3A_115, %mul3A_116 : i32
          %add3A_118 = arith.addi %mul3A_117, %add3A_77 : i32
          %dma_start3A_119 = arith.constant 704 : i32
          %dma_start3A_120 = tpu.memref_slice %arg11[%dma_start3A_119] : memref<2816xf32, #tpu.memory_space<vmem>> -> memref<352xf32, #tpu.memory_space<vmem>>
          %dma_start3A_121 = tpu.memref_slice %arg6[%add3A_118] : memref<5519360xf32, #tpu.memory_space<hbm>> -> memref<352xf32, #tpu.memory_space<hbm>>
          %dma_start3A_122 = tpu.memref_slice %arg6[%add3A_118] : memref<5519360xf32, #tpu.memory_space<hbm>> -> memref<352xf32, #tpu.memory_space<hbm>>
          %dma_start3A_123 = arith.constant 704 : i32
          %dma_start3A_124 = tpu.memref_slice %arg11[%dma_start3A_123] : memref<2816xf32, #tpu.memory_space<vmem>> -> memref<352xf32, #tpu.memory_space<vmem>>
          tpu.enqueue_dma source(%dma_start3A_124 : memref<352xf32, #tpu.memory_space<vmem>>) target(%dma_start3A_122 : memref<352xf32, #tpu.memory_space<hbm>>) target_semaphore(%arg12 : memref<!tpu.dma_semaphore, #tpu.memory_space<semaphore_mem>>)
          %mul3A_125 = arith.constant 8 : i32
          %mul3A_126 = arith.muli %scan3A_84, %mul3A_125 : i32
          %add3A_127 = arith.constant 3 : i32
          %add3A_128 = arith.addi %mul3A_126, %add3A_127 : i32
          %mul3A_129 = arith.constant 34496 : i32
          %mul3A_130 = arith.muli %add3A_128, %mul3A_129 : i32
          %add3A_131 = arith.addi %mul3A_130, %add3A_77 : i32
          %dma_start3A_132 = arith.constant 1056 : i32
          %dma_start3A_133 = tpu.memref_slice %arg11[%dma_start3A_132] : memref<2816xf32, #tpu.memory_space<vmem>> -> memref<352xf32, #tpu.memory_space<vmem>>
          %dma_start3A_134 = tpu.memref_slice %arg6[%add3A_131] : memref<5519360xf32, #tpu.memory_space<hbm>> -> memref<352xf32, #tpu.memory_space<hbm>>
          %dma_start3A_135 = tpu.memref_slice %arg6[%add3A_131] : memref<5519360xf32, #tpu.memory_space<hbm>> -> memref<352xf32, #tpu.memory_space<hbm>>
          %dma_start3A_136 = arith.constant 1056 : i32
          %dma_start3A_137 = tpu.memref_slice %arg11[%dma_start3A_136] : memref<2816xf32, #tpu.memory_space<vmem>> -> memref<352xf32, #tpu.memory_space<vmem>>
          tpu.enqueue_dma source(%dma_start3A_137 : memref<352xf32, #tpu.memory_space<vmem>>) target(%dma_start3A_135 : memref<352xf32, #tpu.memory_space<hbm>>) target_semaphore(%arg12 : memref<!tpu.dma_semaphore, #tpu.memory_space<semaphore_mem>>)
          %mul3A_138 = arith.constant 8 : i32
          %mul3A_139 = arith.muli %scan3A_84, %mul3A_138 : i32
          %add3A_140 = arith.constant 4 : i32
          %add3A_141 = arith.addi %mul3A_139, %add3A_140 : i32
          %mul3A_142 = arith.constant 34496 : i32
          %mul3A_143 = arith.muli %add3A_141, %mul3A_142 : i32
          %add3A_144 = arith.addi %mul3A_143, %add3A_77 : i32
          %dma_start3A_145 = arith.constant 1408 : i32
          %dma_start3A_146 = tpu.memref_slice %arg11[%dma_start3A_145] : memref<2816xf32, #tpu.memory_space<vmem>> -> memref<352xf32, #tpu.memory_space<vmem>>
          %dma_start3A_147 = tpu.memref_slice %arg6[%add3A_144] : memref<5519360xf32, #tpu.memory_space<hbm>> -> memref<352xf32, #tpu.memory_space<hbm>>
          %dma_start3A_148 = tpu.memref_slice %arg6[%add3A_144] : memref<5519360xf32, #tpu.memory_space<hbm>> -> memref<352xf32, #tpu.memory_space<hbm>>
          %dma_start3A_149 = arith.constant 1408 : i32
          %dma_start3A_150 = tpu.memref_slice %arg11[%dma_start3A_149] : memref<2816xf32, #tpu.memory_space<vmem>> -> memref<352xf32, #tpu.memory_space<vmem>>
          tpu.enqueue_dma source(%dma_start3A_150 : memref<352xf32, #tpu.memory_space<vmem>>) target(%dma_start3A_148 : memref<352xf32, #tpu.memory_space<hbm>>) target_semaphore(%arg12 : memref<!tpu.dma_semaphore, #tpu.memory_space<semaphore_mem>>)
          %mul3A_151 = arith.constant 8 : i32
          %mul3A_152 = arith.muli %scan3A_84, %mul3A_151 : i32
          %add3A_153 = arith.constant 5 : i32
          %add3A_154 = arith.addi %mul3A_152, %add3A_153 : i32
          %mul3A_155 = arith.constant 34496 : i32
          %mul3A_156 = arith.muli %add3A_154, %mul3A_155 : i32
          %add3A_157 = arith.addi %mul3A_156, %add3A_77 : i32
          %dma_start3A_158 = arith.constant 1760 : i32
          %dma_start3A_159 = tpu.memref_slice %arg11[%dma_start3A_158] : memref<2816xf32, #tpu.memory_space<vmem>> -> memref<352xf32, #tpu.memory_space<vmem>>
          %dma_start3A_160 = tpu.memref_slice %arg6[%add3A_157] : memref<5519360xf32, #tpu.memory_space<hbm>> -> memref<352xf32, #tpu.memory_space<hbm>>
          %dma_start3A_161 = tpu.memref_slice %arg6[%add3A_157] : memref<5519360xf32, #tpu.memory_space<hbm>> -> memref<352xf32, #tpu.memory_space<hbm>>
          %dma_start3A_162 = arith.constant 1760 : i32
          %dma_start3A_163 = tpu.memref_slice %arg11[%dma_start3A_162] : memref<2816xf32, #tpu.memory_space<vmem>> -> memref<352xf32, #tpu.memory_space<vmem>>
          tpu.enqueue_dma source(%dma_start3A_163 : memref<352xf32, #tpu.memory_space<vmem>>) target(%dma_start3A_161 : memref<352xf32, #tpu.memory_space<hbm>>) target_semaphore(%arg12 : memref<!tpu.dma_semaphore, #tpu.memory_space<semaphore_mem>>)
          %mul3A_164 = arith.constant 8 : i32
          %mul3A_165 = arith.muli %scan3A_84, %mul3A_164 : i32
          %add3A_166 = arith.constant 6 : i32
          %add3A_167 = arith.addi %mul3A_165, %add3A_166 : i32
          %mul3A_168 = arith.constant 34496 : i32
          %mul3A_169 = arith.muli %add3A_167, %mul3A_168 : i32
          %add3A_170 = arith.addi %mul3A_169, %add3A_77 : i32
          %dma_start3A_171 = arith.constant 2112 : i32
          %dma_start3A_172 = tpu.memref_slice %arg11[%dma_start3A_171] : memref<2816xf32, #tpu.memory_space<vmem>> -> memref<352xf32, #tpu.memory_space<vmem>>
          %dma_start3A_173 = tpu.memref_slice %arg6[%add3A_170] : memref<5519360xf32, #tpu.memory_space<hbm>> -> memref<352xf32, #tpu.memory_space<hbm>>
          %dma_start3A_174 = tpu.memref_slice %arg6[%add3A_170] : memref<5519360xf32, #tpu.memory_space<hbm>> -> memref<352xf32, #tpu.memory_space<hbm>>
          %dma_start3A_175 = arith.constant 2112 : i32
          %dma_start3A_176 = tpu.memref_slice %arg11[%dma_start3A_175] : memref<2816xf32, #tpu.memory_space<vmem>> -> memref<352xf32, #tpu.memory_space<vmem>>
          tpu.enqueue_dma source(%dma_start3A_176 : memref<352xf32, #tpu.memory_space<vmem>>) target(%dma_start3A_174 : memref<352xf32, #tpu.memory_space<hbm>>) target_semaphore(%arg12 : memref<!tpu.dma_semaphore, #tpu.memory_space<semaphore_mem>>)
          %mul3A_177 = arith.constant 8 : i32
          %mul3A_178 = arith.muli %scan3A_84, %mul3A_177 : i32
          %add3A_179 = arith.constant 7 : i32
          %add3A_180 = arith.addi %mul3A_178, %add3A_179 : i32
          %mul3A_181 = arith.constant 34496 : i32
          %mul3A_182 = arith.muli %add3A_180, %mul3A_181 : i32
          %add3A_183 = arith.addi %mul3A_182, %add3A_77 : i32
          %dma_start3A_184 = arith.constant 2464 : i32
          %dma_start3A_185 = tpu.memref_slice %arg11[%dma_start3A_184] : memref<2816xf32, #tpu.memory_space<vmem>> -> memref<352xf32, #tpu.memory_space<vmem>>
          %dma_start3A_186 = tpu.memref_slice %arg6[%add3A_183] : memref<5519360xf32, #tpu.memory_space<hbm>> -> memref<352xf32, #tpu.memory_space<hbm>>
          %dma_start3A_187 = tpu.memref_slice %arg6[%add3A_183] : memref<5519360xf32, #tpu.memory_space<hbm>> -> memref<352xf32, #tpu.memory_space<hbm>>
          %dma_start3A_188 = arith.constant 2464 : i32
          %dma_start3A_189 = tpu.memref_slice %arg11[%dma_start3A_188] : memref<2816xf32, #tpu.memory_space<vmem>> -> memref<352xf32, #tpu.memory_space<vmem>>
          tpu.enqueue_dma source(%dma_start3A_189 : memref<352xf32, #tpu.memory_space<vmem>>) target(%dma_start3A_187 : memref<352xf32, #tpu.memory_space<hbm>>) target_semaphore(%arg12 : memref<!tpu.dma_semaphore, #tpu.memory_space<semaphore_mem>>)
          %dma_wait3A = arith.constant 0 : i32
          %dma_wait3A_190 = tpu.memref_slice %arg11[%dma_wait3A] : memref<2816xf32, #tpu.memory_space<vmem>> -> memref<352xf32, #tpu.memory_space<vmem>>
          %dma_wait3A_191 = tpu.memref_slice %arg6[%add3A_93] : memref<5519360xf32, #tpu.memory_space<hbm>> -> memref<352xf32, #tpu.memory_space<hbm>>
          %dma_wait3A_192 = tpu.memref_slice %arg6[%add3A_93] : memref<5519360xf32, #tpu.memory_space<hbm>> -> memref<352xf32, #tpu.memory_space<hbm>>
          %dma_wait3A_193 = arith.constant 0 : i32
          %dma_wait3A_194 = tpu.memref_slice %arg11[%dma_wait3A_193] : memref<2816xf32, #tpu.memory_space<vmem>> -> memref<352xf32, #tpu.memory_space<vmem>>
          tpu.wait_dma2 semaphore(%arg12 : memref<!tpu.dma_semaphore, #tpu.memory_space<semaphore_mem>>) src(%dma_wait3A_194 : memref<352xf32, #tpu.memory_space<vmem>>) dst(%dma_wait3A_192 : memref<352xf32, #tpu.memory_space<hbm>>)
          %dma_wait3A_195 = arith.constant 352 : i32
          %dma_wait3A_196 = tpu.memref_slice %arg11[%dma_wait3A_195] : memref<2816xf32, #tpu.memory_space<vmem>> -> memref<352xf32, #tpu.memory_space<vmem>>
          %dma_wait3A_197 = tpu.memref_slice %arg6[%add3A_105] : memref<5519360xf32, #tpu.memory_space<hbm>> -> memref<352xf32, #tpu.memory_space<hbm>>
          %dma_wait3A_198 = tpu.memref_slice %arg6[%add3A_105] : memref<5519360xf32, #tpu.memory_space<hbm>> -> memref<352xf32, #tpu.memory_space<hbm>>
          %dma_wait3A_199 = arith.constant 352 : i32
          %dma_wait3A_200 = tpu.memref_slice %arg11[%dma_wait3A_199] : memref<2816xf32, #tpu.memory_space<vmem>> -> memref<352xf32, #tpu.memory_space<vmem>>
          tpu.wait_dma2 semaphore(%arg12 : memref<!tpu.dma_semaphore, #tpu.memory_space<semaphore_mem>>) src(%dma_wait3A_200 : memref<352xf32, #tpu.memory_space<vmem>>) dst(%dma_wait3A_198 : memref<352xf32, #tpu.memory_space<hbm>>)
          %dma_wait3A_201 = arith.constant 704 : i32
          %dma_wait3A_202 = tpu.memref_slice %arg11[%dma_wait3A_201] : memref<2816xf32, #tpu.memory_space<vmem>> -> memref<352xf32, #tpu.memory_space<vmem>>
          %dma_wait3A_203 = tpu.memref_slice %arg6[%add3A_118] : memref<5519360xf32, #tpu.memory_space<hbm>> -> memref<352xf32, #tpu.memory_space<hbm>>
          %dma_wait3A_204 = tpu.memref_slice %arg6[%add3A_118] : memref<5519360xf32, #tpu.memory_space<hbm>> -> memref<352xf32, #tpu.memory_space<hbm>>
          %dma_wait3A_205 = arith.constant 704 : i32
          %dma_wait3A_206 = tpu.memref_slice %arg11[%dma_wait3A_205] : memref<2816xf32, #tpu.memory_space<vmem>> -> memref<352xf32, #tpu.memory_space<vmem>>
          tpu.wait_dma2 semaphore(%arg12 : memref<!tpu.dma_semaphore, #tpu.memory_space<semaphore_mem>>) src(%dma_wait3A_206 : memref<352xf32, #tpu.memory_space<vmem>>) dst(%dma_wait3A_204 : memref<352xf32, #tpu.memory_space<hbm>>)
          %dma_wait3A_207 = arith.constant 1056 : i32
          %dma_wait3A_208 = tpu.memref_slice %arg11[%dma_wait3A_207] : memref<2816xf32, #tpu.memory_space<vmem>> -> memref<352xf32, #tpu.memory_space<vmem>>
          %dma_wait3A_209 = tpu.memref_slice %arg6[%add3A_131] : memref<5519360xf32, #tpu.memory_space<hbm>> -> memref<352xf32, #tpu.memory_space<hbm>>
          %dma_wait3A_210 = tpu.memref_slice %arg6[%add3A_131] : memref<5519360xf32, #tpu.memory_space<hbm>> -> memref<352xf32, #tpu.memory_space<hbm>>
          %dma_wait3A_211 = arith.constant 1056 : i32
          %dma_wait3A_212 = tpu.memref_slice %arg11[%dma_wait3A_211] : memref<2816xf32, #tpu.memory_space<vmem>> -> memref<352xf32, #tpu.memory_space<vmem>>
          tpu.wait_dma2 semaphore(%arg12 : memref<!tpu.dma_semaphore, #tpu.memory_space<semaphore_mem>>) src(%dma_wait3A_212 : memref<352xf32, #tpu.memory_space<vmem>>) dst(%dma_wait3A_210 : memref<352xf32, #tpu.memory_space<hbm>>)
          %dma_wait3A_213 = arith.constant 1408 : i32
          %dma_wait3A_214 = tpu.memref_slice %arg11[%dma_wait3A_213] : memref<2816xf32, #tpu.memory_space<vmem>> -> memref<352xf32, #tpu.memory_space<vmem>>
          %dma_wait3A_215 = tpu.memref_slice %arg6[%add3A_144] : memref<5519360xf32, #tpu.memory_space<hbm>> -> memref<352xf32, #tpu.memory_space<hbm>>
          %dma_wait3A_216 = tpu.memref_slice %arg6[%add3A_144] : memref<5519360xf32, #tpu.memory_space<hbm>> -> memref<352xf32, #tpu.memory_space<hbm>>
          %dma_wait3A_217 = arith.constant 1408 : i32
          %dma_wait3A_218 = tpu.memref_slice %arg11[%dma_wait3A_217] : memref<2816xf32, #tpu.memory_space<vmem>> -> memref<352xf32, #tpu.memory_space<vmem>>
          tpu.wait_dma2 semaphore(%arg12 : memref<!tpu.dma_semaphore, #tpu.memory_space<semaphore_mem>>) src(%dma_wait3A_218 : memref<352xf32, #tpu.memory_space<vmem>>) dst(%dma_wait3A_216 : memref<352xf32, #tpu.memory_space<hbm>>)
          %dma_wait3A_219 = arith.constant 1760 : i32
          %dma_wait3A_220 = tpu.memref_slice %arg11[%dma_wait3A_219] : memref<2816xf32, #tpu.memory_space<vmem>> -> memref<352xf32, #tpu.memory_space<vmem>>
          %dma_wait3A_221 = tpu.memref_slice %arg6[%add3A_157] : memref<5519360xf32, #tpu.memory_space<hbm>> -> memref<352xf32, #tpu.memory_space<hbm>>
          %dma_wait3A_222 = tpu.memref_slice %arg6[%add3A_157] : memref<5519360xf32, #tpu.memory_space<hbm>> -> memref<352xf32, #tpu.memory_space<hbm>>
          %dma_wait3A_223 = arith.constant 1760 : i32
          %dma_wait3A_224 = tpu.memref_slice %arg11[%dma_wait3A_223] : memref<2816xf32, #tpu.memory_space<vmem>> -> memref<352xf32, #tpu.memory_space<vmem>>
          tpu.wait_dma2 semaphore(%arg12 : memref<!tpu.dma_semaphore, #tpu.memory_space<semaphore_mem>>) src(%dma_wait3A_224 : memref<352xf32, #tpu.memory_space<vmem>>) dst(%dma_wait3A_222 : memref<352xf32, #tpu.memory_space<hbm>>)
          %dma_wait3A_225 = arith.constant 2112 : i32
          %dma_wait3A_226 = tpu.memref_slice %arg11[%dma_wait3A_225] : memref<2816xf32, #tpu.memory_space<vmem>> -> memref<352xf32, #tpu.memory_space<vmem>>
          %dma_wait3A_227 = tpu.memref_slice %arg6[%add3A_170] : memref<5519360xf32, #tpu.memory_space<hbm>> -> memref<352xf32, #tpu.memory_space<hbm>>
          %dma_wait3A_228 = tpu.memref_slice %arg6[%add3A_170] : memref<5519360xf32, #tpu.memory_space<hbm>> -> memref<352xf32, #tpu.memory_space<hbm>>
          %dma_wait3A_229 = arith.constant 2112 : i32
          %dma_wait3A_230 = tpu.memref_slice %arg11[%dma_wait3A_229] : memref<2816xf32, #tpu.memory_space<vmem>> -> memref<352xf32, #tpu.memory_space<vmem>>
          tpu.wait_dma2 semaphore(%arg12 : memref<!tpu.dma_semaphore, #tpu.memory_space<semaphore_mem>>) src(%dma_wait3A_230 : memref<352xf32, #tpu.memory_space<vmem>>) dst(%dma_wait3A_228 : memref<352xf32, #tpu.memory_space<hbm>>)
          %dma_wait3A_231 = arith.constant 2464 : i32
          %dma_wait3A_232 = tpu.memref_slice %arg11[%dma_wait3A_231] : memref<2816xf32, #tpu.memory_space<vmem>> -> memref<352xf32, #tpu.memory_space<vmem>>
          %dma_wait3A_233 = tpu.memref_slice %arg6[%add3A_183] : memref<5519360xf32, #tpu.memory_space<hbm>> -> memref<352xf32, #tpu.memory_space<hbm>>
          %dma_wait3A_234 = tpu.memref_slice %arg6[%add3A_183] : memref<5519360xf32, #tpu.memory_space<hbm>> -> memref<352xf32, #tpu.memory_space<hbm>>
          %dma_wait3A_235 = arith.constant 2464 : i32
          %dma_wait3A_236 = tpu.memref_slice %arg11[%dma_wait3A_235] : memref<2816xf32, #tpu.memory_space<vmem>> -> memref<352xf32, #tpu.memory_space<vmem>>
          tpu.wait_dma2 semaphore(%arg12 : memref<!tpu.dma_semaphore, #tpu.memory_space<semaphore_mem>>) src(%dma_wait3A_236 : memref<352xf32, #tpu.memory_space<vmem>>) dst(%dma_wait3A_234 : memref<352xf32, #tpu.memory_space<hbm>>)
        }
        %scan3A_83 = arith.constant 20 : i32
      } else {
      }
    }
    %scan3A_8 = arith.constant 4 : i32
    return
  }
}

module attributes {stable_mosaic.version = 14 : i64} {
  func.func @_integral_tc_kernel(%arg0: i32, %arg1: i32, %arg2: memref<1x21x1x64x64xf32, #tpu.memory_space<vmem>>, %arg3: memref<1x1x22x65x72xf32, #tpu.memory_space<vmem>>) attributes {dimension_semantics = [#tpu.dimension_semantics<arbitrary>, #tpu.dimension_semantics<arbitrary>], iteration_bounds = array<i64: 2, 49>, scalar_prefetch = 0 : i64, scratch_operands = 0 : i64, tpu.core_type = #tpu.core_type<tc>, window_params = [{transform_indices = @transform_0, window_bounds = array<i64: 1, 21, 1, 64, 64>}, {transform_indices = @transform_1, window_bounds = array<i64: 1, 1, 22, 65, 72>}]} {
    %iota3A = tpu.iota {dimensions = array<i32: 0>} : vector<64x64xi32>
    %iota3A_0 = tpu.iota {dimensions = array<i32: 1>} : vector<64x64xi32>
    %ge3A = arith.cmpi sge, %iota3A, %iota3A_0 : vector<64x64xi32>
    %convert_element_type3A = arith.extui %ge3A : vector<64x64xi1> to vector<64x64xi32>
    %convert_element_type3A_1 = arith.sitofp %convert_element_type3A : vector<64x64xi32> to vector<64x64xf32>
    %le3A = arith.cmpi sle, %iota3A, %iota3A_0 : vector<64x64xi32>
    %convert_element_type3A_2 = arith.extui %le3A : vector<64x64xi1> to vector<64x64xi32>
    %convert_element_type3A_3 = arith.sitofp %convert_element_type3A_2 : vector<64x64xi32> to vector<64x64xf32>
    %get3A = arith.constant 0 : index
    %get3A_4 = arith.constant 0 : index
    %get3A_5 = arith.constant 0 : index
    %get3A_6 = arith.constant 0 : index
    %get3A_7 = arith.constant 0 : index
    %get3A_8 = vector.load %arg2[%get3A, %get3A_4, %get3A_5, %get3A_6, %get3A_7] : memref<1x21x1x64x64xf32, #tpu.memory_space<vmem>>, vector<1x1x1x64x64xf32>
    %get3A_9 = vector.shape_cast %get3A_8 : vector<1x1x1x64x64xf32> to vector<64x64xf32>
    %dot_general3A = arith.constant dense<0.000000e+00> : vector<64x64xf32>
    %dot_general3A_10 = tpu.matmul %convert_element_type3A_1, %get3A_9, %dot_general3A {dimension_numbers = #tpu.dot_dimension_numbers<[1], [0], [0], [1], [0, 0, 1, 1], [], []>, precision = #tpu.contract_precision<fp32>, transpose_lhs_hint = false} : vector<64x64xf32>, vector<64x64xf32>, vector<64x64xf32> -> vector<64x64xf32>
    %dot_general3A_11 = arith.constant dense<0.000000e+00> : vector<64x64xf32>
    %dot_general3A_12 = tpu.matmul %dot_general3A_10, %convert_element_type3A_3, %dot_general3A_11 {dimension_numbers = #tpu.dot_dimension_numbers<[1], [0], [0], [1], [0, 0, 1, 1], [], []>, precision = #tpu.contract_precision<fp32>, transpose_lhs_hint = false} : vector<64x64xf32>, vector<64x64xf32>, vector<64x64xf32> -> vector<64x64xf32>
    %broadcast_in_dim3A = arith.constant 0.000000e+00 : f32
    %broadcast_in_dim3A_13 = vector.broadcast %broadcast_in_dim3A : f32 to vector<64x1xf32>
    %broadcast_in_dim3A_14 = arith.constant 0.000000e+00 : f32
    %broadcast_in_dim3A_15 = vector.broadcast %broadcast_in_dim3A_14 : f32 to vector<64x7xf32>
    %concatenate3A = tpu.concatenate %broadcast_in_dim3A_13, %dot_general3A_12, %broadcast_in_dim3A_15 in 1 : vector<64x1xf32>, vector<64x64xf32>, vector<64x7xf32> -> vector<64x72xf32>
    %broadcast_in_dim3A_16 = arith.constant 0.000000e+00 : f32
    %broadcast_in_dim3A_17 = vector.broadcast %broadcast_in_dim3A_16 : f32 to vector<1x72xf32>
    %concatenate3A_18 = tpu.concatenate %broadcast_in_dim3A_17, %concatenate3A in 0 : vector<1x72xf32>, vector<64x72xf32> -> vector<65x72xf32>
    %swap3A = arith.constant 0 : index
    %swap3A_19 = arith.constant 0 : index
    %swap3A_20 = arith.constant 0 : index
    %swap3A_21 = arith.constant 0 : index
    %swap3A_22 = arith.constant 0 : index
    %swap3A_23 = vector.load %arg3[%swap3A, %swap3A_19, %swap3A_20, %swap3A_21, %swap3A_22] : memref<1x1x22x65x72xf32, #tpu.memory_space<vmem>>, vector<1x1x1x65x72xf32>
    %swap3A_24 = vector.shape_cast %swap3A_23 : vector<1x1x1x65x72xf32> to vector<65x72xf32>
    %swap3A_25 = vector.shape_cast %concatenate3A_18 : vector<65x72xf32> to vector<1x1x1x65x72xf32>
    tpu.vector_store %arg3[%swap3A, %swap3A_19, %swap3A_20, %swap3A_21, %swap3A_22], %swap3A_25 {strides = array<i32>} : memref<1x1x22x65x72xf32, #tpu.memory_space<vmem>>, vector<1x1x1x65x72xf32>,
    %get3A_26 = arith.constant 0 : index
    %get3A_27 = arith.constant 1 : index
    %get3A_28 = arith.constant 0 : index
    %get3A_29 = arith.constant 0 : index
    %get3A_30 = arith.constant 0 : index
    %get3A_31 = vector.load %arg2[%get3A_26, %get3A_27, %get3A_28, %get3A_29, %get3A_30] : memref<1x21x1x64x64xf32, #tpu.memory_space<vmem>>, vector<1x1x1x64x64xf32>
    %get3A_32 = vector.shape_cast %get3A_31 : vector<1x1x1x64x64xf32> to vector<64x64xf32>
    %dot_general3A_33 = arith.constant dense<0.000000e+00> : vector<64x64xf32>
    %dot_general3A_34 = tpu.matmul %convert_element_type3A_1, %get3A_32, %dot_general3A_33 {dimension_numbers = #tpu.dot_dimension_numbers<[1], [0], [0], [1], [0, 0, 1, 1], [], []>, precision = #tpu.contract_precision<fp32>, transpose_lhs_hint = false} : vector<64x64xf32>, vector<64x64xf32>, vector<64x64xf32> -> vector<64x64xf32>
    %dot_general3A_35 = arith.constant dense<0.000000e+00> : vector<64x64xf32>
    %dot_general3A_36 = tpu.matmul %dot_general3A_34, %convert_element_type3A_3, %dot_general3A_35 {dimension_numbers = #tpu.dot_dimension_numbers<[1], [0], [0], [1], [0, 0, 1, 1], [], []>, precision = #tpu.contract_precision<fp32>, transpose_lhs_hint = false} : vector<64x64xf32>, vector<64x64xf32>, vector<64x64xf32> -> vector<64x64xf32>
    %broadcast_in_dim3A_37 = arith.constant 0.000000e+00 : f32
    %broadcast_in_dim3A_38 = vector.broadcast %broadcast_in_dim3A_37 : f32 to vector<64x1xf32>
    %broadcast_in_dim3A_39 = arith.constant 0.000000e+00 : f32
    %broadcast_in_dim3A_40 = vector.broadcast %broadcast_in_dim3A_39 : f32 to vector<64x7xf32>
    %concatenate3A_41 = tpu.concatenate %broadcast_in_dim3A_38, %dot_general3A_36, %broadcast_in_dim3A_40 in 1 : vector<64x1xf32>, vector<64x64xf32>, vector<64x7xf32> -> vector<64x72xf32>
    %broadcast_in_dim3A_42 = arith.constant 0.000000e+00 : f32
    %broadcast_in_dim3A_43 = vector.broadcast %broadcast_in_dim3A_42 : f32 to vector<1x72xf32>
    %concatenate3A_44 = tpu.concatenate %broadcast_in_dim3A_43, %concatenate3A_41 in 0 : vector<1x72xf32>, vector<64x72xf32> -> vector<65x72xf32>
    %swap3A_45 = arith.constant 0 : index
    %swap3A_46 = arith.constant 0 : index
    %swap3A_47 = arith.constant 1 : index
    %swap3A_48 = arith.constant 0 : index
    %swap3A_49 = arith.constant 0 : index
    %swap3A_50 = vector.load %arg3[%swap3A_45, %swap3A_46, %swap3A_47, %swap3A_48, %swap3A_49] : memref<1x1x22x65x72xf32, #tpu.memory_space<vmem>>, vector<1x1x1x65x72xf32>
    %swap3A_51 = vector.shape_cast %swap3A_50 : vector<1x1x1x65x72xf32> to vector<65x72xf32>
    %swap3A_52 = vector.shape_cast %concatenate3A_44 : vector<65x72xf32> to vector<1x1x1x65x72xf32>
    tpu.vector_store %arg3[%swap3A_45, %swap3A_46, %swap3A_47, %swap3A_48, %swap3A_49], %swap3A_52 {strides = array<i32>} : memref<1x1x22x65x72xf32, #tpu.memory_space<vmem>>, vector<1x1x1x65x72xf32>,
    %get3A_53 = arith.constant 0 : index
    %get3A_54 = arith.constant 2 : index
    %get3A_55 = arith.constant 0 : index
    %get3A_56 = arith.constant 0 : index
    %get3A_57 = arith.constant 0 : index
    %get3A_58 = vector.load %arg2[%get3A_53, %get3A_54, %get3A_55, %get3A_56, %get3A_57] : memref<1x21x1x64x64xf32, #tpu.memory_space<vmem>>, vector<1x1x1x64x64xf32>
    %get3A_59 = vector.shape_cast %get3A_58 : vector<1x1x1x64x64xf32> to vector<64x64xf32>
    %dot_general3A_60 = arith.constant dense<0.000000e+00> : vector<64x64xf32>
    %dot_general3A_61 = tpu.matmul %convert_element_type3A_1, %get3A_59, %dot_general3A_60 {dimension_numbers = #tpu.dot_dimension_numbers<[1], [0], [0], [1], [0, 0, 1, 1], [], []>, precision = #tpu.contract_precision<fp32>, transpose_lhs_hint = false} : vector<64x64xf32>, vector<64x64xf32>, vector<64x64xf32> -> vector<64x64xf32>
    %dot_general3A_62 = arith.constant dense<0.000000e+00> : vector<64x64xf32>
    %dot_general3A_63 = tpu.matmul %dot_general3A_61, %convert_element_type3A_3, %dot_general3A_62 {dimension_numbers = #tpu.dot_dimension_numbers<[1], [0], [0], [1], [0, 0, 1, 1], [], []>, precision = #tpu.contract_precision<fp32>, transpose_lhs_hint = false} : vector<64x64xf32>, vector<64x64xf32>, vector<64x64xf32> -> vector<64x64xf32>
    %broadcast_in_dim3A_64 = arith.constant 0.000000e+00 : f32
    %broadcast_in_dim3A_65 = vector.broadcast %broadcast_in_dim3A_64 : f32 to vector<64x1xf32>
    %broadcast_in_dim3A_66 = arith.constant 0.000000e+00 : f32
    %broadcast_in_dim3A_67 = vector.broadcast %broadcast_in_dim3A_66 : f32 to vector<64x7xf32>
    %concatenate3A_68 = tpu.concatenate %broadcast_in_dim3A_65, %dot_general3A_63, %broadcast_in_dim3A_67 in 1 : vector<64x1xf32>, vector<64x64xf32>, vector<64x7xf32> -> vector<64x72xf32>
    %broadcast_in_dim3A_69 = arith.constant 0.000000e+00 : f32
    %broadcast_in_dim3A_70 = vector.broadcast %broadcast_in_dim3A_69 : f32 to vector<1x72xf32>
    %concatenate3A_71 = tpu.concatenate %broadcast_in_dim3A_70, %concatenate3A_68 in 0 : vector<1x72xf32>, vector<64x72xf32> -> vector<65x72xf32>
    %swap3A_72 = arith.constant 0 : index
    %swap3A_73 = arith.constant 0 : index
    %swap3A_74 = arith.constant 2 : index
    %swap3A_75 = arith.constant 0 : index
    %swap3A_76 = arith.constant 0 : index
    %swap3A_77 = vector.load %arg3[%swap3A_72, %swap3A_73, %swap3A_74, %swap3A_75, %swap3A_76] : memref<1x1x22x65x72xf32, #tpu.memory_space<vmem>>, vector<1x1x1x65x72xf32>
    %swap3A_78 = vector.shape_cast %swap3A_77 : vector<1x1x1x65x72xf32> to vector<65x72xf32>
    %swap3A_79 = vector.shape_cast %concatenate3A_71 : vector<65x72xf32> to vector<1x1x1x65x72xf32>
    tpu.vector_store %arg3[%swap3A_72, %swap3A_73, %swap3A_74, %swap3A_75, %swap3A_76], %swap3A_79 {strides = array<i32>} : memref<1x1x22x65x72xf32, #tpu.memory_space<vmem>>, vector<1x1x1x65x72xf32>,
    %get3A_80 = arith.constant 0 : index
    %get3A_81 = arith.constant 3 : index
    %get3A_82 = arith.constant 0 : index
    %get3A_83 = arith.constant 0 : index
    %get3A_84 = arith.constant 0 : index
    %get3A_85 = vector.load %arg2[%get3A_80, %get3A_81, %get3A_82, %get3A_83, %get3A_84] : memref<1x21x1x64x64xf32, #tpu.memory_space<vmem>>, vector<1x1x1x64x64xf32>
    %get3A_86 = vector.shape_cast %get3A_85 : vector<1x1x1x64x64xf32> to vector<64x64xf32>
    %dot_general3A_87 = arith.constant dense<0.000000e+00> : vector<64x64xf32>
    %dot_general3A_88 = tpu.matmul %convert_element_type3A_1, %get3A_86, %dot_general3A_87 {dimension_numbers = #tpu.dot_dimension_numbers<[1], [0], [0], [1], [0, 0, 1, 1], [], []>, precision = #tpu.contract_precision<fp32>, transpose_lhs_hint = false} : vector<64x64xf32>, vector<64x64xf32>, vector<64x64xf32> -> vector<64x64xf32>
    %dot_general3A_89 = arith.constant dense<0.000000e+00> : vector<64x64xf32>
    %dot_general3A_90 = tpu.matmul %dot_general3A_88, %convert_element_type3A_3, %dot_general3A_89 {dimension_numbers = #tpu.dot_dimension_numbers<[1], [0], [0], [1], [0, 0, 1, 1], [], []>, precision = #tpu.contract_precision<fp32>, transpose_lhs_hint = false} : vector<64x64xf32>, vector<64x64xf32>, vector<64x64xf32> -> vector<64x64xf32>
    %broadcast_in_dim3A_91 = arith.constant 0.000000e+00 : f32
    %broadcast_in_dim3A_92 = vector.broadcast %broadcast_in_dim3A_91 : f32 to vector<64x1xf32>
    %broadcast_in_dim3A_93 = arith.constant 0.000000e+00 : f32
    %broadcast_in_dim3A_94 = vector.broadcast %broadcast_in_dim3A_93 : f32 to vector<64x7xf32>
    %concatenate3A_95 = tpu.concatenate %broadcast_in_dim3A_92, %dot_general3A_90, %broadcast_in_dim3A_94 in 1 : vector<64x1xf32>, vector<64x64xf32>, vector<64x7xf32> -> vector<64x72xf32>
    %broadcast_in_dim3A_96 = arith.constant 0.000000e+00 : f32
    %broadcast_in_dim3A_97 = vector.broadcast %broadcast_in_dim3A_96 : f32 to vector<1x72xf32>
    %concatenate3A_98 = tpu.concatenate %broadcast_in_dim3A_97, %concatenate3A_95 in 0 : vector<1x72xf32>, vector<64x72xf32> -> vector<65x72xf32>
    %swap3A_99 = arith.constant 0 : index
    %swap3A_100 = arith.constant 0 : index
    %swap3A_101 = arith.constant 3 : index
    %swap3A_102 = arith.constant 0 : index
    %swap3A_103 = arith.constant 0 : index
    %swap3A_104 = vector.load %arg3[%swap3A_99, %swap3A_100, %swap3A_101, %swap3A_102, %swap3A_103] : memref<1x1x22x65x72xf32, #tpu.memory_space<vmem>>, vector<1x1x1x65x72xf32>
    %swap3A_105 = vector.shape_cast %swap3A_104 : vector<1x1x1x65x72xf32> to vector<65x72xf32>
    %swap3A_106 = vector.shape_cast %concatenate3A_98 : vector<65x72xf32> to vector<1x1x1x65x72xf32>
    tpu.vector_store %arg3[%swap3A_99, %swap3A_100, %swap3A_101, %swap3A_102, %swap3A_103], %swap3A_106 {strides = array<i32>} : memref<1x1x22x65x72xf32, #tpu.memory_space<vmem>>, vector<1x1x1x65x72xf32>,
    %get3A_107 = arith.constant 0 : index
    %get3A_108 = arith.constant 4 : index
    %get3A_109 = arith.constant 0 : index
    %get3A_110 = arith.constant 0 : index
    %get3A_111 = arith.constant 0 : index
    %get3A_112 = vector.load %arg2[%get3A_107, %get3A_108, %get3A_109, %get3A_110, %get3A_111] : memref<1x21x1x64x64xf32, #tpu.memory_space<vmem>>, vector<1x1x1x64x64xf32>
    %get3A_113 = vector.shape_cast %get3A_112 : vector<1x1x1x64x64xf32> to vector<64x64xf32>
    %dot_general3A_114 = arith.constant dense<0.000000e+00> : vector<64x64xf32>
    %dot_general3A_115 = tpu.matmul %convert_element_type3A_1, %get3A_113, %dot_general3A_114 {dimension_numbers = #tpu.dot_dimension_numbers<[1], [0], [0], [1], [0, 0, 1, 1], [], []>, precision = #tpu.contract_precision<fp32>, transpose_lhs_hint = false} : vector<64x64xf32>, vector<64x64xf32>, vector<64x64xf32> -> vector<64x64xf32>
    %dot_general3A_116 = arith.constant dense<0.000000e+00> : vector<64x64xf32>
    %dot_general3A_117 = tpu.matmul %dot_general3A_115, %convert_element_type3A_3, %dot_general3A_116 {dimension_numbers = #tpu.dot_dimension_numbers<[1], [0], [0], [1], [0, 0, 1, 1], [], []>, precision = #tpu.contract_precision<fp32>, transpose_lhs_hint = false} : vector<64x64xf32>, vector<64x64xf32>, vector<64x64xf32> -> vector<64x64xf32>
    %broadcast_in_dim3A_118 = arith.constant 0.000000e+00 : f32
    %broadcast_in_dim3A_119 = vector.broadcast %broadcast_in_dim3A_118 : f32 to vector<64x1xf32>
    %broadcast_in_dim3A_120 = arith.constant 0.000000e+00 : f32
    %broadcast_in_dim3A_121 = vector.broadcast %broadcast_in_dim3A_120 : f32 to vector<64x7xf32>
    %concatenate3A_122 = tpu.concatenate %broadcast_in_dim3A_119, %dot_general3A_117, %broadcast_in_dim3A_121 in 1 : vector<64x1xf32>, vector<64x64xf32>, vector<64x7xf32> -> vector<64x72xf32>
    %broadcast_in_dim3A_123 = arith.constant 0.000000e+00 : f32
    %broadcast_in_dim3A_124 = vector.broadcast %broadcast_in_dim3A_123 : f32 to vector<1x72xf32>
    %concatenate3A_125 = tpu.concatenate %broadcast_in_dim3A_124, %concatenate3A_122 in 0 : vector<1x72xf32>, vector<64x72xf32> -> vector<65x72xf32>
    %swap3A_126 = arith.constant 0 : index
    %swap3A_127 = arith.constant 0 : index
    %swap3A_128 = arith.constant 4 : index
    %swap3A_129 = arith.constant 0 : index
    %swap3A_130 = arith.constant 0 : index
    %swap3A_131 = vector.load %arg3[%swap3A_126, %swap3A_127, %swap3A_128, %swap3A_129, %swap3A_130] : memref<1x1x22x65x72xf32, #tpu.memory_space<vmem>>, vector<1x1x1x65x72xf32>
    %swap3A_132 = vector.shape_cast %swap3A_131 : vector<1x1x1x65x72xf32> to vector<65x72xf32>
    %swap3A_133 = vector.shape_cast %concatenate3A_125 : vector<65x72xf32> to vector<1x1x1x65x72xf32>
    tpu.vector_store %arg3[%swap3A_126, %swap3A_127, %swap3A_128, %swap3A_129, %swap3A_130], %swap3A_133 {strides = array<i32>} : memref<1x1x22x65x72xf32, #tpu.memory_space<vmem>>, vector<1x1x1x65x72xf32>,
    %get3A_134 = arith.constant 0 : index
    %get3A_135 = arith.constant 5 : index
    %get3A_136 = arith.constant 0 : index
    %get3A_137 = arith.constant 0 : index
    %get3A_138 = arith.constant 0 : index
    %get3A_139 = vector.load %arg2[%get3A_134, %get3A_135, %get3A_136, %get3A_137, %get3A_138] : memref<1x21x1x64x64xf32, #tpu.memory_space<vmem>>, vector<1x1x1x64x64xf32>
    %get3A_140 = vector.shape_cast %get3A_139 : vector<1x1x1x64x64xf32> to vector<64x64xf32>
    %dot_general3A_141 = arith.constant dense<0.000000e+00> : vector<64x64xf32>
    %dot_general3A_142 = tpu.matmul %convert_element_type3A_1, %get3A_140, %dot_general3A_141 {dimension_numbers = #tpu.dot_dimension_numbers<[1], [0], [0], [1], [0, 0, 1, 1], [], []>, precision = #tpu.contract_precision<fp32>, transpose_lhs_hint = false} : vector<64x64xf32>, vector<64x64xf32>, vector<64x64xf32> -> vector<64x64xf32>
    %dot_general3A_143 = arith.constant dense<0.000000e+00> : vector<64x64xf32>
    %dot_general3A_144 = tpu.matmul %dot_general3A_142, %convert_element_type3A_3, %dot_general3A_143 {dimension_numbers = #tpu.dot_dimension_numbers<[1], [0], [0], [1], [0, 0, 1, 1], [], []>, precision = #tpu.contract_precision<fp32>, transpose_lhs_hint = false} : vector<64x64xf32>, vector<64x64xf32>, vector<64x64xf32> -> vector<64x64xf32>
    %broadcast_in_dim3A_145 = arith.constant 0.000000e+00 : f32
    %broadcast_in_dim3A_146 = vector.broadcast %broadcast_in_dim3A_145 : f32 to vector<64x1xf32>
    %broadcast_in_dim3A_147 = arith.constant 0.000000e+00 : f32
    %broadcast_in_dim3A_148 = vector.broadcast %broadcast_in_dim3A_147 : f32 to vector<64x7xf32>
    %concatenate3A_149 = tpu.concatenate %broadcast_in_dim3A_146, %dot_general3A_144, %broadcast_in_dim3A_148 in 1 : vector<64x1xf32>, vector<64x64xf32>, vector<64x7xf32> -> vector<64x72xf32>
    %broadcast_in_dim3A_150 = arith.constant 0.000000e+00 : f32
    %broadcast_in_dim3A_151 = vector.broadcast %broadcast_in_dim3A_150 : f32 to vector<1x72xf32>
    %concatenate3A_152 = tpu.concatenate %broadcast_in_dim3A_151, %concatenate3A_149 in 0 : vector<1x72xf32>, vector<64x72xf32> -> vector<65x72xf32>
    %swap3A_153 = arith.constant 0 : index
    %swap3A_154 = arith.constant 0 : index
    %swap3A_155 = arith.constant 5 : index
    %swap3A_156 = arith.constant 0 : index
    %swap3A_157 = arith.constant 0 : index
    %swap3A_158 = vector.load %arg3[%swap3A_153, %swap3A_154, %swap3A_155, %swap3A_156, %swap3A_157] : memref<1x1x22x65x72xf32, #tpu.memory_space<vmem>>, vector<1x1x1x65x72xf32>
    %swap3A_159 = vector.shape_cast %swap3A_158 : vector<1x1x1x65x72xf32> to vector<65x72xf32>
    %swap3A_160 = vector.shape_cast %concatenate3A_152 : vector<65x72xf32> to vector<1x1x1x65x72xf32>
    tpu.vector_store %arg3[%swap3A_153, %swap3A_154, %swap3A_155, %swap3A_156, %swap3A_157], %swap3A_160 {strides = array<i32>} : memref<1x1x22x65x72xf32, #tpu.memory_space<vmem>>, vector<1x1x1x65x72xf32>,
    %get3A_161 = arith.constant 0 : index
    %get3A_162 = arith.constant 6 : index
    %get3A_163 = arith.constant 0 : index
    %get3A_164 = arith.constant 0 : index
    %get3A_165 = arith.constant 0 : index
    %get3A_166 = vector.load %arg2[%get3A_161, %get3A_162, %get3A_163, %get3A_164, %get3A_165] : memref<1x21x1x64x64xf32, #tpu.memory_space<vmem>>, vector<1x1x1x64x64xf32>
    %get3A_167 = vector.shape_cast %get3A_166 : vector<1x1x1x64x64xf32> to vector<64x64xf32>
    %dot_general3A_168 = arith.constant dense<0.000000e+00> : vector<64x64xf32>
    %dot_general3A_169 = tpu.matmul %convert_element_type3A_1, %get3A_167, %dot_general3A_168 {dimension_numbers = #tpu.dot_dimension_numbers<[1], [0], [0], [1], [0, 0, 1, 1], [], []>, precision = #tpu.contract_precision<fp32>, transpose_lhs_hint = false} : vector<64x64xf32>, vector<64x64xf32>, vector<64x64xf32> -> vector<64x64xf32>
    %dot_general3A_170 = arith.constant dense<0.000000e+00> : vector<64x64xf32>
    %dot_general3A_171 = tpu.matmul %dot_general3A_169, %convert_element_type3A_3, %dot_general3A_170 {dimension_numbers = #tpu.dot_dimension_numbers<[1], [0], [0], [1], [0, 0, 1, 1], [], []>, precision = #tpu.contract_precision<fp32>, transpose_lhs_hint = false} : vector<64x64xf32>, vector<64x64xf32>, vector<64x64xf32> -> vector<64x64xf32>
    %broadcast_in_dim3A_172 = arith.constant 0.000000e+00 : f32
    %broadcast_in_dim3A_173 = vector.broadcast %broadcast_in_dim3A_172 : f32 to vector<64x1xf32>
    %broadcast_in_dim3A_174 = arith.constant 0.000000e+00 : f32
    %broadcast_in_dim3A_175 = vector.broadcast %broadcast_in_dim3A_174 : f32 to vector<64x7xf32>
    %concatenate3A_176 = tpu.concatenate %broadcast_in_dim3A_173, %dot_general3A_171, %broadcast_in_dim3A_175 in 1 : vector<64x1xf32>, vector<64x64xf32>, vector<64x7xf32> -> vector<64x72xf32>
    %broadcast_in_dim3A_177 = arith.constant 0.000000e+00 : f32
    %broadcast_in_dim3A_178 = vector.broadcast %broadcast_in_dim3A_177 : f32 to vector<1x72xf32>
    %concatenate3A_179 = tpu.concatenate %broadcast_in_dim3A_178, %concatenate3A_176 in 0 : vector<1x72xf32>, vector<64x72xf32> -> vector<65x72xf32>
    %swap3A_180 = arith.constant 0 : index
    %swap3A_181 = arith.constant 0 : index
    %swap3A_182 = arith.constant 6 : index
    %swap3A_183 = arith.constant 0 : index
    %swap3A_184 = arith.constant 0 : index
    %swap3A_185 = vector.load %arg3[%swap3A_180, %swap3A_181, %swap3A_182, %swap3A_183, %swap3A_184] : memref<1x1x22x65x72xf32, #tpu.memory_space<vmem>>, vector<1x1x1x65x72xf32>
    %swap3A_186 = vector.shape_cast %swap3A_185 : vector<1x1x1x65x72xf32> to vector<65x72xf32>
    %swap3A_187 = vector.shape_cast %concatenate3A_179 : vector<65x72xf32> to vector<1x1x1x65x72xf32>
    tpu.vector_store %arg3[%swap3A_180, %swap3A_181, %swap3A_182, %swap3A_183, %swap3A_184], %swap3A_187 {strides = array<i32>} : memref<1x1x22x65x72xf32, #tpu.memory_space<vmem>>, vector<1x1x1x65x72xf32>,
    %get3A_188 = arith.constant 0 : index
    %get3A_189 = arith.constant 7 : index
    %get3A_190 = arith.constant 0 : index
    %get3A_191 = arith.constant 0 : index
    %get3A_192 = arith.constant 0 : index
    %get3A_193 = vector.load %arg2[%get3A_188, %get3A_189, %get3A_190, %get3A_191, %get3A_192] : memref<1x21x1x64x64xf32, #tpu.memory_space<vmem>>, vector<1x1x1x64x64xf32>
    %get3A_194 = vector.shape_cast %get3A_193 : vector<1x1x1x64x64xf32> to vector<64x64xf32>
    %dot_general3A_195 = arith.constant dense<0.000000e+00> : vector<64x64xf32>
    %dot_general3A_196 = tpu.matmul %convert_element_type3A_1, %get3A_194, %dot_general3A_195 {dimension_numbers = #tpu.dot_dimension_numbers<[1], [0], [0], [1], [0, 0, 1, 1], [], []>, precision = #tpu.contract_precision<fp32>, transpose_lhs_hint = false} : vector<64x64xf32>, vector<64x64xf32>, vector<64x64xf32> -> vector<64x64xf32>
    %dot_general3A_197 = arith.constant dense<0.000000e+00> : vector<64x64xf32>
    %dot_general3A_198 = tpu.matmul %dot_general3A_196, %convert_element_type3A_3, %dot_general3A_197 {dimension_numbers = #tpu.dot_dimension_numbers<[1], [0], [0], [1], [0, 0, 1, 1], [], []>, precision = #tpu.contract_precision<fp32>, transpose_lhs_hint = false} : vector<64x64xf32>, vector<64x64xf32>, vector<64x64xf32> -> vector<64x64xf32>
    %broadcast_in_dim3A_199 = arith.constant 0.000000e+00 : f32
    %broadcast_in_dim3A_200 = vector.broadcast %broadcast_in_dim3A_199 : f32 to vector<64x1xf32>
    %broadcast_in_dim3A_201 = arith.constant 0.000000e+00 : f32
    %broadcast_in_dim3A_202 = vector.broadcast %broadcast_in_dim3A_201 : f32 to vector<64x7xf32>
    %concatenate3A_203 = tpu.concatenate %broadcast_in_dim3A_200, %dot_general3A_198, %broadcast_in_dim3A_202 in 1 : vector<64x1xf32>, vector<64x64xf32>, vector<64x7xf32> -> vector<64x72xf32>
    %broadcast_in_dim3A_204 = arith.constant 0.000000e+00 : f32
    %broadcast_in_dim3A_205 = vector.broadcast %broadcast_in_dim3A_204 : f32 to vector<1x72xf32>
    %concatenate3A_206 = tpu.concatenate %broadcast_in_dim3A_205, %concatenate3A_203 in 0 : vector<1x72xf32>, vector<64x72xf32> -> vector<65x72xf32>
    %swap3A_207 = arith.constant 0 : index
    %swap3A_208 = arith.constant 0 : index
    %swap3A_209 = arith.constant 7 : index
    %swap3A_210 = arith.constant 0 : index
    %swap3A_211 = arith.constant 0 : index
    %swap3A_212 = vector.load %arg3[%swap3A_207, %swap3A_208, %swap3A_209, %swap3A_210, %swap3A_211] : memref<1x1x22x65x72xf32, #tpu.memory_space<vmem>>, vector<1x1x1x65x72xf32>
    %swap3A_213 = vector.shape_cast %swap3A_212 : vector<1x1x1x65x72xf32> to vector<65x72xf32>
    %swap3A_214 = vector.shape_cast %concatenate3A_206 : vector<65x72xf32> to vector<1x1x1x65x72xf32>
    tpu.vector_store %arg3[%swap3A_207, %swap3A_208, %swap3A_209, %swap3A_210, %swap3A_211], %swap3A_214 {strides = array<i32>} : memref<1x1x22x65x72xf32, #tpu.memory_space<vmem>>, vector<1x1x1x65x72xf32>,
    %get3A_215 = arith.constant 0 : index
    %get3A_216 = arith.constant 8 : index
    %get3A_217 = arith.constant 0 : index
    %get3A_218 = arith.constant 0 : index
    %get3A_219 = arith.constant 0 : index
    %get3A_220 = vector.load %arg2[%get3A_215, %get3A_216, %get3A_217, %get3A_218, %get3A_219] : memref<1x21x1x64x64xf32, #tpu.memory_space<vmem>>, vector<1x1x1x64x64xf32>
    %get3A_221 = vector.shape_cast %get3A_220 : vector<1x1x1x64x64xf32> to vector<64x64xf32>
    %dot_general3A_222 = arith.constant dense<0.000000e+00> : vector<64x64xf32>
    %dot_general3A_223 = tpu.matmul %convert_element_type3A_1, %get3A_221, %dot_general3A_222 {dimension_numbers = #tpu.dot_dimension_numbers<[1], [0], [0], [1], [0, 0, 1, 1], [], []>, precision = #tpu.contract_precision<fp32>, transpose_lhs_hint = false} : vector<64x64xf32>, vector<64x64xf32>, vector<64x64xf32> -> vector<64x64xf32>
    %dot_general3A_224 = arith.constant dense<0.000000e+00> : vector<64x64xf32>
    %dot_general3A_225 = tpu.matmul %dot_general3A_223, %convert_element_type3A_3, %dot_general3A_224 {dimension_numbers = #tpu.dot_dimension_numbers<[1], [0], [0], [1], [0, 0, 1, 1], [], []>, precision = #tpu.contract_precision<fp32>, transpose_lhs_hint = false} : vector<64x64xf32>, vector<64x64xf32>, vector<64x64xf32> -> vector<64x64xf32>
    %broadcast_in_dim3A_226 = arith.constant 0.000000e+00 : f32
    %broadcast_in_dim3A_227 = vector.broadcast %broadcast_in_dim3A_226 : f32 to vector<64x1xf32>
    %broadcast_in_dim3A_228 = arith.constant 0.000000e+00 : f32
    %broadcast_in_dim3A_229 = vector.broadcast %broadcast_in_dim3A_228 : f32 to vector<64x7xf32>
    %concatenate3A_230 = tpu.concatenate %broadcast_in_dim3A_227, %dot_general3A_225, %broadcast_in_dim3A_229 in 1 : vector<64x1xf32>, vector<64x64xf32>, vector<64x7xf32> -> vector<64x72xf32>
    %broadcast_in_dim3A_231 = arith.constant 0.000000e+00 : f32
    %broadcast_in_dim3A_232 = vector.broadcast %broadcast_in_dim3A_231 : f32 to vector<1x72xf32>
    %concatenate3A_233 = tpu.concatenate %broadcast_in_dim3A_232, %concatenate3A_230 in 0 : vector<1x72xf32>, vector<64x72xf32> -> vector<65x72xf32>
    %swap3A_234 = arith.constant 0 : index
    %swap3A_235 = arith.constant 0 : index
    %swap3A_236 = arith.constant 8 : index
    %swap3A_237 = arith.constant 0 : index
    %swap3A_238 = arith.constant 0 : index
    %swap3A_239 = vector.load %arg3[%swap3A_234, %swap3A_235, %swap3A_236, %swap3A_237, %swap3A_238] : memref<1x1x22x65x72xf32, #tpu.memory_space<vmem>>, vector<1x1x1x65x72xf32>
    %swap3A_240 = vector.shape_cast %swap3A_239 : vector<1x1x1x65x72xf32> to vector<65x72xf32>
    %swap3A_241 = vector.shape_cast %concatenate3A_233 : vector<65x72xf32> to vector<1x1x1x65x72xf32>
    tpu.vector_store %arg3[%swap3A_234, %swap3A_235, %swap3A_236, %swap3A_237, %swap3A_238], %swap3A_241 {strides = array<i32>} : memref<1x1x22x65x72xf32, #tpu.memory_space<vmem>>, vector<1x1x1x65x72xf32>,
    %get3A_242 = arith.constant 0 : index
    %get3A_243 = arith.constant 9 : index
    %get3A_244 = arith.constant 0 : index
    %get3A_245 = arith.constant 0 : index
    %get3A_246 = arith.constant 0 : index
    %get3A_247 = vector.load %arg2[%get3A_242, %get3A_243, %get3A_244, %get3A_245, %get3A_246] : memref<1x21x1x64x64xf32, #tpu.memory_space<vmem>>, vector<1x1x1x64x64xf32>
    %get3A_248 = vector.shape_cast %get3A_247 : vector<1x1x1x64x64xf32> to vector<64x64xf32>
    %dot_general3A_249 = arith.constant dense<0.000000e+00> : vector<64x64xf32>
    %dot_general3A_250 = tpu.matmul %convert_element_type3A_1, %get3A_248, %dot_general3A_249 {dimension_numbers = #tpu.dot_dimension_numbers<[1], [0], [0], [1], [0, 0, 1, 1], [], []>, precision = #tpu.contract_precision<fp32>, transpose_lhs_hint = false} : vector<64x64xf32>, vector<64x64xf32>, vector<64x64xf32> -> vector<64x64xf32>
    %dot_general3A_251 = arith.constant dense<0.000000e+00> : vector<64x64xf32>
    %dot_general3A_252 = tpu.matmul %dot_general3A_250, %convert_element_type3A_3, %dot_general3A_251 {dimension_numbers = #tpu.dot_dimension_numbers<[1], [0], [0], [1], [0, 0, 1, 1], [], []>, precision = #tpu.contract_precision<fp32>, transpose_lhs_hint = false} : vector<64x64xf32>, vector<64x64xf32>, vector<64x64xf32> -> vector<64x64xf32>
    %broadcast_in_dim3A_253 = arith.constant 0.000000e+00 : f32
    %broadcast_in_dim3A_254 = vector.broadcast %broadcast_in_dim3A_253 : f32 to vector<64x1xf32>
    %broadcast_in_dim3A_255 = arith.constant 0.000000e+00 : f32
    %broadcast_in_dim3A_256 = vector.broadcast %broadcast_in_dim3A_255 : f32 to vector<64x7xf32>
    %concatenate3A_257 = tpu.concatenate %broadcast_in_dim3A_254, %dot_general3A_252, %broadcast_in_dim3A_256 in 1 : vector<64x1xf32>, vector<64x64xf32>, vector<64x7xf32> -> vector<64x72xf32>
    %broadcast_in_dim3A_258 = arith.constant 0.000000e+00 : f32
    %broadcast_in_dim3A_259 = vector.broadcast %broadcast_in_dim3A_258 : f32 to vector<1x72xf32>
    %concatenate3A_260 = tpu.concatenate %broadcast_in_dim3A_259, %concatenate3A_257 in 0 : vector<1x72xf32>, vector<64x72xf32> -> vector<65x72xf32>
    %swap3A_261 = arith.constant 0 : index
    %swap3A_262 = arith.constant 0 : index
    %swap3A_263 = arith.constant 9 : index
    %swap3A_264 = arith.constant 0 : index
    %swap3A_265 = arith.constant 0 : index
    %swap3A_266 = vector.load %arg3[%swap3A_261, %swap3A_262, %swap3A_263, %swap3A_264, %swap3A_265] : memref<1x1x22x65x72xf32, #tpu.memory_space<vmem>>, vector<1x1x1x65x72xf32>
    %swap3A_267 = vector.shape_cast %swap3A_266 : vector<1x1x1x65x72xf32> to vector<65x72xf32>
    %swap3A_268 = vector.shape_cast %concatenate3A_260 : vector<65x72xf32> to vector<1x1x1x65x72xf32>
    tpu.vector_store %arg3[%swap3A_261, %swap3A_262, %swap3A_263, %swap3A_264, %swap3A_265], %swap3A_268 {strides = array<i32>} : memref<1x1x22x65x72xf32, #tpu.memory_space<vmem>>, vector<1x1x1x65x72xf32>,
    %get3A_269 = arith.constant 0 : index
    %get3A_270 = arith.constant 10 : index
    %get3A_271 = arith.constant 0 : index
    %get3A_272 = arith.constant 0 : index
    %get3A_273 = arith.constant 0 : index
    %get3A_274 = vector.load %arg2[%get3A_269, %get3A_270, %get3A_271, %get3A_272, %get3A_273] : memref<1x21x1x64x64xf32, #tpu.memory_space<vmem>>, vector<1x1x1x64x64xf32>
    %get3A_275 = vector.shape_cast %get3A_274 : vector<1x1x1x64x64xf32> to vector<64x64xf32>
    %dot_general3A_276 = arith.constant dense<0.000000e+00> : vector<64x64xf32>
    %dot_general3A_277 = tpu.matmul %convert_element_type3A_1, %get3A_275, %dot_general3A_276 {dimension_numbers = #tpu.dot_dimension_numbers<[1], [0], [0], [1], [0, 0, 1, 1], [], []>, precision = #tpu.contract_precision<fp32>, transpose_lhs_hint = false} : vector<64x64xf32>, vector<64x64xf32>, vector<64x64xf32> -> vector<64x64xf32>
    %dot_general3A_278 = arith.constant dense<0.000000e+00> : vector<64x64xf32>
    %dot_general3A_279 = tpu.matmul %dot_general3A_277, %convert_element_type3A_3, %dot_general3A_278 {dimension_numbers = #tpu.dot_dimension_numbers<[1], [0], [0], [1], [0, 0, 1, 1], [], []>, precision = #tpu.contract_precision<fp32>, transpose_lhs_hint = false} : vector<64x64xf32>, vector<64x64xf32>, vector<64x64xf32> -> vector<64x64xf32>
    %broadcast_in_dim3A_280 = arith.constant 0.000000e+00 : f32
    %broadcast_in_dim3A_281 = vector.broadcast %broadcast_in_dim3A_280 : f32 to vector<64x1xf32>
    %broadcast_in_dim3A_282 = arith.constant 0.000000e+00 : f32
    %broadcast_in_dim3A_283 = vector.broadcast %broadcast_in_dim3A_282 : f32 to vector<64x7xf32>
    %concatenate3A_284 = tpu.concatenate %broadcast_in_dim3A_281, %dot_general3A_279, %broadcast_in_dim3A_283 in 1 : vector<64x1xf32>, vector<64x64xf32>, vector<64x7xf32> -> vector<64x72xf32>
    %broadcast_in_dim3A_285 = arith.constant 0.000000e+00 : f32
    %broadcast_in_dim3A_286 = vector.broadcast %broadcast_in_dim3A_285 : f32 to vector<1x72xf32>
    %concatenate3A_287 = tpu.concatenate %broadcast_in_dim3A_286, %concatenate3A_284 in 0 : vector<1x72xf32>, vector<64x72xf32> -> vector<65x72xf32>
    %swap3A_288 = arith.constant 0 : index
    %swap3A_289 = arith.constant 0 : index
    %swap3A_290 = arith.constant 10 : index
    %swap3A_291 = arith.constant 0 : index
    %swap3A_292 = arith.constant 0 : index
    %swap3A_293 = vector.load %arg3[%swap3A_288, %swap3A_289, %swap3A_290, %swap3A_291, %swap3A_292] : memref<1x1x22x65x72xf32, #tpu.memory_space<vmem>>, vector<1x1x1x65x72xf32>
    %swap3A_294 = vector.shape_cast %swap3A_293 : vector<1x1x1x65x72xf32> to vector<65x72xf32>
    %swap3A_295 = vector.shape_cast %concatenate3A_287 : vector<65x72xf32> to vector<1x1x1x65x72xf32>
    tpu.vector_store %arg3[%swap3A_288, %swap3A_289, %swap3A_290, %swap3A_291, %swap3A_292], %swap3A_295 {strides = array<i32>} : memref<1x1x22x65x72xf32, #tpu.memory_space<vmem>>, vector<1x1x1x65x72xf32>,
    %get3A_296 = arith.constant 0 : index
    %get3A_297 = arith.constant 11 : index
    %get3A_298 = arith.constant 0 : index
    %get3A_299 = arith.constant 0 : index
    %get3A_300 = arith.constant 0 : index
    %get3A_301 = vector.load %arg2[%get3A_296, %get3A_297, %get3A_298, %get3A_299, %get3A_300] : memref<1x21x1x64x64xf32, #tpu.memory_space<vmem>>, vector<1x1x1x64x64xf32>
    %get3A_302 = vector.shape_cast %get3A_301 : vector<1x1x1x64x64xf32> to vector<64x64xf32>
    %dot_general3A_303 = arith.constant dense<0.000000e+00> : vector<64x64xf32>
    %dot_general3A_304 = tpu.matmul %convert_element_type3A_1, %get3A_302, %dot_general3A_303 {dimension_numbers = #tpu.dot_dimension_numbers<[1], [0], [0], [1], [0, 0, 1, 1], [], []>, precision = #tpu.contract_precision<fp32>, transpose_lhs_hint = false} : vector<64x64xf32>, vector<64x64xf32>, vector<64x64xf32> -> vector<64x64xf32>
    %dot_general3A_305 = arith.constant dense<0.000000e+00> : vector<64x64xf32>
    %dot_general3A_306 = tpu.matmul %dot_general3A_304, %convert_element_type3A_3, %dot_general3A_305 {dimension_numbers = #tpu.dot_dimension_numbers<[1], [0], [0], [1], [0, 0, 1, 1], [], []>, precision = #tpu.contract_precision<fp32>, transpose_lhs_hint = false} : vector<64x64xf32>, vector<64x64xf32>, vector<64x64xf32> -> vector<64x64xf32>
    %broadcast_in_dim3A_307 = arith.constant 0.000000e+00 : f32
    %broadcast_in_dim3A_308 = vector.broadcast %broadcast_in_dim3A_307 : f32 to vector<64x1xf32>
    %broadcast_in_dim3A_309 = arith.constant 0.000000e+00 : f32
    %broadcast_in_dim3A_310 = vector.broadcast %broadcast_in_dim3A_309 : f32 to vector<64x7xf32>
    %concatenate3A_311 = tpu.concatenate %broadcast_in_dim3A_308, %dot_general3A_306, %broadcast_in_dim3A_310 in 1 : vector<64x1xf32>, vector<64x64xf32>, vector<64x7xf32> -> vector<64x72xf32>
    %broadcast_in_dim3A_312 = arith.constant 0.000000e+00 : f32
    %broadcast_in_dim3A_313 = vector.broadcast %broadcast_in_dim3A_312 : f32 to vector<1x72xf32>
    %concatenate3A_314 = tpu.concatenate %broadcast_in_dim3A_313, %concatenate3A_311 in 0 : vector<1x72xf32>, vector<64x72xf32> -> vector<65x72xf32>
    %swap3A_315 = arith.constant 0 : index
    %swap3A_316 = arith.constant 0 : index
    %swap3A_317 = arith.constant 11 : index
    %swap3A_318 = arith.constant 0 : index
    %swap3A_319 = arith.constant 0 : index
    %swap3A_320 = vector.load %arg3[%swap3A_315, %swap3A_316, %swap3A_317, %swap3A_318, %swap3A_319] : memref<1x1x22x65x72xf32, #tpu.memory_space<vmem>>, vector<1x1x1x65x72xf32>
    %swap3A_321 = vector.shape_cast %swap3A_320 : vector<1x1x1x65x72xf32> to vector<65x72xf32>
    %swap3A_322 = vector.shape_cast %concatenate3A_314 : vector<65x72xf32> to vector<1x1x1x65x72xf32>
    tpu.vector_store %arg3[%swap3A_315, %swap3A_316, %swap3A_317, %swap3A_318, %swap3A_319], %swap3A_322 {strides = array<i32>} : memref<1x1x22x65x72xf32, #tpu.memory_space<vmem>>, vector<1x1x1x65x72xf32>,
    %get3A_323 = arith.constant 0 : index
    %get3A_324 = arith.constant 12 : index
    %get3A_325 = arith.constant 0 : index
    %get3A_326 = arith.constant 0 : index
    %get3A_327 = arith.constant 0 : index
    %get3A_328 = vector.load %arg2[%get3A_323, %get3A_324, %get3A_325, %get3A_326, %get3A_327] : memref<1x21x1x64x64xf32, #tpu.memory_space<vmem>>, vector<1x1x1x64x64xf32>
    %get3A_329 = vector.shape_cast %get3A_328 : vector<1x1x1x64x64xf32> to vector<64x64xf32>
    %dot_general3A_330 = arith.constant dense<0.000000e+00> : vector<64x64xf32>
    %dot_general3A_331 = tpu.matmul %convert_element_type3A_1, %get3A_329, %dot_general3A_330 {dimension_numbers = #tpu.dot_dimension_numbers<[1], [0], [0], [1], [0, 0, 1, 1], [], []>, precision = #tpu.contract_precision<fp32>, transpose_lhs_hint = false} : vector<64x64xf32>, vector<64x64xf32>, vector<64x64xf32> -> vector<64x64xf32>
    %dot_general3A_332 = arith.constant dense<0.000000e+00> : vector<64x64xf32>
    %dot_general3A_333 = tpu.matmul %dot_general3A_331, %convert_element_type3A_3, %dot_general3A_332 {dimension_numbers = #tpu.dot_dimension_numbers<[1], [0], [0], [1], [0, 0, 1, 1], [], []>, precision = #tpu.contract_precision<fp32>, transpose_lhs_hint = false} : vector<64x64xf32>, vector<64x64xf32>, vector<64x64xf32> -> vector<64x64xf32>
    %broadcast_in_dim3A_334 = arith.constant 0.000000e+00 : f32
    %broadcast_in_dim3A_335 = vector.broadcast %broadcast_in_dim3A_334 : f32 to vector<64x1xf32>
    %broadcast_in_dim3A_336 = arith.constant 0.000000e+00 : f32
    %broadcast_in_dim3A_337 = vector.broadcast %broadcast_in_dim3A_336 : f32 to vector<64x7xf32>
    %concatenate3A_338 = tpu.concatenate %broadcast_in_dim3A_335, %dot_general3A_333, %broadcast_in_dim3A_337 in 1 : vector<64x1xf32>, vector<64x64xf32>, vector<64x7xf32> -> vector<64x72xf32>
    %broadcast_in_dim3A_339 = arith.constant 0.000000e+00 : f32
    %broadcast_in_dim3A_340 = vector.broadcast %broadcast_in_dim3A_339 : f32 to vector<1x72xf32>
    %concatenate3A_341 = tpu.concatenate %broadcast_in_dim3A_340, %concatenate3A_338 in 0 : vector<1x72xf32>, vector<64x72xf32> -> vector<65x72xf32>
    %swap3A_342 = arith.constant 0 : index
    %swap3A_343 = arith.constant 0 : index
    %swap3A_344 = arith.constant 12 : index
    %swap3A_345 = arith.constant 0 : index
    %swap3A_346 = arith.constant 0 : index
    %swap3A_347 = vector.load %arg3[%swap3A_342, %swap3A_343, %swap3A_344, %swap3A_345, %swap3A_346] : memref<1x1x22x65x72xf32, #tpu.memory_space<vmem>>, vector<1x1x1x65x72xf32>
    %swap3A_348 = vector.shape_cast %swap3A_347 : vector<1x1x1x65x72xf32> to vector<65x72xf32>
    %swap3A_349 = vector.shape_cast %concatenate3A_341 : vector<65x72xf32> to vector<1x1x1x65x72xf32>
    tpu.vector_store %arg3[%swap3A_342, %swap3A_343, %swap3A_344, %swap3A_345, %swap3A_346], %swap3A_349 {strides = array<i32>} : memref<1x1x22x65x72xf32, #tpu.memory_space<vmem>>, vector<1x1x1x65x72xf32>,
    %get3A_350 = arith.constant 0 : index
    %get3A_351 = arith.constant 13 : index
    %get3A_352 = arith.constant 0 : index
    %get3A_353 = arith.constant 0 : index
    %get3A_354 = arith.constant 0 : index
    %get3A_355 = vector.load %arg2[%get3A_350, %get3A_351, %get3A_352, %get3A_353, %get3A_354] : memref<1x21x1x64x64xf32, #tpu.memory_space<vmem>>, vector<1x1x1x64x64xf32>
    %get3A_356 = vector.shape_cast %get3A_355 : vector<1x1x1x64x64xf32> to vector<64x64xf32>
    %dot_general3A_357 = arith.constant dense<0.000000e+00> : vector<64x64xf32>
    %dot_general3A_358 = tpu.matmul %convert_element_type3A_1, %get3A_356, %dot_general3A_357 {dimension_numbers = #tpu.dot_dimension_numbers<[1], [0], [0], [1], [0, 0, 1, 1], [], []>, precision = #tpu.contract_precision<fp32>, transpose_lhs_hint = false} : vector<64x64xf32>, vector<64x64xf32>, vector<64x64xf32> -> vector<64x64xf32>
    %dot_general3A_359 = arith.constant dense<0.000000e+00> : vector<64x64xf32>
    %dot_general3A_360 = tpu.matmul %dot_general3A_358, %convert_element_type3A_3, %dot_general3A_359 {dimension_numbers = #tpu.dot_dimension_numbers<[1], [0], [0], [1], [0, 0, 1, 1], [], []>, precision = #tpu.contract_precision<fp32>, transpose_lhs_hint = false} : vector<64x64xf32>, vector<64x64xf32>, vector<64x64xf32> -> vector<64x64xf32>
    %broadcast_in_dim3A_361 = arith.constant 0.000000e+00 : f32
    %broadcast_in_dim3A_362 = vector.broadcast %broadcast_in_dim3A_361 : f32 to vector<64x1xf32>
    %broadcast_in_dim3A_363 = arith.constant 0.000000e+00 : f32
    %broadcast_in_dim3A_364 = vector.broadcast %broadcast_in_dim3A_363 : f32 to vector<64x7xf32>
    %concatenate3A_365 = tpu.concatenate %broadcast_in_dim3A_362, %dot_general3A_360, %broadcast_in_dim3A_364 in 1 : vector<64x1xf32>, vector<64x64xf32>, vector<64x7xf32> -> vector<64x72xf32>
    %broadcast_in_dim3A_366 = arith.constant 0.000000e+00 : f32
    %broadcast_in_dim3A_367 = vector.broadcast %broadcast_in_dim3A_366 : f32 to vector<1x72xf32>
    %concatenate3A_368 = tpu.concatenate %broadcast_in_dim3A_367, %concatenate3A_365 in 0 : vector<1x72xf32>, vector<64x72xf32> -> vector<65x72xf32>
    %swap3A_369 = arith.constant 0 : index
    %swap3A_370 = arith.constant 0 : index
    %swap3A_371 = arith.constant 13 : index
    %swap3A_372 = arith.constant 0 : index
    %swap3A_373 = arith.constant 0 : index
    %swap3A_374 = vector.load %arg3[%swap3A_369, %swap3A_370, %swap3A_371, %swap3A_372, %swap3A_373] : memref<1x1x22x65x72xf32, #tpu.memory_space<vmem>>, vector<1x1x1x65x72xf32>
    %swap3A_375 = vector.shape_cast %swap3A_374 : vector<1x1x1x65x72xf32> to vector<65x72xf32>
    %swap3A_376 = vector.shape_cast %concatenate3A_368 : vector<65x72xf32> to vector<1x1x1x65x72xf32>
    tpu.vector_store %arg3[%swap3A_369, %swap3A_370, %swap3A_371, %swap3A_372, %swap3A_373], %swap3A_376 {strides = array<i32>} : memref<1x1x22x65x72xf32, #tpu.memory_space<vmem>>, vector<1x1x1x65x72xf32>,
    %get3A_377 = arith.constant 0 : index
    %get3A_378 = arith.constant 14 : index
    %get3A_379 = arith.constant 0 : index
    %get3A_380 = arith.constant 0 : index
    %get3A_381 = arith.constant 0 : index
    %get3A_382 = vector.load %arg2[%get3A_377, %get3A_378, %get3A_379, %get3A_380, %get3A_381] : memref<1x21x1x64x64xf32, #tpu.memory_space<vmem>>, vector<1x1x1x64x64xf32>
    %get3A_383 = vector.shape_cast %get3A_382 : vector<1x1x1x64x64xf32> to vector<64x64xf32>
    %dot_general3A_384 = arith.constant dense<0.000000e+00> : vector<64x64xf32>
    %dot_general3A_385 = tpu.matmul %convert_element_type3A_1, %get3A_383, %dot_general3A_384 {dimension_numbers = #tpu.dot_dimension_numbers<[1], [0], [0], [1], [0, 0, 1, 1], [], []>, precision = #tpu.contract_precision<fp32>, transpose_lhs_hint = false} : vector<64x64xf32>, vector<64x64xf32>, vector<64x64xf32> -> vector<64x64xf32>
    %dot_general3A_386 = arith.constant dense<0.000000e+00> : vector<64x64xf32>
    %dot_general3A_387 = tpu.matmul %dot_general3A_385, %convert_element_type3A_3, %dot_general3A_386 {dimension_numbers = #tpu.dot_dimension_numbers<[1], [0], [0], [1], [0, 0, 1, 1], [], []>, precision = #tpu.contract_precision<fp32>, transpose_lhs_hint = false} : vector<64x64xf32>, vector<64x64xf32>, vector<64x64xf32> -> vector<64x64xf32>
    %broadcast_in_dim3A_388 = arith.constant 0.000000e+00 : f32
    %broadcast_in_dim3A_389 = vector.broadcast %broadcast_in_dim3A_388 : f32 to vector<64x1xf32>
    %broadcast_in_dim3A_390 = arith.constant 0.000000e+00 : f32
    %broadcast_in_dim3A_391 = vector.broadcast %broadcast_in_dim3A_390 : f32 to vector<64x7xf32>
    %concatenate3A_392 = tpu.concatenate %broadcast_in_dim3A_389, %dot_general3A_387, %broadcast_in_dim3A_391 in 1 : vector<64x1xf32>, vector<64x64xf32>, vector<64x7xf32> -> vector<64x72xf32>
    %broadcast_in_dim3A_393 = arith.constant 0.000000e+00 : f32
    %broadcast_in_dim3A_394 = vector.broadcast %broadcast_in_dim3A_393 : f32 to vector<1x72xf32>
    %concatenate3A_395 = tpu.concatenate %broadcast_in_dim3A_394, %concatenate3A_392 in 0 : vector<1x72xf32>, vector<64x72xf32> -> vector<65x72xf32>
    %swap3A_396 = arith.constant 0 : index
    %swap3A_397 = arith.constant 0 : index
    %swap3A_398 = arith.constant 14 : index
    %swap3A_399 = arith.constant 0 : index
    %swap3A_400 = arith.constant 0 : index
    %swap3A_401 = vector.load %arg3[%swap3A_396, %swap3A_397, %swap3A_398, %swap3A_399, %swap3A_400] : memref<1x1x22x65x72xf32, #tpu.memory_space<vmem>>, vector<1x1x1x65x72xf32>
    %swap3A_402 = vector.shape_cast %swap3A_401 : vector<1x1x1x65x72xf32> to vector<65x72xf32>
    %swap3A_403 = vector.shape_cast %concatenate3A_395 : vector<65x72xf32> to vector<1x1x1x65x72xf32>
    tpu.vector_store %arg3[%swap3A_396, %swap3A_397, %swap3A_398, %swap3A_399, %swap3A_400], %swap3A_403 {strides = array<i32>} : memref<1x1x22x65x72xf32, #tpu.memory_space<vmem>>, vector<1x1x1x65x72xf32>,
    %get3A_404 = arith.constant 0 : index
    %get3A_405 = arith.constant 15 : index
    %get3A_406 = arith.constant 0 : index
    %get3A_407 = arith.constant 0 : index
    %get3A_408 = arith.constant 0 : index
    %get3A_409 = vector.load %arg2[%get3A_404, %get3A_405, %get3A_406, %get3A_407, %get3A_408] : memref<1x21x1x64x64xf32, #tpu.memory_space<vmem>>, vector<1x1x1x64x64xf32>
    %get3A_410 = vector.shape_cast %get3A_409 : vector<1x1x1x64x64xf32> to vector<64x64xf32>
    %dot_general3A_411 = arith.constant dense<0.000000e+00> : vector<64x64xf32>
    %dot_general3A_412 = tpu.matmul %convert_element_type3A_1, %get3A_410, %dot_general3A_411 {dimension_numbers = #tpu.dot_dimension_numbers<[1], [0], [0], [1], [0, 0, 1, 1], [], []>, precision = #tpu.contract_precision<fp32>, transpose_lhs_hint = false} : vector<64x64xf32>, vector<64x64xf32>, vector<64x64xf32> -> vector<64x64xf32>
    %dot_general3A_413 = arith.constant dense<0.000000e+00> : vector<64x64xf32>
    %dot_general3A_414 = tpu.matmul %dot_general3A_412, %convert_element_type3A_3, %dot_general3A_413 {dimension_numbers = #tpu.dot_dimension_numbers<[1], [0], [0], [1], [0, 0, 1, 1], [], []>, precision = #tpu.contract_precision<fp32>, transpose_lhs_hint = false} : vector<64x64xf32>, vector<64x64xf32>, vector<64x64xf32> -> vector<64x64xf32>
    %broadcast_in_dim3A_415 = arith.constant 0.000000e+00 : f32
    %broadcast_in_dim3A_416 = vector.broadcast %broadcast_in_dim3A_415 : f32 to vector<64x1xf32>
    %broadcast_in_dim3A_417 = arith.constant 0.000000e+00 : f32
    %broadcast_in_dim3A_418 = vector.broadcast %broadcast_in_dim3A_417 : f32 to vector<64x7xf32>
    %concatenate3A_419 = tpu.concatenate %broadcast_in_dim3A_416, %dot_general3A_414, %broadcast_in_dim3A_418 in 1 : vector<64x1xf32>, vector<64x64xf32>, vector<64x7xf32> -> vector<64x72xf32>
    %broadcast_in_dim3A_420 = arith.constant 0.000000e+00 : f32
    %broadcast_in_dim3A_421 = vector.broadcast %broadcast_in_dim3A_420 : f32 to vector<1x72xf32>
    %concatenate3A_422 = tpu.concatenate %broadcast_in_dim3A_421, %concatenate3A_419 in 0 : vector<1x72xf32>, vector<64x72xf32> -> vector<65x72xf32>
    %swap3A_423 = arith.constant 0 : index
    %swap3A_424 = arith.constant 0 : index
    %swap3A_425 = arith.constant 15 : index
    %swap3A_426 = arith.constant 0 : index
    %swap3A_427 = arith.constant 0 : index
    %swap3A_428 = vector.load %arg3[%swap3A_423, %swap3A_424, %swap3A_425, %swap3A_426, %swap3A_427] : memref<1x1x22x65x72xf32, #tpu.memory_space<vmem>>, vector<1x1x1x65x72xf32>
    %swap3A_429 = vector.shape_cast %swap3A_428 : vector<1x1x1x65x72xf32> to vector<65x72xf32>
    %swap3A_430 = vector.shape_cast %concatenate3A_422 : vector<65x72xf32> to vector<1x1x1x65x72xf32>
    tpu.vector_store %arg3[%swap3A_423, %swap3A_424, %swap3A_425, %swap3A_426, %swap3A_427], %swap3A_430 {strides = array<i32>} : memref<1x1x22x65x72xf32, #tpu.memory_space<vmem>>, vector<1x1x1x65x72xf32>,
    %get3A_431 = arith.constant 0 : index
    %get3A_432 = arith.constant 16 : index
    %get3A_433 = arith.constant 0 : index
    %get3A_434 = arith.constant 0 : index
    %get3A_435 = arith.constant 0 : index
    %get3A_436 = vector.load %arg2[%get3A_431, %get3A_432, %get3A_433, %get3A_434, %get3A_435] : memref<1x21x1x64x64xf32, #tpu.memory_space<vmem>>, vector<1x1x1x64x64xf32>
    %get3A_437 = vector.shape_cast %get3A_436 : vector<1x1x1x64x64xf32> to vector<64x64xf32>
    %dot_general3A_438 = arith.constant dense<0.000000e+00> : vector<64x64xf32>
    %dot_general3A_439 = tpu.matmul %convert_element_type3A_1, %get3A_437, %dot_general3A_438 {dimension_numbers = #tpu.dot_dimension_numbers<[1], [0], [0], [1], [0, 0, 1, 1], [], []>, precision = #tpu.contract_precision<fp32>, transpose_lhs_hint = false} : vector<64x64xf32>, vector<64x64xf32>, vector<64x64xf32> -> vector<64x64xf32>
    %dot_general3A_440 = arith.constant dense<0.000000e+00> : vector<64x64xf32>
    %dot_general3A_441 = tpu.matmul %dot_general3A_439, %convert_element_type3A_3, %dot_general3A_440 {dimension_numbers = #tpu.dot_dimension_numbers<[1], [0], [0], [1], [0, 0, 1, 1], [], []>, precision = #tpu.contract_precision<fp32>, transpose_lhs_hint = false} : vector<64x64xf32>, vector<64x64xf32>, vector<64x64xf32> -> vector<64x64xf32>
    %broadcast_in_dim3A_442 = arith.constant 0.000000e+00 : f32
    %broadcast_in_dim3A_443 = vector.broadcast %broadcast_in_dim3A_442 : f32 to vector<64x1xf32>
    %broadcast_in_dim3A_444 = arith.constant 0.000000e+00 : f32
    %broadcast_in_dim3A_445 = vector.broadcast %broadcast_in_dim3A_444 : f32 to vector<64x7xf32>
    %concatenate3A_446 = tpu.concatenate %broadcast_in_dim3A_443, %dot_general3A_441, %broadcast_in_dim3A_445 in 1 : vector<64x1xf32>, vector<64x64xf32>, vector<64x7xf32> -> vector<64x72xf32>
    %broadcast_in_dim3A_447 = arith.constant 0.000000e+00 : f32
    %broadcast_in_dim3A_448 = vector.broadcast %broadcast_in_dim3A_447 : f32 to vector<1x72xf32>
    %concatenate3A_449 = tpu.concatenate %broadcast_in_dim3A_448, %concatenate3A_446 in 0 : vector<1x72xf32>, vector<64x72xf32> -> vector<65x72xf32>
    %swap3A_450 = arith.constant 0 : index
    %swap3A_451 = arith.constant 0 : index
    %swap3A_452 = arith.constant 16 : index
    %swap3A_453 = arith.constant 0 : index
    %swap3A_454 = arith.constant 0 : index
    %swap3A_455 = vector.load %arg3[%swap3A_450, %swap3A_451, %swap3A_452, %swap3A_453, %swap3A_454] : memref<1x1x22x65x72xf32, #tpu.memory_space<vmem>>, vector<1x1x1x65x72xf32>
    %swap3A_456 = vector.shape_cast %swap3A_455 : vector<1x1x1x65x72xf32> to vector<65x72xf32>
    %swap3A_457 = vector.shape_cast %concatenate3A_449 : vector<65x72xf32> to vector<1x1x1x65x72xf32>
    tpu.vector_store %arg3[%swap3A_450, %swap3A_451, %swap3A_452, %swap3A_453, %swap3A_454], %swap3A_457 {strides = array<i32>} : memref<1x1x22x65x72xf32, #tpu.memory_space<vmem>>, vector<1x1x1x65x72xf32>,
    %get3A_458 = arith.constant 0 : index
    %get3A_459 = arith.constant 17 : index
    %get3A_460 = arith.constant 0 : index
    %get3A_461 = arith.constant 0 : index
    %get3A_462 = arith.constant 0 : index
    %get3A_463 = vector.load %arg2[%get3A_458, %get3A_459, %get3A_460, %get3A_461, %get3A_462] : memref<1x21x1x64x64xf32, #tpu.memory_space<vmem>>, vector<1x1x1x64x64xf32>
    %get3A_464 = vector.shape_cast %get3A_463 : vector<1x1x1x64x64xf32> to vector<64x64xf32>
    %dot_general3A_465 = arith.constant dense<0.000000e+00> : vector<64x64xf32>
    %dot_general3A_466 = tpu.matmul %convert_element_type3A_1, %get3A_464, %dot_general3A_465 {dimension_numbers = #tpu.dot_dimension_numbers<[1], [0], [0], [1], [0, 0, 1, 1], [], []>, precision = #tpu.contract_precision<fp32>, transpose_lhs_hint = false} : vector<64x64xf32>, vector<64x64xf32>, vector<64x64xf32> -> vector<64x64xf32>
    %dot_general3A_467 = arith.constant dense<0.000000e+00> : vector<64x64xf32>
    %dot_general3A_468 = tpu.matmul %dot_general3A_466, %convert_element_type3A_3, %dot_general3A_467 {dimension_numbers = #tpu.dot_dimension_numbers<[1], [0], [0], [1], [0, 0, 1, 1], [], []>, precision = #tpu.contract_precision<fp32>, transpose_lhs_hint = false} : vector<64x64xf32>, vector<64x64xf32>, vector<64x64xf32> -> vector<64x64xf32>
    %broadcast_in_dim3A_469 = arith.constant 0.000000e+00 : f32
    %broadcast_in_dim3A_470 = vector.broadcast %broadcast_in_dim3A_469 : f32 to vector<64x1xf32>
    %broadcast_in_dim3A_471 = arith.constant 0.000000e+00 : f32
    %broadcast_in_dim3A_472 = vector.broadcast %broadcast_in_dim3A_471 : f32 to vector<64x7xf32>
    %concatenate3A_473 = tpu.concatenate %broadcast_in_dim3A_470, %dot_general3A_468, %broadcast_in_dim3A_472 in 1 : vector<64x1xf32>, vector<64x64xf32>, vector<64x7xf32> -> vector<64x72xf32>
    %broadcast_in_dim3A_474 = arith.constant 0.000000e+00 : f32
    %broadcast_in_dim3A_475 = vector.broadcast %broadcast_in_dim3A_474 : f32 to vector<1x72xf32>
    %concatenate3A_476 = tpu.concatenate %broadcast_in_dim3A_475, %concatenate3A_473 in 0 : vector<1x72xf32>, vector<64x72xf32> -> vector<65x72xf32>
    %swap3A_477 = arith.constant 0 : index
    %swap3A_478 = arith.constant 0 : index
    %swap3A_479 = arith.constant 17 : index
    %swap3A_480 = arith.constant 0 : index
    %swap3A_481 = arith.constant 0 : index
    %swap3A_482 = vector.load %arg3[%swap3A_477, %swap3A_478, %swap3A_479, %swap3A_480, %swap3A_481] : memref<1x1x22x65x72xf32, #tpu.memory_space<vmem>>, vector<1x1x1x65x72xf32>
    %swap3A_483 = vector.shape_cast %swap3A_482 : vector<1x1x1x65x72xf32> to vector<65x72xf32>
    %swap3A_484 = vector.shape_cast %concatenate3A_476 : vector<65x72xf32> to vector<1x1x1x65x72xf32>
    tpu.vector_store %arg3[%swap3A_477, %swap3A_478, %swap3A_479, %swap3A_480, %swap3A_481], %swap3A_484 {strides = array<i32>} : memref<1x1x22x65x72xf32, #tpu.memory_space<vmem>>, vector<1x1x1x65x72xf32>,
    %get3A_485 = arith.constant 0 : index
    %get3A_486 = arith.constant 18 : index
    %get3A_487 = arith.constant 0 : index
    %get3A_488 = arith.constant 0 : index
    %get3A_489 = arith.constant 0 : index
    %get3A_490 = vector.load %arg2[%get3A_485, %get3A_486, %get3A_487, %get3A_488, %get3A_489] : memref<1x21x1x64x64xf32, #tpu.memory_space<vmem>>, vector<1x1x1x64x64xf32>
    %get3A_491 = vector.shape_cast %get3A_490 : vector<1x1x1x64x64xf32> to vector<64x64xf32>
    %dot_general3A_492 = arith.constant dense<0.000000e+00> : vector<64x64xf32>
    %dot_general3A_493 = tpu.matmul %convert_element_type3A_1, %get3A_491, %dot_general3A_492 {dimension_numbers = #tpu.dot_dimension_numbers<[1], [0], [0], [1], [0, 0, 1, 1], [], []>, precision = #tpu.contract_precision<fp32>, transpose_lhs_hint = false} : vector<64x64xf32>, vector<64x64xf32>, vector<64x64xf32> -> vector<64x64xf32>
    %dot_general3A_494 = arith.constant dense<0.000000e+00> : vector<64x64xf32>
    %dot_general3A_495 = tpu.matmul %dot_general3A_493, %convert_element_type3A_3, %dot_general3A_494 {dimension_numbers = #tpu.dot_dimension_numbers<[1], [0], [0], [1], [0, 0, 1, 1], [], []>, precision = #tpu.contract_precision<fp32>, transpose_lhs_hint = false} : vector<64x64xf32>, vector<64x64xf32>, vector<64x64xf32> -> vector<64x64xf32>
    %broadcast_in_dim3A_496 = arith.constant 0.000000e+00 : f32
    %broadcast_in_dim3A_497 = vector.broadcast %broadcast_in_dim3A_496 : f32 to vector<64x1xf32>
    %broadcast_in_dim3A_498 = arith.constant 0.000000e+00 : f32
    %broadcast_in_dim3A_499 = vector.broadcast %broadcast_in_dim3A_498 : f32 to vector<64x7xf32>
    %concatenate3A_500 = tpu.concatenate %broadcast_in_dim3A_497, %dot_general3A_495, %broadcast_in_dim3A_499 in 1 : vector<64x1xf32>, vector<64x64xf32>, vector<64x7xf32> -> vector<64x72xf32>
    %broadcast_in_dim3A_501 = arith.constant 0.000000e+00 : f32
    %broadcast_in_dim3A_502 = vector.broadcast %broadcast_in_dim3A_501 : f32 to vector<1x72xf32>
    %concatenate3A_503 = tpu.concatenate %broadcast_in_dim3A_502, %concatenate3A_500 in 0 : vector<1x72xf32>, vector<64x72xf32> -> vector<65x72xf32>
    %swap3A_504 = arith.constant 0 : index
    %swap3A_505 = arith.constant 0 : index
    %swap3A_506 = arith.constant 18 : index
    %swap3A_507 = arith.constant 0 : index
    %swap3A_508 = arith.constant 0 : index
    %swap3A_509 = vector.load %arg3[%swap3A_504, %swap3A_505, %swap3A_506, %swap3A_507, %swap3A_508] : memref<1x1x22x65x72xf32, #tpu.memory_space<vmem>>, vector<1x1x1x65x72xf32>
    %swap3A_510 = vector.shape_cast %swap3A_509 : vector<1x1x1x65x72xf32> to vector<65x72xf32>
    %swap3A_511 = vector.shape_cast %concatenate3A_503 : vector<65x72xf32> to vector<1x1x1x65x72xf32>
    tpu.vector_store %arg3[%swap3A_504, %swap3A_505, %swap3A_506, %swap3A_507, %swap3A_508], %swap3A_511 {strides = array<i32>} : memref<1x1x22x65x72xf32, #tpu.memory_space<vmem>>, vector<1x1x1x65x72xf32>,
    %get3A_512 = arith.constant 0 : index
    %get3A_513 = arith.constant 19 : index
    %get3A_514 = arith.constant 0 : index
    %get3A_515 = arith.constant 0 : index
    %get3A_516 = arith.constant 0 : index
    %get3A_517 = vector.load %arg2[%get3A_512, %get3A_513, %get3A_514, %get3A_515, %get3A_516] : memref<1x21x1x64x64xf32, #tpu.memory_space<vmem>>, vector<1x1x1x64x64xf32>
    %get3A_518 = vector.shape_cast %get3A_517 : vector<1x1x1x64x64xf32> to vector<64x64xf32>
    %dot_general3A_519 = arith.constant dense<0.000000e+00> : vector<64x64xf32>
    %dot_general3A_520 = tpu.matmul %convert_element_type3A_1, %get3A_518, %dot_general3A_519 {dimension_numbers = #tpu.dot_dimension_numbers<[1], [0], [0], [1], [0, 0, 1, 1], [], []>, precision = #tpu.contract_precision<fp32>, transpose_lhs_hint = false} : vector<64x64xf32>, vector<64x64xf32>, vector<64x64xf32> -> vector<64x64xf32>
    %dot_general3A_521 = arith.constant dense<0.000000e+00> : vector<64x64xf32>
    %dot_general3A_522 = tpu.matmul %dot_general3A_520, %convert_element_type3A_3, %dot_general3A_521 {dimension_numbers = #tpu.dot_dimension_numbers<[1], [0], [0], [1], [0, 0, 1, 1], [], []>, precision = #tpu.contract_precision<fp32>, transpose_lhs_hint = false} : vector<64x64xf32>, vector<64x64xf32>, vector<64x64xf32> -> vector<64x64xf32>
    %broadcast_in_dim3A_523 = arith.constant 0.000000e+00 : f32
    %broadcast_in_dim3A_524 = vector.broadcast %broadcast_in_dim3A_523 : f32 to vector<64x1xf32>
    %broadcast_in_dim3A_525 = arith.constant 0.000000e+00 : f32
    %broadcast_in_dim3A_526 = vector.broadcast %broadcast_in_dim3A_525 : f32 to vector<64x7xf32>
    %concatenate3A_527 = tpu.concatenate %broadcast_in_dim3A_524, %dot_general3A_522, %broadcast_in_dim3A_526 in 1 : vector<64x1xf32>, vector<64x64xf32>, vector<64x7xf32> -> vector<64x72xf32>
    %broadcast_in_dim3A_528 = arith.constant 0.000000e+00 : f32
    %broadcast_in_dim3A_529 = vector.broadcast %broadcast_in_dim3A_528 : f32 to vector<1x72xf32>
    %concatenate3A_530 = tpu.concatenate %broadcast_in_dim3A_529, %concatenate3A_527 in 0 : vector<1x72xf32>, vector<64x72xf32> -> vector<65x72xf32>
    %swap3A_531 = arith.constant 0 : index
    %swap3A_532 = arith.constant 0 : index
    %swap3A_533 = arith.constant 19 : index
    %swap3A_534 = arith.constant 0 : index
    %swap3A_535 = arith.constant 0 : index
    %swap3A_536 = vector.load %arg3[%swap3A_531, %swap3A_532, %swap3A_533, %swap3A_534, %swap3A_535] : memref<1x1x22x65x72xf32, #tpu.memory_space<vmem>>, vector<1x1x1x65x72xf32>
    %swap3A_537 = vector.shape_cast %swap3A_536 : vector<1x1x1x65x72xf32> to vector<65x72xf32>
    %swap3A_538 = vector.shape_cast %concatenate3A_530 : vector<65x72xf32> to vector<1x1x1x65x72xf32>
    tpu.vector_store %arg3[%swap3A_531, %swap3A_532, %swap3A_533, %swap3A_534, %swap3A_535], %swap3A_538 {strides = array<i32>} : memref<1x1x22x65x72xf32, #tpu.memory_space<vmem>>, vector<1x1x1x65x72xf32>,
    %get3A_539 = arith.constant 0 : index
    %get3A_540 = arith.constant 20 : index
    %get3A_541 = arith.constant 0 : index
    %get3A_542 = arith.constant 0 : index
    %get3A_543 = arith.constant 0 : index
    %get3A_544 = vector.load %arg2[%get3A_539, %get3A_540, %get3A_541, %get3A_542, %get3A_543] : memref<1x21x1x64x64xf32, #tpu.memory_space<vmem>>, vector<1x1x1x64x64xf32>
    %get3A_545 = vector.shape_cast %get3A_544 : vector<1x1x1x64x64xf32> to vector<64x64xf32>
    %dot_general3A_546 = arith.constant dense<0.000000e+00> : vector<64x64xf32>
    %dot_general3A_547 = tpu.matmul %convert_element_type3A_1, %get3A_545, %dot_general3A_546 {dimension_numbers = #tpu.dot_dimension_numbers<[1], [0], [0], [1], [0, 0, 1, 1], [], []>, precision = #tpu.contract_precision<fp32>, transpose_lhs_hint = false} : vector<64x64xf32>, vector<64x64xf32>, vector<64x64xf32> -> vector<64x64xf32>
    %dot_general3A_548 = arith.constant dense<0.000000e+00> : vector<64x64xf32>
    %dot_general3A_549 = tpu.matmul %dot_general3A_547, %convert_element_type3A_3, %dot_general3A_548 {dimension_numbers = #tpu.dot_dimension_numbers<[1], [0], [0], [1], [0, 0, 1, 1], [], []>, precision = #tpu.contract_precision<fp32>, transpose_lhs_hint = false} : vector<64x64xf32>, vector<64x64xf32>, vector<64x64xf32> -> vector<64x64xf32>
    %broadcast_in_dim3A_550 = arith.constant 0.000000e+00 : f32
    %broadcast_in_dim3A_551 = vector.broadcast %broadcast_in_dim3A_550 : f32 to vector<64x1xf32>
    %broadcast_in_dim3A_552 = arith.constant 0.000000e+00 : f32
    %broadcast_in_dim3A_553 = vector.broadcast %broadcast_in_dim3A_552 : f32 to vector<64x7xf32>
    %concatenate3A_554 = tpu.concatenate %broadcast_in_dim3A_551, %dot_general3A_549, %broadcast_in_dim3A_553 in 1 : vector<64x1xf32>, vector<64x64xf32>, vector<64x7xf32> -> vector<64x72xf32>
    %broadcast_in_dim3A_555 = arith.constant 0.000000e+00 : f32
    %broadcast_in_dim3A_556 = vector.broadcast %broadcast_in_dim3A_555 : f32 to vector<1x72xf32>
    %concatenate3A_557 = tpu.concatenate %broadcast_in_dim3A_556, %concatenate3A_554 in 0 : vector<1x72xf32>, vector<64x72xf32> -> vector<65x72xf32>
    %swap3A_558 = arith.constant 0 : index
    %swap3A_559 = arith.constant 0 : index
    %swap3A_560 = arith.constant 20 : index
    %swap3A_561 = arith.constant 0 : index
    %swap3A_562 = arith.constant 0 : index
    %swap3A_563 = vector.load %arg3[%swap3A_558, %swap3A_559, %swap3A_560, %swap3A_561, %swap3A_562] : memref<1x1x22x65x72xf32, #tpu.memory_space<vmem>>, vector<1x1x1x65x72xf32>
    %swap3A_564 = vector.shape_cast %swap3A_563 : vector<1x1x1x65x72xf32> to vector<65x72xf32>
    %swap3A_565 = vector.shape_cast %concatenate3A_557 : vector<65x72xf32> to vector<1x1x1x65x72xf32>
    tpu.vector_store %arg3[%swap3A_558, %swap3A_559, %swap3A_560, %swap3A_561, %swap3A_562], %swap3A_565 {strides = array<i32>} : memref<1x1x22x65x72xf32, #tpu.memory_space<vmem>>, vector<1x1x1x65x72xf32>,
    %broadcast_in_dim3A_566 = arith.constant 0.000000e+00 : f32
    %broadcast_in_dim3A_567 = vector.broadcast %broadcast_in_dim3A_566 : f32 to vector<65x72xf32>
    %swap3A_568 = arith.constant 0 : index
    %swap3A_569 = arith.constant 0 : index
    %swap3A_570 = arith.constant 21 : index
    %swap3A_571 = arith.constant 0 : index
    %swap3A_572 = arith.constant 0 : index
    %swap3A_573 = vector.load %arg3[%swap3A_568, %swap3A_569, %swap3A_570, %swap3A_571, %swap3A_572] : memref<1x1x22x65x72xf32, #tpu.memory_space<vmem>>, vector<1x1x1x65x72xf32>
    %swap3A_574 = vector.shape_cast %swap3A_573 : vector<1x1x1x65x72xf32> to vector<65x72xf32>
    %swap3A_575 = vector.shape_cast %broadcast_in_dim3A_567 : vector<65x72xf32> to vector<1x1x1x65x72xf32>
    tpu.vector_store %arg3[%swap3A_568, %swap3A_569, %swap3A_570, %swap3A_571, %swap3A_572], %swap3A_575 {strides = array<i32>} : memref<1x1x22x65x72xf32, #tpu.memory_space<vmem>>, vector<1x1x1x65x72xf32>,
    return
  }
  func.func @transform_0(%arg0: i32, %arg1: i32) -> (i32, i32, i32, i32, i32) {
    %c0_i32 = arith.constant 0 : i32
    %c0_i32_0 = arith.constant 0 : i32
    %c0_i32_1 = arith.constant 0 : i32
    %c0_i32_2 = arith.constant 0 : i32
    return %arg0, %c0_i32, %arg1, %c0_i32_0, %c0_i32_1 : i32, i32, i32, i32, i32
  }
  func.func @transform_1(%arg0: i32, %arg1: i32) -> (i32, i32, i32, i32, i32) {
    %c0_i32 = arith.constant 0 : i32
    %c0_i32_0 = arith.constant 0 : i32
    %c0_i32_1 = arith.constant 0 : i32
    %c0_i32_2 = arith.constant 0 : i32
    return %arg0, %arg1, %c0_i32, %c0_i32_0, %c0_i32_1 : i32, i32, i32, i32, i32
  }
}

</mosaic_0001>

<sc_bundles>
// kernel: kernel.5.cloned.1.call-start
scs
__scs_entry_jumppad:
0x0: {  	(pc) =	sbr.rel $0x88, $3  }
0x1: {  	(tag) =	ssettag $0x0;
	lr =	simm.s32 $0x1  }
0x2: {  	[smem:$0x3F9F] =	sst lr;
	_ =	strace $0xD0000000  }
0x3: {  	_ = 	snop  }
0x4: {  	_ = 	snop  }
0x5: {  	_ = 	snop  }
0x6: {  	_ = 	snop  }
0x7: {  	_ = 	snop  }
__scs_overlays_trampoline_lowered:
0x8: {  	[smem:$0x3FAE] =	sst s0  }
0x9: {  	[smem:$0x3FAF] =	sst s1  }
0xa: {  	[smem:$0x3FB0] =	sst s2  }
0xb: {  	[smem:$0x3FB1] =	sst s3  }
0xc: {  	[smem:$0x3FB2] =	sst s4  }
0xd: {  	[smem:$0x3FB3] =	sst s5  }
0xe: {  	[smem:$0x3FB4] =	sst s6  }
0xf: {  	[smem:$0x3FB5] =	sst s7  }
0x10: {  	[smem:$0x3FB6] =	sst s8  }
0x11: {  	[smem:$0x3FB7] =	sst s9;
	s0 =	simm.s32 @!p0 $0x0  }
0x12: {  	s1 =	sld [smem:$0x3F9D];
	s0 =	simm.s32 @p0 $0x1  }
0x13: {  	[smem:$0x3FB8] =	sst s0;
	s0 =	simm.s32 @!p1 $0x0  }
0x14: {  	s2 =	sld [smem:$0x3F9C];
	s0 =	simm.s32 @p1 $0x1  }
0x15: {  	[smem:$0x3FB9] =	sst s0;
	s0 =	simm.s32 @!p2 $0x0  }
0x16: {  	s3 =	sld [smem:$0x3FDB];
	s0 =	simm.s32 @p2 $0x1  }
0x17: {  	s4 =	simm.s32 $0x1BF5;
	[smem:$0x3FBB] =	sst s0  }
0x18: {  	s0 =	sld [smem:$0x3F9E];
	_ =	swait.ge [sflag:s4], $0x0  }
0x19: {  	s7 =	sld [smem:$0x3F9F]  }
0x1a: {  	s8 =	sadd.s32 $0xFFFFE003, lr  }
0x1b: {  	s9 =	sadd.s32 $0xFFFFFEF7, lr;
	s5 =	simm.s32 $0xFFFFFFFF;
	p2 =	slt.u32 s8, $0xFFFFF086  }
0x1c: {  	p1 =	slt.u32 s9, $0xF7A;
	s5 =	simm.s32 @!p2 $0x0  }
0x1d: {  	s5 =	simm.s32 @p1 $0x1;
	p0 =	seq.s32 s7, s2  }
0x1e: {  	s7 =	smul.u32 @!p0 $0xF7A, s2;
	p2 =	seq.s32 @!p0 s5, $0x0  }
0x1f: {  	s9 =	smul.u32 $0xF7A, s1;
	s8 =	simm.s32 @!p0 $0x1BF5;
	p2 =	por !p2, p0  }
0x20: {  	[sflag:s8] =	ssyncset.s32 @!p0 $0xFFFFF086;
	s6 =	sadd.s32 @!p0 s3, s7;
	s7 =	simm.s32 @!p0 $0x108  }
0x21: {  	s3 =	sadd.s32 s3, s9;
	s6 =	sadd.s32 @!p0 $0x88, s6;
	s7 =	simm.s32 @p2 $0x1082  }
0x22: {  	[simem:s7], [sflag:s8] =	dma.local @!p0 [hbm:s6], $0xF7A  }
0x23: {  	s9 =	sor.u32 $0xD0000000, s2;
	s6 =	simm.s32 $0x108;
	_ =	swait.ge @!p0 [sflag:s8], $0x0  }
0x24: {  	s3 =	sadd.s32 $0x88, s3;
	s6 =	simm.s32 @!p1 $0x1082;
	[sflag:s4] =	ssyncset.s32 $0xFFFFF086  }
0x25: {  	[simem:s6], [sflag:s4] =	dma.local [hbm:s3], $0xF7A  }
0x26: {  	[smem:$0x3F9F] =	sst s1;
	(tag) =	ssettag s2;
	_ =	strace s9  }
0x27: {  	s1 =	sld [smem:$0x3FAF]  }
0x28: {  	s2 =	sld [smem:$0x3FB0]  }
0x29: {  	s4 =	sld [smem:$0x3FB2]  }
0x2a: {  	p0 =	seq.s32 s5, $0x0;
	s5 =	sld [smem:$0x3FB3]  }
0x2b: {  	s6 =	sld [smem:$0x3FB4]  }
0x2c: {  	s7 =	sld [smem:$0x3FB5]  }
0x2d: {  	s3 =	simm.s32 $0x108;
	s8 =	sld [smem:$0x3FB6]  }
0x2e: {  	s3 =	simm.s32 @!p0 $0x1082;
	s9 =	sld [smem:$0x3FB7]  }
0x2f: {  	lr =	sadd.s32 s0, s3;
	s0 =	sld [smem:$0x3FAE]  }
0x30: {  	s3 =	sld [smem:$0x3FB1]  }
0x31: {  	[smem:$0x3FBA] =	sst s10  }
0x32: {  	s10 =	sld [smem:$0x3FB8];
	_ =	sdelay $0x3  }
0x33: {  	p0 =	seq.s32 s10, $0x1;
	s10 =	sld [smem:$0x3FBA];
	_ =	sdelay $0x3  }
0x34: {  	[smem:$0x3FBA] =	sst s10  }
0x35: {  	s10 =	sld [smem:$0x3FB9];
	_ =	sdelay $0x3  }
0x36: {  	p1 =	seq.s32 s10, $0x1;
	s10 =	sld [smem:$0x3FBA];
	_ =	sdelay $0x3  }
0x37: {  	[smem:$0x3FBA] =	sst s10  }
0x38: {  	s10 =	sld [smem:$0x3FBB]  }
0x39: {  	_ = 	snop;
	(pc) =	sbr.ind lr, $3  }
0x3a: {  	_ = 	snop  }
0x3b: {  	_ = 	snop  }
0x3c: {  	p2 =	seq.s32 s10, $0x1;
	s10 =	sld [smem:$0x3FBA]  }
0x3d: {  	_ =	shalt  }
0x3e: {  	_ =	shalt  }
0x3f: {  	_ =	shalt  }
0x40: {  	_ =	shalt  }
0x41: {  	_ =	shalt  }
0x42: {  	_ =	shalt  }
0x43: {  	_ =	shalt  }
0x44: {  	_ =	shalt  }
0x45: {  	_ =	shalt  }
0x46: {  	_ =	shalt  }
0x47: {  	_ =	shalt  }
0x48: {  	_ =	shalt  }
0x49: {  	_ =	shalt  }
0x4a: {  	_ =	shalt  }
0x4b: {  	_ =	shalt  }
0x4c: {  	_ =	shalt  }
0x4d: {  	_ =	shalt  }
0x4e: {  	_ =	shalt  }
0x4f: {  	_ =	shalt  }
0x50: {  	_ =	shalt  }
0x51: {  	_ =	shalt  }
0x52: {  	_ =	shalt  }
0x53: {  	_ =	shalt  }
0x54: {  	_ =	shalt  }
0x55: {  	_ =	shalt  }
0x56: {  	_ =	shalt  }
0x57: {  	_ =	shalt  }
0x58: {  	_ =	shalt  }
0x59: {  	_ =	shalt  }
0x5a: {  	_ =	shalt  }
0x5b: {  	_ =	shalt  }
0x5c: {  	_ =	shalt  }
0x5d: {  	_ =	shalt  }
0x5e: {  	_ =	shalt  }
0x5f: {  	_ =	shalt  }
0x60: {  	_ =	shalt  }
0x61: {  	_ =	shalt  }
0x62: {  	_ =	shalt  }
0x63: {  	_ =	shalt  }
0x64: {  	_ =	shalt  }
0x65: {  	_ =	shalt  }
0x66: {  	_ =	shalt  }
0x67: {  	_ =	shalt  }
0x68: {  	_ =	shalt  }
0x69: {  	_ =	shalt  }
0x6a: {  	_ =	shalt  }
0x6b: {  	_ =	shalt  }
0x6c: {  	_ =	shalt  }
0x6d: {  	_ =	shalt  }
0x6e: {  	_ =	shalt  }
0x6f: {  	_ =	shalt  }
0x70: {  	_ =	shalt  }
0x71: {  	_ =	shalt  }
0x72: {  	_ =	shalt  }
0x73: {  	_ =	shalt  }
0x74: {  	_ =	shalt  }
0x75: {  	_ =	shalt  }
0x76: {  	_ =	shalt  }
0x77: {  	_ =	shalt  }
0x78: {  	_ =	shalt  }
0x79: {  	_ =	shalt  }
0x7a: {  	_ =	shalt  }
0x7b: {  	_ =	shalt  }
0x7c: {  	_ =	shalt  }
0x7d: {  	_ =	shalt  }
0x7e: {  	_ =	shalt  }
0x7f: {  	_ =	shalt  }
0x80: {  	_ =	shalt  }
0x81: {  	_ =	shalt  }
0x82: {  	_ =	shalt  }
0x83: {  	_ =	shalt  }
0x84: {  	_ =	shalt  }
0x85: {  	_ =	shalt  }
0x86: {  	_ =	shalt  }
0x87: {  	_ =	shalt  }
.Lfunc_end0:
.L_simem_size_0:
called_computation_lowered:
.L_overlay_start_0:
0x88: {  	s2 =	sld [smem:$0x3FD9]  }
0x89: {  	s3 =	sld [smem:$0x3FFE];
	_ =	sdelay $0x1  }
0x8a: {  	s1 =	srdreg.scid  }
0x8b: {  	s0 =	sand.u32 $0x1, s1  }
0x8c: {  	s17 =	sshll.u32 s0, $0xA;
	s2 =	sadd.s32 s3, s2  }
0x8d: {  	s2 =	sadd.s32 s2, s17  }
0x8e: {  	[smem:$0x3FC6] =	sst s2  }
0x8f: {  	_ = 	snop  }
0x90: {  	s2 =	sld [smem:$0x3FD0];
	(tm) =	ssettm $0x1  }
0x91: {  	s18 =	sld [smem:$0x3FFB];
	_ =	sdelay $0x3  }
0x92: {  	_ =	strace s18  }
0x93: {  	s3 =	sld [smem:$0x3FFC];
	_ =	sdelay $0x3  }
0x94: {  	_ =	strace s3  }
0x95: {  	s3 =	sld [smem:$0x3FFD];
	_ =	sdelay $0x3  }
0x96: {  	_ =	strace s3  }
0x97: {  	_ =	strace $0x8FFFFFFF  }
0x98: {  	s19 =	sld [smem:$0x3FDB];
	_ =	sdelay $0x1  }
0x99: {  	s4 =	simm.s32 $_scs_section_size  }
0x9a: {  	s5 =	simm.s32 $_size__tile_overlayer_lowered;
	s6 =	simm.s32 $_tile_overlayer_lowered  }
0x9b: {  	s22 =	simm.s32 $0x1BFF;
	s21 =	sshll.u32 s6, $0x1;
	s3 =	sadd.s32 s4, s19  }
0x9c: {  	s7 =	simm.s32 $0x0;
	s20 =	sshll.u32 s5, $0x1;
	s5 =	sadd.s32 s21, s3  }
0x9d: {  	[timem:s7], [sflag:s22] =	dma.local [hbm:s5], s20  }
0x9e: {  	_ =	swait.ge [sflag:s22], s20  }
0x9f: {  	s4 =	ssub.s32 $0x0, s20;
	[sflag:s22] =	ssyncset.done $0x0  }
0xa0: {  	[sflag:s22] =	ssyncadd.s32 s4;
	_ =	sdelay $0x1  }
0xa1: {  	s23 =	simm.s32 $0x1B8B  }
0xa2: {  	_ =	swait.ge [sflag:s23], $0x1  }
0xa3: {  	[sflag:s23] =	ssyncset.done $0x0  }
0xa4: {  	s25 =	simm.s32 $0x1B8E;
	s24 =	sld [smem:$0x3FFE];
	[sflag:s23] =	ssyncadd.s32 $0xFFFFFFFF  }
0xa5: {  	s26 =	simm.s32 $execute0_lowered;
	[smem:$0x3FD2] =	sst s25  }
0xa6: {  	s5 =	sshll.u32 s26, $0x1;
	_ =	strace $0x80000046;
	[dreg:$0x1] =	wrdreg $0xFFFFFFFF  }
0xa7: {  	s28 =	simm.s32 $_size_execute0_lowered;
	s3 =	sadd.s32 s3, s5;
	[dreg:$0x0] =	wrdreg $0x0  }
0xa8: {  	s5 =	sshll.u32 s28, $0x1;
	[dreg:$0x2] =	wrdreg s3  }
0xa9: {  	[dreg:$0x3] =	wrdreg s5  }
0xaa: {  	[dreg:$0x4] =	wrdreg $0xC0  }
0xab: {  	_ =	task [dreg:s7], $0x5FFFF  }
0xac: {  	[dreg:$0x1] =	wrdreg $0xFFFFFFFF  }
0xad: {  	[dreg:$0x0] =	wrdreg $0x60  }
0xae: {  	[dreg:$0x2] =	wrdreg s24  }
0xaf: {  	[dreg:$0x3] =	wrdreg s2  }
0xb0: {  	[dreg:$0x4] =	wrdreg $0x9  }
0xb1: {  	_ =	task.clear_ibuf [dreg:s7], $0x5FFFF;
	_ =	strace $0x90000046  }
0xb2: {  	s29 =	simm.s32 $0x9;
	_ =	strace $0x80000048  }
0xb3: {  	_ =	swait.ge [sflag:s29], $0x1  }
0xb4: {  	[sflag:s29] =	ssyncadd.s32 $0xFFFFFFFF  }
0xb5: {  	_ =	strace $0x90000048  }
0xb6: {  	_ =	sfence  }
0xb7: {  	s30 =	sld [smem:$0x0];
	_ =	sdelay $0x2  }
0xb8: {  	s31 =	sshll.u32 s1, $0xD;
	s1 =	sshrl.u32 s1, $0x2  }
0xb9: {  	s3 =	sand.u32 $0x4000, s31;
	s1 =	sadd.s32 s1, s30  }
0xba: {  	s0 =	sor.u32 s3, s0;
	s1 =	sshll.u32 s1, $0x11  }
0xbb: {  	s0 =	sor.u32 s1, s0  }
0xbc: {  	s0 =	sadd.s32 $0x8F2B, s0  }
0xbd: {  	[sflag:s0] =	ssyncadd.remote.s32 $0x1  }
0xbe: {  	_ =	sfence.sel $0xFFFF  }
0xbf: {  	[dreg:$0x0] =	wrdreg $0xFFFFFFFF;
	(pc) =	sbr.abs _section_cstart, $3  }
0xc0: {  	[dreg:$0x1] =	wrdreg $0xFFFFFFFF  }
0xc1: {  	_ =	task.clear_ibuf [dreg:s7], $0x2FFFF;
	_ =	strace $0x9FFFFFFF  }
0xc2: {  	(tm) =	ssettm $0x7FFFFFFF  }
0xc3: {  	_ =	shalt  }
tec
execute0_lowered:
.L_overlay_start_1:
0x0: {  	(tag) =	ssettag $0x1  }
0x1: {  	s0 =	rddreg [dreg:$0x0];
	s2 =	simm.s32 $0x0  }
0x2: {  	s1 =	srdreg.scid;
	s5 =	stileid.u32;
	s13 =	simm.s32 $0x1  }
0x3: {  	v0 =	vlaneseq.u32;
	s19 =	simm.s32 $0x1CE80;
	s20 =	simm.s32 $0x1248;
	s21 =	simm.s32 $0x2490  }
0x4: {  	s28 =	simm.s32 $0x9240;
	s29 =	simm.s32 $0xA488;
	s30 =	simm.s32 $0xB6D0;
	v0 =	vmul.u32 $0xB, v0  }
0x5: {  	s16 =	simm.s32 $0x2C0;
	[smem:$0x7FF] =	sst s2;
	s22 =	sadd.s32 $0x1000, s0  }
0x6: {  	s3 =	sadd.s32 $0x135000, s0;
	_ =	strace $0x80000047;
	[dreg:$0x4] =	wrdreg s22;
	v4 =	vadd.s32 $0x7, v0;
	[tilespmem:$0x1FFC0] =	vst v0  }
0x7: {  	s4 =	sand.u32 $0x1, s1;
	s24 =	sadd.s32 $0x136400, s0;
	[dreg:$0x5] =	wrdreg s3;
	v8 =	vadd.s32 $0x8, v0;
	[tilespmem:$0x1FF80] =	vst v4  }
0x8: {  	s8 =	sadd.s32 $0x136800, s0;
	s31 =	sshll.u32 s5, $0x1;
	[dreg:$0x6] =	wrdreg s24;
	v9 =	vadd.s32 $0x9, v0;
	[tilespmem:$0x1FF90] =	vst v8  }
.Ltmp0:
0x9: {  	s23 =	ssub.s32 $0x2, s4;
	[dreg:$0x7] =	wrdreg s31;
	v10 =	vadd.s32 $0xA, v0;
	[tilespmem:$0x1FFA0] =	vst v9;
	(pc) =	sbr.rel .LBB2_1-.Ltmp0, $4  }
0xa: {  	s1 =	simm.s32 $0x0;
	[dreg:$0x3] =	wrdreg s4;
	s25 =	sshrl.u32 s23, $0x1;
	v1 =	vadd.s32 $0x1, v0;
	[tilespmem:$0x1FFB0] =	vst v10  }
0xb: {  	p0 =	seq.s32 s4, $0x1;
	s22 =	simm.s32 $0x36D8;
	v2 =	vadd.s32 $0x2, v0;
	s26 =	ssub.s32 s23, s25;
	[tilespmem:$0x1FFD0] =	vst v1  }
0xc: {  	s24 =	simm.s32 $0x5B68;
	v3 =	vadd.s32 $0x3, v0;
	s23 =	simm.s32 $0x4920;
	[tilespmem:$0x1FFE0] =	vst v2;
	s0 =	smax.u32 s26, $0x1  }
0xd: {  	v5 =	vadd.s32 $0x4, v0;
	v6 =	vadd.s32 $0x5, v0;
	v7 =	vadd.s32 $0x6, v0;
	s25 =	simm.s32 $0x6DB0;
	[tilespmem:$0x1FFF0] =	vst v3;
	s26 =	simm.s32 $0x7FF8;
	[dreg:$0x8] =	wrdreg s0  }
.LBB2_8:
0xe: {  	s1 =	rddreg [dreg:$0x9]  }
0xf: {  	s0 =	rddreg [dreg:$0x8];
	s1 =	sadd.s32 $0x1, s1  }
0x10: {  	p1 =	sne.s32 s1, s0  }
.Ltmp1:
0x11: {  	_ = 	snop;
	(pc) =	sbr.rel @!p1 .LBB2_9-.Ltmp1, $1  }
0x12: {  	_ =	sdelay $0x3  }
.LBB2_1:
0x13: {  	[dreg:$0x9] =	wrdreg s1  }
0x14: {  	s0 =	rddreg [dreg:$0x6]  }
.Ltmp2:
0x15: {  	s18 =	simm.s32 $0x1BA80;
	s31 =	simm.s32 $0x2;
	(pc) =	sbr.rel .LBB2_2-.Ltmp2, $4  }
0x16: {  	[tilespmem:s18], [sflag:$0x2] =	stream.linear.gather [hbm4b:s0+s2], $0x1400, $0x38;
	[tilespmem:$0x1D980] =	vst v63  }
0x17: {  	_ =	swait.ge [sflag:s31], $0x1400  }
0x18: {  	[sflag:s31] =	ssyncset.done $0x0  }
0x19: {  	s0 =	simm.s32 $0x0;
	[sflag:s31] =	ssyncadd.s32 $0xFFFFEC00  }
.LBB2_7:
0x1a: {  	s0 =	rddreg [dreg:$0xa]  }
0x1b: {  	s0 =	sadd.s32 $0x1, s0  }
0x1c: {  	p1 =	sne.s32 s0, $0x4  }
.Ltmp3:
0x1d: {  	_ = 	snop;
	(pc) =	sbr.rel @!p1 .LBB2_8-.Ltmp3, $1  }
0x1e: {  	_ =	sdelay $0x3  }
.LBB2_2:
0x1f: {  	s31 =	sshll.u32 s0, $0x5;
	s1 =	rddreg [dreg:$0x7]  }
0x20: {  	[dreg:$0xa] =	wrdreg s0;
	s0 =	sor.u32 s1, s31  }
0x21: {  	p1 =	sgt.u32 s0, $0x61  }
.Ltmp4:
0x22: {  	_ = 	snop;
	(pc) =	sbr.rel @p1 .LBB2_7-.Ltmp4, $1  }
0x23: {  	_ =	sdelay $0x3  }
0x24: {  	s1 =	rddreg [dreg:$0x3]  }
0x25: {  	s1 =	sor.u32 s1, s0  }
0x26: {  	p1 =	seq.s32 s1, $0x0  }
0x27: {  	p1 =	por !p1, !p0  }
0x28: {  	s3 =	simm.s32 $0x1;
	p1 =	por !p1, !p1  }
0x29: {  	s15 =	sshrl.u32 s0, $0x1;
	s3 =	simm.s32 @!p1 $0x0  }
0x2a: {  	s0 =	ssub.s32 s15, s3  }
0x2b: {  	s3 =	sshll.u32 s0, $0x18  }
0x2c: {  	s3 =	sshra.s32 s3, $0x18  }
0x2d: {  	s3 =	smul.u32 $0xFFFFFF93, s3;
	_ =	sdelay $0x1  }
0x2e: {  	s3 =	sshrl.u32 s3, $0x8  }
0x2f: {  	s17 =	sshll.u32 s0, $0x1;
	s3 =	sadd.s32 s0, s3  }
0x30: {  	s18 =	smul.u32 $0x19230, s0;
	s4 =	sand.u32 $0x80, s3;
	s3 =	sshll.u32 s3, $0x18  }
0x31: {  	s1 =	ssub.s32 s1, s17;
	s4 =	sshrl.u32 s4, $0x7;
	s3 =	sshra.s32 s3, $0x1A  }
0x32: {  	s9 =	rddreg [dreg:$0x4];
	s7 =	smul.u32 $0xC918, s1;
	s3 =	sadd.s32 s4, s3  }
0x33: {  	s10 =	simm.s32 $0xC918;
	s6 =	ssub.s32 $0x0, s0;
	s5 =	smul.u32 $0xFFFFFFF9, s3  }
0x34: {  	p6 =	slt.s32 s0, $0x1;
	s6 =	sand.u32 $0xFF, s6;
	s17 =	simm.s32 $0x0  }
0x35: {  	s4 =	sadd.s32 s18, s7;
	s3 =	sand.u32 $0xFF, s3;
	s5 =	sand.u32 $0xFF, s5  }
0x36: {  	s7 =	sshrl.u32 s4, $0x3;
	s4 =	sadd.s32 $0x4CFB30, s4;
	p2 =	sne.s32 s5, s6  }
0x37: {  	s5 =	sadd.s32 s9, s7;
	s7 =	simm.s32 $0x2;
	p1 =	por !p6, !p2  }
0x38: {  	[tilespmem:s17], [sflag:$0x2] =	stream.linear.gather [hbm4b:s5+s17], $0xC918, $0x38;
	[tilespmem:$0x1D980] =	vst v63  }
0x39: {  	s5 =	simm.s32 $0x1;
	p1 =	por !p1, !p1;
	_ =	swait.ge [sflag:s7], $0xC918  }
0x3a: {  	s4 =	sshrl.u32 s4, $0x3;
	s5 =	simm.s32 @!p1 $0x0;
	[sflag:s7] =	ssyncset.done $0x0  }
0x3b: {  	s4 =	sadd.s32 s9, s4;
	s3 =	ssub.s32 s3, s5;
	[sflag:s7] =	ssyncadd.s32 $0xFFFF36E8  }
0x3c: {  	[tilespmem:s10], [sflag:$0x2] =	stream.linear.gather [hbm4b:s4+s17], $0xC918, $0x38;
	[tilespmem:$0x1D980] =	vst v63  }
0x3d: {  	s11 =	sshrl.u32 s3, $0x3  }
0x3e: {  	s15 =	simm.s32 $0x80;
	s12 =	sshll.u32 s3, $0x7;
	s4 =	smul.u32 $0xA000, s11  }
0x3f: {  	s18 =	simm.s32 $0x400;
	s9 =	simm.s32 $0x19280;
	s5 =	sand.u32 $0x380, s12  }
0x40: {  	s3 =	smul.u32 $0xFFFFFFF9, s3;
	_ =	swait.ge [sflag:s7], $0xC918;
	s4 =	sor.u32 s5, s4  }
0x41: {  	[sflag:s7] =	ssyncset.done $0x0;
	s14 =	rddreg [dreg:$0x5];
	s4 =	sshrl.u32 s4, $0x3  }
0x42: {  	s3 =	sadd.s32 s0, s3;
	[sflag:s7] =	ssyncadd.s32 $0xFFFF36E8;
	s4 =	sadd.s32 s14, s4  }
0x43: {  	[tilespmem:s9], [sflag:$0x2] =	stream.strided.gather [hbm4b:s4+s15], $0x1400, s18, s15, $0x38;
	[tilespmem:$0x1D980] =	vst v63  }
0x44: {  	s9 =	sshrl.u32 s3, $0x3  }
0x45: {  	s3 =	sshll.u32 s3, $0x7;
	s4 =	smul.u32 $0xA000, s9;
	_ =	swait.ge [sflag:s7], $0x1400  }
0x46: {  	s3 =	sand.u32 $0x380, s3;
	[sflag:s7] =	ssyncset.done $0x0  }
0x47: {  	s3 =	sor.u32 s3, s4;
	[sflag:s7] =	ssyncadd.s32 $0xFFFFEC00  }
0x48: {  	s1 =	smul.u32 $0x160, s1;
	s3 =	sshrl.u32 s3, $0x3;
	s10 =	rddreg [dreg:$0x1]  }
0x49: {  	s11 =	simm.s32 $0x1A680;
	s0 =	smul.u32 $0x2C0, s0;
	s3 =	sadd.s32 s10, s3  }
0x4a: {  	[tilespmem:s11], [sflag:$0x2] =	stream.strided.gather [hbm4b:s3+s15], $0x1400, s18, s15, $0x38;
	[tilespmem:$0x1D980] =	vst v63  }
0x4b: {  	s18 =	sadd.s32 s0, s1  }
0x4c: {  	s31 =	simm.s32 $0x19290;
	s0 =	sadd.s32 $0x86C0, s18  }
0x4d: {  	_ =	swait.ge [sflag:s7], $0x1400;
	s12 =	sadd.s32 $0x10D80, s18;
	[dreg:$0xb] =	wrdreg s0  }
0x4e: {  	s5 =	simm.s32 $0x1BA90;
	s14 =	sadd.s32 $0x19440, s18;
	[dreg:$0xc] =	wrdreg s12  }
0x4f: {  	s15 =	sadd.s32 $0x21B00, s18;
	s4 =	sadd.s32 $0x2A1C0, s18;
	[dreg:$0xd] =	wrdreg s14  }
0x50: {  	s9 =	sadd.s32 $0x32880, s18;
	[sflag:s7] =	ssyncset.done $0x0;
	[dreg:$0xe] =	wrdreg s15  }
0x51: {  	s12 =	sadd.s32 $0x3AF40, s18;
	s0 =	simm.s32 $0x1A690;
	[sflag:s7] =	ssyncadd.s32 $0xFFFFEC00  }
.LBB2_4:
0x52: {  	v11 =	vld [tilespmem:s31+$0x0]  }
0x53: {  	v12 =	vld [tilespmem:s5+$0x0]  }
0x54: {  	v13 =	vld [tilespmem:s0+$0x0];
	_ =	sdelay $0x2  }
0x55: {  	v16 =	vshra.s32 v11, $0x10  }
0x56: {  	v11 =	vand.u32 $0xFFFF, v11;
	v12 =	vmul.u32 $0xC918, v12;
	v14 =	vmul.u32 $0x48, v16  }
0x57: {  	v15 =	vld [tilespmem:s31+$0xFFFFFFF0];
	v17 =	vand.u32 $0xFFFF, v13;
	v18 =	vmul.u32 $0x48, v11  }
0x58: {  	v19 =	vld [tilespmem:s0+$0xFFFFFFF0];
	v20 =	vshra.s32 v13, $0x10;
	v13 =	vadd.s32 v14, v12;
	v14 =	vsub.s32 v16, v11  }
0x59: {  	v21 =	vld [tilespmem:s5+$0xFFFFFFF0];
	v12 =	vadd.s32 v18, v12;
	v18 =	vsub.s32 v20, v17;
	v24 =	vadd.s32 v20, v13  }
0x5a: {  	v23 =	vadd.s32 v20, v12;
	v14 =	vmul.u32 v14, v18;
	_ =	sdelay $0x1  }
0x5b: {  	v26 =	vshra.s32 v15, $0x10;
	v22 =	vadd.s32 v17, v13;
	v13 =	vcvt.s32.f32 v14  }
0x5c: {  	v27 =	vand.u32 $0xFFFF, v19;
	v18 =	vand.u32 $0xFFFF, v15;
	v25 =	vadd.s32 v17, v12  }
0x5d: {  	v14 =	vmul.u32 $0x48, v26;
	v12 =	vmax.f32 v13, $1.000000000e+00;
	v13 =	vmul.u32 $0xC918, v21;
	v28 =	vld.idx.msk [tilespmem:v24+s2+$0x0], $0xffff  }
0x5e: {  	v19 =	vshra.s32 v19, $0x10;
	v15 =	vmul.u32 $0x48, v18;
	v21 =	vld.idx.msk [tilespmem:v23+s2+$0x0], $0xffff;
	(erf) = vrcp.f32 v12  }
0x5f: {  	v29 =	vsub.s32 v19, v27;
	v12 =	vsub.s32 v26, v18;
	v30 =	vadd.s32 v14, v13  }
0x60: {  	v31 =	vld.idx.msk [tilespmem:v22+s2+$0x0], $0xffff;
	v29 =	vmul.u32 v12, v29;
	v13 =	vadd.s32 v15, v13;
	v63 =	vadd.s32 v19, v30  }
0x61: {  	v62 =	vadd.s32 v19, v13  }
0x62: {  	v32 =	vld.idx.msk [tilespmem:v25+s2+$0x0], $0xffff;
	v29 =	vcvt.s32.f32 v29  }
0x63: {  	v12 =	vadd.s32 v27, v30;
	v21 =	vsub.f32 v28, v21  }
0x64: {  	v28 =	vmax.f32 v29, $1.000000000e+00  }
0x65: {  	s1 =	simm.s32 $0xB0;
	v61 =	vadd.s32 v27, v13;
	(erf) = vrcp.f32 v28;
	v21 =	vsub.f32 v21, v31;
	v28 =	vld.idx.msk [tilespmem:v63+s2+$0x0], $0xffff  }
0x66: {  	vm0 =	vle.s32 v16, v11;
	vm1 =	vle.s32 v20, v17;
	v29 =	vadd.s32 s1, v0;
	v47 =	vld.idx.msk [tilespmem:v62+s2+$0x0], $0xffff  }
0x67: {  	vm0 =	vmor vm0, vm1;
	v16 =	vadd.f32 v32, v21;
	v17 =	vpop (erf)  }
0x68: {  	v20 =	vld.idx.msk [tilespmem:v12+s2+$0x0], $0xffff;
	v33 =	vsel vm0, $0x0, v17  }
0x69: {  	v16 =	vmul.f32 v33, v16  }
0x6a: {  	v17 =	vld.idx.msk [tilespmem:v61+s2+$0x0], $0xffff  }
0x6b: {  	v11 =	vsub.f32 v28, v47;
	[tilespmem:v29+s19+$0x0] =	vst.idx.msk $0xffff, v16  }
0x6c: {  	v16 =	vld.idx.msk [tilespmem:v24+s20+$0x0], $0xffff  }
0x6d: {  	s14 =	simm.s32 $0x0;
	v21 =	vld.idx.msk [tilespmem:v23+s20+$0x0], $0xffff;
	v11 =	vsub.f32 v11, v20  }
0x6e: {  	vm7 =	vle.s32 v19, v27;
	vm6 =	vle.s32 v26, v18;
	v18 =	vadd.s32 s14, v0  }
0x6f: {  	vm0 =	vmor vm6, vm7;
	v20 =	vld.idx.msk [tilespmem:v22+s20+$0x0], $0xffff;
	v19 =	vpop (erf);
	v17 =	vadd.f32 v17, v11  }
0x70: {  	v60 =	vsel vm0, $0x0, v19  }
0x71: {  	v19 =	vld.idx.msk [tilespmem:v25+s20+$0x0], $0xffff;
	v17 =	vmul.f32 v60, v17  }
0x72: {  	v16 =	vsub.f32 v16, v21  }
0x73: {  	[tilespmem:v18+s19+$0x0] =	vst.idx.msk $0xffff, v17  }
0x74: {  	v16 =	vsub.f32 v16, v20;
	v17 =	vld.idx.msk [tilespmem:v63+s20+$0x0], $0xffff  }
0x75: {  	v18 =	vadd.s32 s1, v1;
	v20 =	vld.idx.msk [tilespmem:v62+s20+$0x0], $0xffff  }
0x76: {  	v16 =	vadd.f32 v19, v16  }
0x77: {  	v19 =	vld.idx.msk [tilespmem:v12+s20+$0x0], $0xffff  }
0x78: {  	v16 =	vmul.f32 v16, v33  }
0x79: {  	v21 =	vld.idx.msk [tilespmem:v61+s20+$0x0], $0xffff  }
0x7a: {  	[tilespmem:v18+s19+$0x0] =	vst.idx.msk $0xffff, v16;
	v16 =	vsub.f32 v17, v20  }
0x7b: {  	v17 =	vld.idx.msk [tilespmem:v24+s21+$0x0], $0xffff  }
0x7c: {  	v18 =	vld.idx.msk [tilespmem:v23+s21+$0x0], $0xffff;
	v16 =	vsub.f32 v16, v19  }
0x7d: {  	v19 =	vadd.s32 s14, v1  }
0x7e: {  	v20 =	vld.idx.msk [tilespmem:v22+s21+$0x0], $0xffff;
	v16 =	vadd.f32 v21, v16;
	_ =	sdelay $0x1  }
0x7f: {  	v21 =	vld.idx.msk [tilespmem:v25+s21+$0x0], $0xffff;
	v16 =	vmul.f32 v16, v60  }
0x80: {  	v17 =	vsub.f32 v17, v18  }
0x81: {  	[tilespmem:v19+s19+$0x0] =	vst.idx.msk $0xffff, v16  }
0x82: {  	v16 =	vsub.f32 v17, v20;
	v17 =	vld.idx.msk [tilespmem:v63+s21+$0x0], $0xffff  }
0x83: {  	v18 =	vadd.s32 s1, v2;
	v19 =	vld.idx.msk [tilespmem:v62+s21+$0x0], $0xffff  }
0x84: {  	v16 =	vadd.f32 v21, v16  }
0x85: {  	v20 =	vld.idx.msk [tilespmem:v12+s21+$0x0], $0xffff  }
0x86: {  	v16 =	vmul.f32 v16, v33  }
0x87: {  	v21 =	vld.idx.msk [tilespmem:v61+s21+$0x0], $0xffff  }
0x88: {  	[tilespmem:v18+s19+$0x0] =	vst.idx.msk $0xffff, v16;
	v16 =	vsub.f32 v17, v19;
	_ =	sdelay $0x1  }
0x89: {  	v16 =	vsub.f32 v16, v20  }
0x8a: {  	v19 =	vadd.s32 s14, v2;
	v17 =	vld.idx.msk [tilespmem:v24+s22+$0x0], $0xffff  }
0x8b: {  	v18 =	vld.idx.msk [tilespmem:v23+s22+$0x0], $0xffff;
	v16 =	vadd.f32 v21, v16;
	_ =	sdelay $0x1  }
0x8c: {  	v20 =	vld.idx.msk [tilespmem:v22+s22+$0x0], $0xffff;
	v16 =	vmul.f32 v16, v60;
	_ =	sdelay $0x1  }
0x8d: {  	v21 =	vld.idx.msk [tilespmem:v25+s22+$0x0], $0xffff;
	[tilespmem:v19+s19+$0x0] =	vst.idx.msk $0xffff, v16  }
0x8e: {  	v17 =	vsub.f32 v17, v18;
	v16 =	vld.idx.msk [tilespmem:v63+s22+$0x0], $0xffff  }
0x8f: {  	v18 =	vld.idx.msk [tilespmem:v62+s22+$0x0], $0xffff  }
0x90: {  	v17 =	vsub.f32 v17, v20  }
0x91: {  	v19 =	vadd.s32 s1, v3;
	v20 =	vld.idx.msk [tilespmem:v12+s22+$0x0], $0xffff  }
0x92: {  	v17 =	vadd.f32 v21, v17  }
0x93: {  	v21 =	vld.idx.msk [tilespmem:v61+s22+$0x0], $0xffff  }
0x94: {  	v17 =	vmul.f32 v17, v33;
	v16 =	vsub.f32 v16, v18;
	_ =	sdelay $0x1  }
0x95: {  	[tilespmem:v19+s19+$0x0] =	vst.idx.msk $0xffff, v17;
	v16 =	vsub.f32 v16, v20  }
0x96: {  	v19 =	vadd.s32 s14, v3;
	v17 =	vld.idx.msk [tilespmem:v24+s23+$0x0], $0xffff  }
0x97: {  	v18 =	vld.idx.msk [tilespmem:v23+s23+$0x0], $0xffff;
	v16 =	vadd.f32 v21, v16;
	_ =	sdelay $0x1  }
0x98: {  	v20 =	vld.idx.msk [tilespmem:v22+s23+$0x0], $0xffff;
	v16 =	vmul.f32 v16, v60;
	_ =	sdelay $0x1  }
0x99: {  	v21 =	vld.idx.msk [tilespmem:v25+s23+$0x0], $0xffff;
	[tilespmem:v19+s19+$0x0] =	vst.idx.msk $0xffff, v16  }
0x9a: {  	v17 =	vsub.f32 v17, v18;
	v16 =	vld.idx.msk [tilespmem:v63+s23+$0x0], $0xffff  }
0x9b: {  	v18 =	vld.idx.msk [tilespmem:v62+s23+$0x0], $0xffff  }
0x9c: {  	v17 =	vsub.f32 v17, v20  }
0x9d: {  	s10 =	sadd.s32 $0x20, s31;
	v19 =	vadd.s32 s1, v5;
	v20 =	vld.idx.msk [tilespmem:v12+s23+$0x0], $0xffff  }
0x9e: {  	v27 =	vld [tilespmem:s10+$0x0];
	v17 =	vadd.f32 v21, v17  }
0x9f: {  	s7 =	sadd.s32 $0x20, s5;
	v21 =	vld.idx.msk [tilespmem:v61+s23+$0x0], $0xffff  }
0xa0: {  	v28 =	vld [tilespmem:s7+$0x0];
	v17 =	vmul.f32 v17, v33;
	v16 =	vsub.f32 v16, v18  }
0xa1: {  	s11 =	sadd.s32 $0x20, s0  }
0xa2: {  	v26 =	vld [tilespmem:s11+$0x0];
	[tilespmem:v19+s19+$0x0] =	vst.idx.msk $0xffff, v17;
	v16 =	vsub.f32 v16, v20  }
0xa3: {  	v17 =	vld.idx.msk [tilespmem:v24+s24+$0x0], $0xffff  }
0xa4: {  	v18 =	vld.idx.msk [tilespmem:v23+s24+$0x0], $0xffff;
	v16 =	vadd.f32 v21, v16;
	v21 =	vshra.s32 v27, $0x10  }
0xa5: {  	v28 =	vmul.u32 $0xC918, v28;
	v27 =	vand.u32 $0xFFFF, v27;
	v29 =	vmul.u32 $0x48, v21  }
0xa6: {  	v20 =	vld.idx.msk [tilespmem:v22+s24+$0x0], $0xffff;
	v48 =	vmul.u32 $0x48, v27  }
0xa7: {  	v30 =	vand.u32 $0xFFFF, v26;
	v26 =	vshra.s32 v26, $0x10;
	v29 =	vadd.s32 v29, v28  }
0xa8: {  	v19 =	vadd.s32 s14, v5;
	v31 =	vld.idx.msk [tilespmem:v25+s24+$0x0], $0xffff;
	v28 =	vadd.s32 v48, v28;
	v36 =	vadd.s32 v26, v29  }
0xa9: {  	v34 =	vld [tilespmem:s10+$0xFFFFFFF0];
	v17 =	vsub.f32 v17, v18;
	v35 =	vadd.s32 v26, v28  }
0xaa: {  	v49 =	vsub.s32 v26, v30;
	v16 =	vmul.f32 v16, v60;
	v18 =	vsub.s32 v21, v27  }
0xab: {  	v37 =	vld [tilespmem:s7+$0xFFFFFFF0];
	v18 =	vmul.u32 v18, v49;
	v17 =	vsub.f32 v17, v20;
	v32 =	vadd.s32 v30, v29  }
0xac: {  	v20 =	vld [tilespmem:s11+$0xFFFFFFF0];
	v29 =	vadd.s32 s1, v6  }
0xad: {  	[tilespmem:v19+s19+$0x0] =	vst.idx.msk $0xffff, v16;
	v16 =	vadd.f32 v31, v17;
	v17 =	vcvt.s32.f32 v18;
	v19 =	vld.idx.msk [tilespmem:v36+s2+$0x0], $0xffff  }
0xae: {  	v38 =	vshra.s32 v34, $0x10;
	v31 =	vand.u32 $0xFFFF, v34;
	v34 =	vadd.s32 v30, v28;
	v28 =	vld.idx.msk [tilespmem:v35+s2+$0x0], $0xffff  }
0xaf: {  	v16 =	vmul.f32 v16, v33;
	v17 =	vmax.f32 v17, $1.000000000e+00  }
0xb0: {  	v50 =	vmul.u32 $0x48, v38;
	v18 =	vmul.u32 $0xC918, v37;
	(erf) = vrcp.f32 v17;
	v42 =	vld.idx.msk [tilespmem:v32+s2+$0x0], $0xffff  }
0xb1: {  	v39 =	vld.idx.msk [tilespmem:v63+s24+$0x0], $0xffff;
	v40 =	vand.u32 $0xFFFF, v20;
	v41 =	vshra.s32 v20, $0x10;
	v17 =	vmul.u32 $0x48, v31;
	[tilespmem:v29+s19+$0x0] =	vst.idx.msk $0xffff, v16  }
0xb2: {  	v37 =	vadd.s32 v50, v18;
	v16 =	vsub.s32 v38, v31;
	v20 =	vsub.s32 v41, v40;
	v29 =	vld.idx.msk [tilespmem:v24+s25+$0x0], $0xffff  }
0xb3: {  	v14 =	vadd.s32 v41, v37;
	v43 =	vadd.s32 v17, v18;
	v44 =	vld.idx.msk [tilespmem:v23+s25+$0x0], $0xffff;
	v19 =	vsub.f32 v19, v28  }
0xb4: {  	v16 =	vmul.u32 v16, v20;
	v45 =	vld.idx.msk [tilespmem:v34+s2+$0x0], $0xffff;
	v11 =	vadd.s32 v41, v43  }
0xb5: {  	v47 =	vld.idx.msk [tilespmem:v22+s25+$0x0], $0xffff;
	v19 =	vsub.f32 v19, v42  }
0xb6: {  	s6 =	simm.s32 $0x210;
	v56 =	vld.idx.msk [tilespmem:v61+s24+$0x0], $0xffff;
	v17 =	vadd.s32 v40, v37;
	v46 =	vcvt.s32.f32 v16  }
0xb7: {  	v53 =	vadd.s32 s6, v0;
	vm9 =	vle.s32 v26, v30;
	vm8 =	vle.s32 v21, v27;
	v52 =	vld.idx.msk [tilespmem:v25+s25+$0x0], $0xffff  }
0xb8: {  	v13 =	vadd.s32 v40, v43;
	v51 =	vmax.f32 v46, $1.000000000e+00;
	v54 =	vld.idx.msk [tilespmem:v14+s2+$0x0], $0xffff;
	v21 =	vsub.f32 v29, v44  }
0xb9: {  	vm0 =	vmor vm8, vm9;
	(erf) = vrcp.f32 v51;
	v26 =	vld.idx.msk [tilespmem:v11+s2+$0x0], $0xffff;
	v27 =	vadd.f32 v45, v19;
	v19 =	vpop (erf)  }
0xba: {  	v28 =	vld.idx.msk [tilespmem:v62+s24+$0x0], $0xffff;
	v21 =	vsub.f32 v21, v47;
	v19 =	vsel vm0, $0x0, v19  }
0xbb: {  	v55 =	vadd.s32 s1, v7;
	v30 =	vld.idx.msk [tilespmem:v17+s2+$0x0], $0xffff;
	v27 =	vmul.f32 v19, v27  }
0xbc: {  	v29 =	vld.idx.msk [tilespmem:v12+s24+$0x0], $0xffff;
	v21 =	vadd.f32 v52, v21  }
0xbd: {  	v57 =	vld.idx.msk [tilespmem:v13+s2+$0x0], $0xffff;
	[tilespmem:v53+s19+$0x0] =	vst.idx.msk $0xffff, v27  }
0xbe: {  	v21 =	vmul.f32 v21, v33;
	v26 =	vsub.f32 v54, v26;
	v27 =	vld.idx.msk [tilespmem:v36+s20+$0x0], $0xffff  }
0xbf: {  	v28 =	vsub.f32 v39, v28;
	v58 =	vld.idx.msk [tilespmem:v35+s20+$0x0], $0xffff  }
0xc0: {  	s3 =	simm.s32 $0x160;
	vm10 =	vle.s32 v38, v31;
	[tilespmem:v55+s19+$0x0] =	vst.idx.msk $0xffff, v21;
	v21 =	vsub.f32 v26, v30;
	v59 =	vld.idx.msk [tilespmem:v32+s20+$0x0], $0xffff  }
0xc1: {  	vm11 =	vle.s32 v41, v40;
	v28 =	vsub.f32 v28, v29;
	v26 =	vadd.s32 s3, v0;
	v30 =	vld.idx.msk [tilespmem:v24+s26+$0x0], $0xffff  }
0xc2: {  	v46 =	vadd.s32 s14, v6;
	vm0 =	vmor vm10, vm11;
	v29 =	vpop (erf);
	v31 =	vld.idx.msk [tilespmem:v23+s26+$0x0], $0xffff;
	v45 =	vadd.f32 v57, v21  }
0xc3: {  	v28 =	vadd.f32 v56, v28;
	v21 =	vsel vm0, $0x0, v29;
	v29 =	vld.idx.msk [tilespmem:v34+s20+$0x0], $0xffff  }
0xc4: {  	v47 =	vld.idx.msk [tilespmem:v22+s26+$0x0], $0xffff;
	v37 =	vmul.f32 v21, v45;
	v27 =	vsub.f32 v27, v58  }
0xc5: {  	v28 =	vmul.f32 v28, v60  }
0xc6: {  	v48 =	vld.idx.msk [tilespmem:v25+s26+$0x0], $0xffff;
	[tilespmem:v26+s19+$0x0] =	vst.idx.msk $0xffff, v37;
	v26 =	vsub.f32 v27, v59  }
0xc7: {  	v49 =	vadd.s32 s6, v1;
	[tilespmem:v46+s19+$0x0] =	vst.idx.msk $0xffff, v28;
	v30 =	vsub.f32 v30, v31;
	v28 =	vld.idx.msk [tilespmem:v11+s20+$0x0], $0xffff  }
0xc8: {  	v27 =	vld.idx.msk [tilespmem:v14+s20+$0x0], $0xffff;
	v26 =	vadd.f32 v29, v26  }
0xc9: {  	v51 =	vld.idx.msk [tilespmem:v62+s25+$0x0], $0xffff;
	v30 =	vsub.f32 v30, v47  }
0xca: {  	v50 =	vadd.s32 s1, v4;
	v31 =	vld.idx.msk [tilespmem:v17+s20+$0x0], $0xffff;
	v26 =	vmul.f32 v26, v19  }
0xcb: {  	v52 =	vld.idx.msk [tilespmem:v13+s20+$0x0], $0xffff;
	v30 =	vadd.f32 v48, v30  }
0xcc: {  	v29 =	vld.idx.msk [tilespmem:v63+s25+$0x0], $0xffff;
	[tilespmem:v49+s19+$0x0] =	vst.idx.msk $0xffff, v26  }
0xcd: {  	v30 =	vmul.f32 v30, v33;
	v27 =	vsub.f32 v27, v28;
	v26 =	vld.idx.msk [tilespmem:v36+s21+$0x0], $0xffff  }
0xce: {  	v28 =	vld.idx.msk [tilespmem:v35+s21+$0x0], $0xffff  }
0xcf: {  	[tilespmem:v50+s19+$0x0] =	vst.idx.msk $0xffff, v30;
	v37 =	vld.idx.msk [tilespmem:v32+s21+$0x0], $0xffff;
	v27 =	vsub.f32 v27, v31  }
0xd0: {  	v30 =	vadd.s32 s3, v1;
	v31 =	vld.idx.msk [tilespmem:v24+s28+$0x0], $0xffff  }
0xd1: {  	v38 =	vld.idx.msk [tilespmem:v23+s28+$0x0], $0xffff;
	v27 =	vadd.f32 v52, v27  }
0xd2: {  	v53 =	vld.idx.msk [tilespmem:v34+s21+$0x0], $0xffff  }
0xd3: {  	v54 =	vld.idx.msk [tilespmem:v22+s28+$0x0], $0xffff;
	v27 =	vmul.f32 v27, v21;
	v26 =	vsub.f32 v26, v28  }
0xd4: {  	v55 =	vld.idx.msk [tilespmem:v25+s28+$0x0], $0xffff  }
0xd5: {  	v28 =	vld.idx.msk [tilespmem:v12+s25+$0x0], $0xffff;
	[tilespmem:v30+s19+$0x0] =	vst.idx.msk $0xffff, v27;
	v26 =	vsub.f32 v26, v37  }
0xd6: {  	v31 =	vsub.f32 v31, v38;
	v30 =	vadd.s32 s6, v2;
	v27 =	vld.idx.msk [tilespmem:v14+s21+$0x0], $0xffff  }
0xd7: {  	v56 =	vld.idx.msk [tilespmem:v11+s21+$0x0], $0xffff;
	v26 =	vadd.f32 v53, v26  }
0xd8: {  	v57 =	vld.idx.msk [tilespmem:v61+s25+$0x0], $0xffff;
	v31 =	vsub.f32 v31, v54  }
0xd9: {  	v59 =	vadd.s32 s1, v8;
	v58 =	vld.idx.msk [tilespmem:v17+s21+$0x0], $0xffff;
	v26 =	vmul.f32 v26, v19  }
0xda: {  	v29 =	vsub.f32 v29, v51;
	v31 =	vadd.f32 v55, v31  }
0xdb: {  	v44 =	vld.idx.msk [tilespmem:v13+s21+$0x0], $0xffff;
	[tilespmem:v30+s19+$0x0] =	vst.idx.msk $0xffff, v26  }
0xdc: {  	v27 =	vsub.f32 v27, v56;
	v26 =	vsub.f32 v29, v28;
	v29 =	vmul.f32 v31, v33;
	v28 =	vld.idx.msk [tilespmem:v32+s22+$0x0], $0xffff  }
0xdd: {  	v30 =	vadd.s32 s14, v7;
	v31 =	vld.idx.msk [tilespmem:v36+s22+$0x0], $0xffff  }
0xde: {  	v45 =	vld.idx.msk [tilespmem:v35+s22+$0x0], $0xffff;
	v27 =	vsub.f32 v27, v58;
	v26 =	vadd.f32 v57, v26;
	[tilespmem:v59+s19+$0x0] =	vst.idx.msk $0xffff, v29  }
0xdf: {  	v29 =	vadd.s32 s3, v2;
	v46 =	vld.idx.msk [tilespmem:v24+s29+$0x0], $0xffff  }
0xe0: {  	v47 =	vld.idx.msk [tilespmem:v23+s29+$0x0], $0xffff;
	v27 =	vadd.f32 v44, v27;
	v26 =	vmul.f32 v26, v60  }
0xe1: {  	v48 =	vld.idx.msk [tilespmem:v34+s22+$0x0], $0xffff  }
0xe2: {  	s7 =	sadd.s32 $0x20, s7;
	v27 =	vmul.f32 v27, v21;
	[tilespmem:v30+s19+$0x0] =	vst.idx.msk $0xffff, v26;
	v26 =	vld.idx.msk [tilespmem:v22+s29+$0x0], $0xffff  }
0xe3: {  	v56 =	vld [tilespmem:s7+$0x0];
	v31 =	vsub.f32 v31, v45  }
0xe4: {  	v49 =	vld.idx.msk [tilespmem:v25+s29+$0x0], $0xffff;
	[tilespmem:v29+s19+$0x0] =	vst.idx.msk $0xffff, v27  }
0xe5: {  	v27 =	vld.idx.msk [tilespmem:v14+s22+$0x0], $0xffff;
	v28 =	vsub.f32 v31, v28;
	v29 =	vsub.f32 v46, v47  }
0xe6: {  	v50 =	vadd.s32 s6, v3;
	v31 =	vld.idx.msk [tilespmem:v11+s22+$0x0], $0xffff  }
0xe7: {  	v30 =	vld.idx.msk [tilespmem:v63+s26+$0x0], $0xffff;
	v28 =	vadd.f32 v48, v28;
	v26 =	vsub.f32 v29, v26  }
0xe8: {  	v52 =	vadd.s32 s1, v9;
	v29 =	vld.idx.msk [tilespmem:v17+s22+$0x0], $0xffff  }
0xe9: {  	v51 =	vld.idx.msk [tilespmem:v62+s26+$0x0], $0xffff;
	v28 =	vmul.f32 v28, v19;
	v26 =	vadd.f32 v49, v26  }
0xea: {  	v54 =	vld.idx.msk [tilespmem:v13+s22+$0x0], $0xffff  }
0xeb: {  	v53 =	vld.idx.msk [tilespmem:v12+s26+$0x0], $0xffff;
	v27 =	vsub.f32 v27, v31;
	[tilespmem:v50+s19+$0x0] =	vst.idx.msk $0xffff, v28;
	v26 =	vmul.f32 v26, v33  }
0xec: {  	v28 =	vld.idx.msk [tilespmem:v36+s23+$0x0], $0xffff  }
0xed: {  	v31 =	vld.idx.msk [tilespmem:v35+s23+$0x0], $0xffff;
	[tilespmem:v52+s19+$0x0] =	vst.idx.msk $0xffff, v26;
	v26 =	vsub.f32 v27, v29  }
0xee: {  	v39 =	vld.idx.msk [tilespmem:v24+s30+$0x0], $0xffff  }
0xef: {  	v27 =	vadd.s32 s3, v3;
	v24 =	vadd.f32 v54, v26;
	v26 =	vld.idx.msk [tilespmem:v32+s23+$0x0], $0xffff  }
0xf0: {  	v40 =	vld.idx.msk [tilespmem:v23+s30+$0x0], $0xffff  }
0xf1: {  	v23 =	vmul.f32 v24, v21;
	v24 =	vld.idx.msk [tilespmem:v34+s23+$0x0], $0xffff  }
0xf2: {  	v38 =	vld.idx.msk [tilespmem:v22+s30+$0x0], $0xffff;
	v22 =	vsub.f32 v28, v31  }
0xf3: {  	v55 =	vld.idx.msk [tilespmem:v61+s26+$0x0], $0xffff  }
0xf4: {  	v37 =	vld.idx.msk [tilespmem:v25+s30+$0x0], $0xffff;
	[tilespmem:v27+s19+$0x0] =	vst.idx.msk $0xffff, v23;
	v23 =	vsub.f32 v30, v51;
	v22 =	vsub.f32 v22, v26  }
0xf5: {  	v27 =	vadd.s32 s6, v5;
	v25 =	vld.idx.msk [tilespmem:v14+s23+$0x0], $0xffff  }
0xf6: {  	s15 =	sadd.s32 $0x20, s11;
	v26 =	vld.idx.msk [tilespmem:v11+s23+$0x0], $0xffff;
	v23 =	vsub.f32 v23, v53;
	v22 =	vadd.f32 v24, v22  }
0xf7: {  	v30 =	vld [tilespmem:s15+$0x0];
	v24 =	vadd.s32 s14, v4  }
0xf8: {  	s11 =	sadd.s32 $0x20, s10;
	v28 =	vld.idx.msk [tilespmem:v17+s23+$0x0], $0xffff;
	v23 =	vadd.f32 v55, v23;
	v22 =	vmul.f32 v22, v19  }
0xf9: {  	v31 =	vld [tilespmem:s11+$0x0]  }
0xfa: {  	v29 =	vld.idx.msk [tilespmem:v13+s23+$0x0], $0xffff;
	v23 =	vmul.f32 v23, v60;
	[tilespmem:v27+s19+$0x0] =	vst.idx.msk $0xffff, v22  }
0xfb: {  	v25 =	vsub.f32 v25, v26;
	v22 =	vld.idx.msk [tilespmem:v36+s24+$0x0], $0xffff  }
0xfc: {  	[tilespmem:v24+s19+$0x0] =	vst.idx.msk $0xffff, v23;
	v24 =	vld.idx.msk [tilespmem:v35+s24+$0x0], $0xffff  }
0xfd: {  	v49 =	vld [tilespmem:s15+$0xFFFFFFF0];
	v42 =	vand.u32 $0xFFFF, v30;
	v23 =	vsub.f32 v25, v28  }
0xfe: {  	v47 =	vshra.s32 v30, $0x10;
	v27 =	vshra.s32 v31, $0x10;
	v26 =	vld.idx.msk [tilespmem:v32+s24+$0x0], $0xffff;
	v28 =	vmul.u32 $0xC918, v56  }
0xff: {  	v50 =	vld [tilespmem:s7+$0xFFFFFFF0];
	v23 =	vadd.f32 v29, v23;
	v29 =	vand.u32 $0xFFFF, v31;
	v31 =	vmul.u32 $0x48, v27  }
0x100: {  	v54 =	vsub.s32 v47, v42;
	v25 =	vadd.s32 s3, v5;
	v57 =	vld.idx.msk [tilespmem:v34+s24+$0x0], $0xffff;
	v58 =	vmul.u32 $0x48, v29  }
0x101: {  	v30 =	vld [tilespmem:s11+$0xFFFFFFF0];
	v48 =	vsub.s32 v27, v29;
	v31 =	vadd.s32 v31, v28;
	v24 =	vsub.f32 v22, v24  }
0x102: {  	v41 =	vld.idx.msk [tilespmem:v63+s28+$0x0], $0xffff;
	v59 =	vmul.f32 v23, v21;
	v28 =	vadd.s32 v58, v28;
	v22 =	vadd.s32 v47, v31  }
0x103: {  	v43 =	vld.idx.msk [tilespmem:v62+s28+$0x0], $0xffff;
	v45 =	vmul.u32 v48, v54;
	v23 =	vadd.s32 v47, v28;
	v26 =	vsub.f32 v24, v26  }
0x104: {  	v51 =	vld.idx.msk [tilespmem:v61+s28+$0x0], $0xffff;
	v24 =	vadd.s32 v42, v31;
	v31 =	vadd.s32 s6, v6  }
0x105: {  	v48 =	vld.idx.msk [tilespmem:v12+s28+$0x0], $0xffff;
	[tilespmem:v25+s19+$0x0] =	vst.idx.msk $0xffff, v59;
	v55 =	vcvt.s32.f32 v45;
	v26 =	vadd.f32 v57, v26  }
0x106: {  	v45 =	vld.idx.msk [tilespmem:v14+s24+$0x0], $0xffff  }
0x107: {  	v25 =	vadd.s32 v42, v28;
	v28 =	vmax.f32 v55, $1.000000000e+00;
	v46 =	vld.idx.msk [tilespmem:v22+s2+$0x0], $0xffff;
	v26 =	vmul.f32 v26, v19  }
0x108: {  	v44 =	vshra.s32 v30, $0x10;
	(erf) = vrcp.f32 v28;
	v52 =	vld.idx.msk [tilespmem:v23+s2+$0x0], $0xffff  }
0x109: {  	v53 =	vand.u32 $0xFFFF, v30;
	v30 =	vmul.u32 $0x48, v44;
	v28 =	vmul.u32 $0xC918, v50;
	v50 =	vld.idx.msk [tilespmem:v24+s2+$0x0], $0xffff;
	[tilespmem:v31+s19+$0x0] =	vst.idx.msk $0xffff, v26  }
0x10a: {  	v54 =	vand.u32 $0xFFFF, v49;
	v49 =	vshra.s32 v49, $0x10;
	v26 =	vmul.u32 $0x48, v53;
	v31 =	vld.idx.msk [tilespmem:v36+s25+$0x0], $0xffff  }
0x10b: {  	v56 =	vsub.s32 v49, v54;
	v55 =	vsub.s32 v44, v53;
	v57 =	vadd.s32 v30, v28;
	v58 =	vld.idx.msk [tilespmem:v35+s25+$0x0], $0xffff  }
0x10c: {  	v55 =	vmul.u32 v55, v56;
	v59 =	vld.idx.msk [tilespmem:v25+s2+$0x0], $0xffff;
	v30 =	vadd.s32 v49, v57;
	v56 =	vadd.s32 v26, v28  }
0x10d: {  	v28 =	vadd.s32 v49, v56;
	v46 =	vsub.f32 v46, v52;
	v52 =	vld.idx.msk [tilespmem:v32+s25+$0x0], $0xffff  }
0x10e: {  	vm12 =	vle.s32 v27, v29;
	v29 =	vld.idx.msk [tilespmem:v11+s24+$0x0], $0xffff;
	v55 =	vcvt.s32.f32 v55  }
0x10f: {  	s10 =	simm.s32 $0x370;
	v26 =	vadd.s32 v54, v57;
	v27 =	vadd.s32 v54, v56;
	v56 =	vld.idx.msk [tilespmem:v34+s25+$0x0], $0xffff;
	v46 =	vsub.f32 v46, v50  }
0x110: {  	vm13 =	vle.s32 v47, v42;
	v42 =	vadd.s32 s10, v0;
	v50 =	vld.idx.msk [tilespmem:v17+s24+$0x0], $0xffff;
	v47 =	vsub.f32 v31, v58  }
0x111: {  	vm0 =	vmor vm12, vm13;
	v57 =	vpop (erf);
	v31 =	vmax.f32 v55, $1.000000000e+00;
	v55 =	vld.idx.msk [tilespmem:v30+s2+$0x0], $0xffff;
	v46 =	vadd.f32 v59, v46  }
0x112: {  	(erf) = vrcp.f32 v31;
	v31 =	vsel vm0, $0x0, v57;
	v58 =	vld.idx.msk [tilespmem:v28+s2+$0x0], $0xffff;
	v47 =	vsub.f32 v47, v52  }
0x113: {  	v57 =	vadd.s32 s6, v7;
	v52 =	vld.idx.msk [tilespmem:v13+s24+$0x0], $0xffff;
	v46 =	vmul.f32 v31, v46  }
0x114: {  	v29 =	vsub.f32 v45, v29;
	v56 =	vadd.f32 v56, v47;
	v47 =	vld.idx.msk [tilespmem:v26+s2+$0x0], $0xffff  }
0x115: {  	[tilespmem:v42+s19+$0x0] =	vst.idx.msk $0xffff, v46;
	v42 =	vld.idx.msk [tilespmem:v27+s2+$0x0], $0xffff  }
0x116: {  	v29 =	vsub.f32 v29, v50;
	v46 =	vld.idx.msk [tilespmem:v22+s20+$0x0], $0xffff;
	v45 =	vmul.f32 v56, v19  }
0x117: {  	v50 =	vadd.s32 s3, v6;
	v56 =	vld.idx.msk [tilespmem:v23+s20+$0x0], $0xffff  }
0x118: {  	v55 =	vsub.f32 v55, v58;
	v29 =	vadd.f32 v52, v29;
	[tilespmem:v57+s19+$0x0] =	vst.idx.msk $0xffff, v45;
	v45 =	vld.idx.msk [tilespmem:v24+s20+$0x0], $0xffff  }
0x119: {  	v57 =	vld.idx.msk [tilespmem:v25+s20+$0x0], $0xffff  }
0x11a: {  	vm14 =	vle.s32 v44, v53;
	v58 =	vsub.f32 v55, v47;
	v47 =	vld.idx.msk [tilespmem:v36+s26+$0x0], $0xffff  }
0x11b: {  	vm15 =	vle.s32 v49, v54;
	v59 =	vadd.s32 s16, v0;
	v52 =	vmul.f32 v29, v21;
	v0 =	vld.idx.msk [tilespmem:v35+s26+$0x0], $0xffff  }
0x11c: {  	vm0 =	vmor vm14, vm15;
	v54 =	vld.idx.msk [tilespmem:v34+s26+$0x0], $0xffff;
	v29 =	vpop (erf);
	v42 =	vadd.f32 v42, v58  }
0x11d: {  	[tilespmem:v50+s19+$0x0] =	vst.idx.msk $0xffff, v52;
	v50 =	vld.idx.msk [tilespmem:v32+s26+$0x0], $0xffff;
	v46 =	vsub.f32 v46, v56;
	v29 =	vsel vm0, $0x0, v29  }
0x11e: {  	v52 =	vld.idx.msk [tilespmem:v14+s25+$0x0], $0xffff;
	v42 =	vmul.f32 v29, v42  }
0x11f: {  	v41 =	vsub.f32 v41, v43;
	v43 =	vld.idx.msk [tilespmem:v17+s25+$0x0], $0xffff;
	v58 =	vsub.f32 v46, v45  }
0x120: {  	v45 =	vld.idx.msk [tilespmem:v11+s25+$0x0], $0xffff;
	[tilespmem:v59+s19+$0x0] =	vst.idx.msk $0xffff, v42;
	v59 =	vadd.s32 s10, v1  }
0x121: {  	v47 =	vsub.f32 v47, v0;
	v42 =	vadd.f32 v57, v58;
	v46 =	vld.idx.msk [tilespmem:v30+s20+$0x0], $0xffff  }
0x122: {  	v0 =	vld.idx.msk [tilespmem:v28+s20+$0x0], $0xffff  }
0x123: {  	v57 =	vld.idx.msk [tilespmem:v26+s20+$0x0], $0xffff;
	v47 =	vsub.f32 v47, v50;
	v42 =	vmul.f32 v42, v31  }
0x124: {  	v58 =	vadd.s32 s6, v4;
	v50 =	vld.idx.msk [tilespmem:v27+s20+$0x0], $0xffff  }
0x125: {  	v47 =	vadd.f32 v54, v47;
	[tilespmem:v59+s19+$0x0] =	vst.idx.msk $0xffff, v42;
	v42 =	vld.idx.msk [tilespmem:v13+s25+$0x0], $0xffff  }
0x126: {  	v41 =	vsub.f32 v41, v48;
	v48 =	vld.idx.msk [tilespmem:v22+s21+$0x0], $0xffff  }
0x127: {  	v47 =	vmul.f32 v47, v19;
	v46 =	vsub.f32 v46, v0;
	v0 =	vld.idx.msk [tilespmem:v23+s21+$0x0], $0xffff  }
0x128: {  	v41 =	vadd.f32 v51, v41;
	v59 =	vadd.s32 s14, v8;
	v51 =	vld.idx.msk [tilespmem:v24+s21+$0x0], $0xffff  }
0x129: {  	[tilespmem:v58+s19+$0x0] =	vst.idx.msk $0xffff, v47;
	v58 =	vld.idx.msk [tilespmem:v25+s21+$0x0], $0xffff;
	v44 =	vsub.f32 v46, v57  }
0x12a: {  	v1 =	vadd.s32 s16, v1;
	v46 =	vld.idx.msk [tilespmem:v36+s28+$0x0], $0xffff  }
0x12b: {  	v41 =	vmul.f32 v41, v60;
	v45 =	vsub.f32 v52, v45;
	v57 =	vld.idx.msk [tilespmem:v35+s28+$0x0], $0xffff;
	v44 =	vadd.f32 v50, v44  }
0x12c: {  	v52 =	vld.idx.msk [tilespmem:v34+s28+$0x0], $0xffff  }
0x12d: {  	v43 =	vsub.f32 v45, v43;
	[tilespmem:v59+s19+$0x0] =	vst.idx.msk $0xffff, v41;
	v41 =	vld.idx.msk [tilespmem:v32+s28+$0x0], $0xffff;
	v44 =	vmul.f32 v44, v29  }
0x12e: {  	v59 =	vsub.f32 v48, v0;
	v48 =	vld.idx.msk [tilespmem:v63+s29+$0x0], $0xffff;
	v0 =	vadd.s32 s3, v7  }
0x12f: {  	v42 =	vadd.f32 v42, v43;
	[tilespmem:v1+s19+$0x0] =	vst.idx.msk $0xffff, v44;
	v44 =	vld.idx.msk [tilespmem:v62+s29+$0x0], $0xffff  }
0x130: {  	v1 =	vsub.f32 v59, v51;
	v55 =	vld.idx.msk [tilespmem:v30+s21+$0x0], $0xffff  }
0x131: {  	v56 =	vadd.s32 s10, v2;
	v42 =	vmul.f32 v42, v21;
	v46 =	vsub.f32 v46, v57;
	v57 =	vld.idx.msk [tilespmem:v28+s21+$0x0], $0xffff  }
0x132: {  	v59 =	vld.idx.msk [tilespmem:v27+s21+$0x0], $0xffff;
	v43 =	vadd.f32 v58, v1  }
0x133: {  	v41 =	vsub.f32 v46, v41;
	v58 =	vld.idx.msk [tilespmem:v26+s21+$0x0], $0xffff;
	[tilespmem:v0+s19+$0x0] =	vst.idx.msk $0xffff, v42  }
0x134: {  	v0 =	vadd.s32 s6, v8;
	v49 =	vld.idx.msk [tilespmem:v14+s26+$0x0], $0xffff;
	v43 =	vmul.f32 v43, v31  }
0x135: {  	v41 =	vadd.f32 v52, v41;
	v54 =	vld.idx.msk [tilespmem:v17+s26+$0x0], $0xffff  }
0x136: {  	[tilespmem:v56+s19+$0x0] =	vst.idx.msk $0xffff, v43;
	v43 =	vld.idx.msk [tilespmem:v11+s26+$0x0], $0xffff  }
0x137: {  	v41 =	vmul.f32 v41, v19;
	v45 =	vsub.f32 v55, v57;
	v51 =	vld.idx.msk [tilespmem:v22+s22+$0x0], $0xffff  }
0x138: {  	v1 =	vld.idx.msk [tilespmem:v23+s22+$0x0], $0xffff  }
0x139: {  	v47 =	vld.idx.msk [tilespmem:v24+s22+$0x0], $0xffff;
	[tilespmem:v0+s19+$0x0] =	vst.idx.msk $0xffff, v41;
	v56 =	vsub.f32 v45, v58  }
0x13a: {  	v57 =	vadd.s32 s16, v2;
	v45 =	vld.idx.msk [tilespmem:v36+s29+$0x0], $0xffff  }
0x13b: {  	v58 =	vld.idx.msk [tilespmem:v35+s29+$0x0], $0xffff;
	v41 =	vadd.f32 v59, v56  }
0x13c: {  	v59 =	vld.idx.msk [tilespmem:v25+s22+$0x0], $0xffff  }
0x13d: {  	v0 =	vld.idx.msk [tilespmem:v32+s29+$0x0], $0xffff;
	v41 =	vmul.f32 v41, v29;
	v51 =	vsub.f32 v51, v1  }
0x13e: {  	v52 =	vld.idx.msk [tilespmem:v34+s29+$0x0], $0xffff  }
0x13f: {  	[tilespmem:v57+s19+$0x0] =	vst.idx.msk $0xffff, v41;
	v41 =	vld.idx.msk [tilespmem:v13+s26+$0x0], $0xffff;
	v1 =	vsub.f32 v51, v47  }
0x140: {  	v2 =	vadd.s32 s10, v3;
	v47 =	vld.idx.msk [tilespmem:v30+s22+$0x0], $0xffff  }
0x141: {  	v45 =	vsub.f32 v45, v58;
	v57 =	vld.idx.msk [tilespmem:v28+s22+$0x0], $0xffff;
	v42 =	vadd.f32 v59, v1  }
0x142: {  	v39 =	vsub.f32 v39, v40;
	v58 =	vld.idx.msk [tilespmem:v26+s22+$0x0], $0xffff  }
0x143: {  	v45 =	vsub.f32 v45, v0;
	v0 =	vld.idx.msk [tilespmem:v27+s22+$0x0], $0xffff;
	v42 =	vmul.f32 v42, v31  }
0x144: {  	v38 =	vsub.f32 v39, v38;
	v59 =	vadd.s32 s6, v9;
	v1 =	vld.idx.msk [tilespmem:v12+s29+$0x0], $0xffff  }
0x145: {  	v45 =	vadd.f32 v52, v45;
	[tilespmem:v2+s19+$0x0] =	vst.idx.msk $0xffff, v42;
	v2 =	vsub.f32 v49, v43;
	v43 =	vld.idx.msk [tilespmem:v61+s29+$0x0], $0xffff  }
0x146: {  	v49 =	vld.idx.msk [tilespmem:v22+s23+$0x0], $0xffff  }
0x147: {  	v38 =	vadd.f32 v37, v38;
	v45 =	vmul.f32 v45, v19;
	v47 =	vsub.f32 v47, v57;
	v50 =	vld.idx.msk [tilespmem:v23+s23+$0x0], $0xffff  }
0x148: {  	v51 =	vadd.s32 s1, v10;
	v57 =	vsub.f32 v48, v44;
	v44 =	vld.idx.msk [tilespmem:v24+s23+$0x0], $0xffff;
	v54 =	vsub.f32 v2, v54  }
0x149: {  	v42 =	vadd.s32 s3, v4;
	[tilespmem:v59+s19+$0x0] =	vst.idx.msk $0xffff, v45;
	v52 =	vld.idx.msk [tilespmem:v25+s23+$0x0], $0xffff;
	v56 =	vsub.f32 v47, v58  }
0x14a: {  	v39 =	vadd.s32 s16, v3;
	v36 =	vld.idx.msk [tilespmem:v36+s30+$0x0], $0xffff;
	v40 =	vadd.f32 v41, v54  }
0x14b: {  	v38 =	vmul.f32 v38, v33;
	v46 =	vld.idx.msk [tilespmem:v35+s30+$0x0], $0xffff;
	v47 =	vadd.s32 s3, v8;
	v58 =	vadd.f32 v0, v56  }
0x14c: {  	v54 =	vld.idx.msk [tilespmem:v32+s30+$0x0], $0xffff;
	[tilespmem:$0x1FF60] =	vst v47;
	v40 =	vmul.f32 v40, v21  }
0x14d: {  	v15 =	vmov v62;
	v59 =	vsub.f32 v57, v1;
	[tilespmem:v51+s19+$0x0] =	vst.idx.msk $0xffff, v38;
	v41 =	vmul.f32 v58, v29  }
0x14e: {  	v18 =	vadd.s32 s14, v10;
	v16 =	vadd.s32 s16, v9;
	v53 =	vadd.s32 s14, v9;
	v62 =	vmovc v12;
	v55 =	vld.idx.msk [tilespmem:v34+s30+$0x0], $0xffff;
	[tilespmem:v42+s19+$0x0] =	vst.idx.msk $0xffff, v40  }
0x14f: {  	v12 =	vadd.s32 s3, v9;
	v35 =	vadd.s32 s3, v10;
	v48 =	vadd.f32 v43, v59;
	[tilespmem:v39+s19+$0x0] =	vst.idx.msk $0xffff, v41;
	v45 =	vld.idx.msk [tilespmem:v14+s28+$0x0], $0xffff  }
0x150: {  	v56 =	vsub.f32 v49, v50;
	v58 =	vadd.s32 s16, v8;
	v36 =	vsub.f32 v36, v46;
	v47 =	vld.idx.msk [tilespmem:v30+s23+$0x0], $0xffff  }
0x151: {  	v51 =	vadd.s32 s10, v5;
	v57 =	vmul.f32 v48, v60;
	v42 =	vadd.s32 s16, v5;
	v48 =	vld.idx.msk [tilespmem:v28+s23+$0x0], $0xffff;
	[tilespmem:$0x1FF70] =	vst v58  }
0x152: {  	v41 =	vadd.s32 s16, v6;
	v43 =	vsub.f32 v56, v44;
	v59 =	vsub.f32 v36, v54;
	v50 =	vld.idx.msk [tilespmem:v26+s23+$0x0], $0xffff  }
0x153: {  	v40 =	vadd.s32 s16, v7;
	v39 =	vadd.s32 s16, v4;
	v36 =	vadd.s32 s16, v10;
	[tilespmem:v53+s19+$0x0] =	vst.idx.msk $0xffff, v57;
	v49 =	vld.idx.msk [tilespmem:v27+s23+$0x0], $0xffff  }
0x154: {  	s14 =	simm.s32 $0x4;
	s1 =	simm.s32 $0x370;
	v34 =	vmovc v11;
	v52 =	vadd.f32 v52, v43;
	v43 =	vadd.s32 s6, v10;
	s6 =	sadd.s32 $0x20, s15;
	v46 =	vld.idx.msk [tilespmem:v11+s28+$0x0], $0xffff;
	v44 =	vadd.f32 v55, v59  }
.LBB2_5:
0x155: {  	v53 =	vld [tilespmem:s6+$0x0]  }
0x156: {  	[tilespmem:$0x1FF40] =	vst v35;
	v35 =	vld [tilespmem:s6+$0xFFFFFFF0]  }
0x157: {  	v9 =	vld [tilespmem:$0x1FFC0]  }
0x158: {  	[tilespmem:$0x1FF20] =	vst v16;
	v16 =	vmov v14;
	v14 =	vld [tilespmem:$0x1FFA0]  }
0x159: {  	s7 =	sadd.s32 $0x20, s7;
	v20 =	vld [tilespmem:$0x1FFB0]  }
0x15a: {  	s11 =	sadd.s32 $0x20, s11;
	v54 =	vld [tilespmem:s7+$0x0]  }
0x15b: {  	v52 =	vmul.f32 v52, v31;
	v44 =	vmul.f32 v44, v19;
	v19 =	vmov v31;
	v31 =	vld [tilespmem:s11+$0x0]  }
0x15c: {  	v56 =	vld [tilespmem:s7+$0xFFFFFFF0];
	v47 =	vsub.f32 v47, v48  }
0x15d: {  	[tilespmem:v51+s19+$0x0] =	vst.idx.msk $0xffff, v52;
	v52 =	vld.idx.msk [tilespmem:v17+s28+$0x0], $0xffff  }
0x15e: {  	v2 =	vld.idx.msk [tilespmem:v22+s24+$0x0], $0xffff;
	[tilespmem:v43+s19+$0x0] =	vst.idx.msk $0xffff, v44;
	v32 =	vsub.f32 v47, v50  }
0x15f: {  	v44 =	vld.idx.msk [tilespmem:v23+s24+$0x0], $0xffff;
	v50 =	vsub.f32 v45, v46;
	v57 =	vand.u32 $0xFFFF, v53;
	v53 =	vshra.s32 v53, $0x10  }
0x160: {  	[tilespmem:$0x1FF10] =	vst v60;
	v47 =	vld [tilespmem:s11+$0xFFFFFFF0];
	v51 =	vshra.s32 v31, $0x10;
	v31 =	vand.u32 $0xFFFF, v31;
	v60 =	vmul.u32 $0xC918, v54  }
0x161: {  	[tilespmem:$0x1FF50] =	vst v36;
	v33 =	vld.idx.msk [tilespmem:v24+s24+$0x0], $0xffff;
	v36 =	vsub.s32 v53, v57;
	v56 =	vmul.u32 $0xC918, v56;
	v43 =	vadd.f32 v49, v32  }
0x162: {  	[tilespmem:$0x1FF00] =	vst v61;
	v55 =	vld.idx.msk [tilespmem:v25+s24+$0x0], $0xffff;
	v61 =	vmul.u32 $0x48, v51;
	v0 =	vmul.u32 $0x48, v31;
	v59 =	vsub.s32 v51, v31  }
0x163: {  	v54 =	vld.idx.msk [tilespmem:v63+s30+$0x0], $0xffff;
	v49 =	vshra.s32 v35, $0x10;
	v37 =	vmul.u32 v59, v36;
	v58 =	vmul.f32 v43, v29  }
0x164: {  	v1 =	vadd.s32 v61, v60;
	v61 =	vld.idx.msk [tilespmem:v13+s28+$0x0], $0xffff;
	v48 =	vsub.f32 v2, v44;
	v2 =	vadd.s32 v0, v60  }
0x165: {  	v32 =	vmov v13;
	v13 =	vld [tilespmem:$0x1FF80];
	v45 =	vadd.s32 v53, v1;
	v43 =	vadd.s32 v57, v1;
	[tilespmem:v42+s19+$0x0] =	vst.idx.msk $0xffff, v58  }
0x166: {  	v38 =	vand.u32 $0xFFFF, v47;
	v47 =	vshra.s32 v47, $0x10;
	v44 =	vadd.s32 v53, v2;
	v59 =	vld.idx.msk [tilespmem:v30+s24+$0x0], $0xffff  }
0x167: {  	v42 =	vadd.s32 s10, v6;
	v46 =	vsub.f32 v48, v33;
	v33 =	vand.u32 $0xFFFF, v35;
	v35 =	vld.idx.msk [tilespmem:v28+s24+$0x0], $0xffff  }
0x168: {  	[tilespmem:$0x1FF30] =	vst v18;
	v36 =	vsub.s32 v47, v38;
	v1 =	vmul.u32 $0x48, v38;
	v3 =	vmul.u32 $0x48, v47;
	v58 =	vld.idx.msk [tilespmem:v26+s24+$0x0], $0xffff  }
0x169: {  	v18 =	vmovc v30;
	vm0 =	vle.s32 v47, v38;
	v30 =	vcvt.s32.f32 v37;
	v60 =	vld.idx.msk [tilespmem:v15+s30+$0x0], $0xffff;
	v0 =	vsub.s32 v49, v33  }
0x16a: {  	vm1 =	vle.s32 v49, v33;
	v55 =	vadd.f32 v55, v46;
	v0 =	vmul.u32 v36, v0;
	v36 =	vld [tilespmem:$0x1FFE0]  }
0x16b: {  	v1 =	vadd.s32 v1, v56;
	v46 =	vadd.s32 v57, v2;
	v30 =	vmax.f32 v30, $1.000000000e+00;
	v37 =	vld.idx.msk [tilespmem:v45+s2+$0x0], $0xffff  }
0x16c: {  	v3 =	vadd.s32 v3, v56;
	(erf) = vrcp.f32 v30;
	v55 =	vmul.f32 v55, v19;
	v2 =	vld.idx.msk [tilespmem:v44+s2+$0x0], $0xffff  }
0x16d: {  	v47 =	vadd.s32 v33, v1;
	v4 =	vld.idx.msk [tilespmem:v43+s2+$0x0], $0xffff;
	v30 =	vadd.s32 v49, v3;
	v0 =	vcvt.s32.f32 v0  }
0x16e: {  	v49 =	vadd.s32 v49, v1;
	v1 =	vsub.f32 v59, v35;
	v35 =	vld [tilespmem:$0x1FFD0];
	[tilespmem:v42+s19+$0x0] =	vst.idx.msk $0xffff, v55  }
0x16f: {  	v0 =	vmax.f32 v0, $1.000000000e+00;
	v42 =	vld.idx.msk [tilespmem:v22+s25+$0x0], $0xffff  }
0x170: {  	v38 =	vld.idx.msk [tilespmem:v46+s2+$0x0], $0xffff;
	(erf) = vrcp.f32 v0  }
0x171: {  	v55 =	vld.idx.msk [tilespmem:v23+s25+$0x0], $0xffff;
	v2 =	vsub.f32 v37, v2  }
0x172: {  	v3 =	vadd.s32 v33, v3;
	v63 =	vld.idx.msk [tilespmem:v24+s25+$0x0], $0xffff  }
0x173: {  	vm2 =	vle.s32 v53, v57;
	s10 =	sadd.s32 $0x160, s10;
	v0 =	vld.idx.msk [tilespmem:v25+s25+$0x0], $0xffff;
	v2 =	vsub.f32 v2, v4  }
0x174: {  	v8 =	vmovc v62;
	vm15 =	vle.s32 v51, v31;
	v50 =	vsub.f32 v50, v52;
	v52 =	vadd.s32 s10, v9;
	v59 =	vld.idx.msk [tilespmem:v30+s2+$0x0], $0xffff  }
0x175: {  	vm0 =	vmor vm0, vm1;
	vm1 =	vmor vm15, vm2;
	v51 =	vld.idx.msk [tilespmem:v49+s2+$0x0], $0xffff;
	v31 =	vpop (erf);
	v2 =	vadd.f32 v38, v2  }
0x176: {  	v50 =	vadd.f32 v61, v50;
	v61 =	vld.idx.msk [tilespmem:v47+s2+$0x0], $0xffff;
	v31 =	vsel vm1, $0x0, v31  }
0x177: {  	v56 =	vld.idx.msk [tilespmem:v3+s2+$0x0], $0xffff;
	v42 =	vsub.f32 v42, v55;
	v2 =	vmul.f32 v31, v2  }
0x178: {  	v4 =	vld.idx.msk [tilespmem:v27+s24+$0x0], $0xffff  }
0x179: {  	v33 =	vsub.f32 v42, v63;
	v15 =	vpop (erf);
	[tilespmem:v52+s19+$0x0] =	vst.idx.msk $0xffff, v2;
	v2 =	vld.idx.msk [tilespmem:v8+s30+$0x0], $0xffff  }
0x17a: {  	v62 =	vadd.s32 s1, v7;
	v59 =	vsub.f32 v59, v51;
	v51 =	vsel vm0, $0x0, v15;
	v15 =	vld [tilespmem:$0x1FF60]  }
0x17b: {  	v1 =	vsub.f32 v1, v58;
	v0 =	vadd.f32 v0, v33;
	v58 =	vld.idx.msk [tilespmem:v45+s20+$0x0], $0xffff  }
0x17c: {  	v8 =	vld.idx.msk [tilespmem:v44+s20+$0x0], $0xffff  }
0x17d: {  	v33 =	vld [tilespmem:$0x1FF90];
	v0 =	vmul.f32 v0, v19  }
0x17e: {  	v10 =	vmov v6;
	s3 =	sadd.s32 $0xFFFFFF50, s10;
	v54 =	vsub.f32 v54, v60;
	v37 =	vld [tilespmem:$0x1FFF0]  }
0x17f: {  	v11 =	vmov v7;
	v55 =	vadd.s32 s3, v9;
	v1 =	vadd.f32 v4, v1;
	v4 =	vld.idx.msk [tilespmem:v43+s20+$0x0], $0xffff;
	[tilespmem:v62+s19+$0x0] =	vst.idx.msk $0xffff, v0  }
0x180: {  	v9 =	vmovc v5;
	v63 =	vadd.s32 s3, v6;
	v6 =	vmul.f32 v50, v21;
	v0 =	vsub.f32 v59, v56;
	v56 =	vld.idx.msk [tilespmem:v22+s26+$0x0], $0xffff  }
0x181: {  	v38 =	vmovc v12;
	v12 =	vmovc v34;
	v34 =	vmov v28;
	v42 =	vadd.s32 s3, v5;
	v60 =	vsub.f32 v58, v8;
	v8 =	vld.idx.msk [tilespmem:v25+s26+$0x0], $0xffff  }
0x182: {  	v5 =	vadd.s32 s3, v7;
	v7 =	vadd.s32 s3, v33;
	v0 =	vadd.f32 v61, v0;
	[tilespmem:v15+s19+$0x0] =	vst.idx.msk $0xffff, v6;
	v6 =	vld.idx.msk [tilespmem:v23+s26+$0x0], $0xffff  }
0x183: {  	v1 =	vmul.f32 v1, v29;
	v62 =	vmovc v17;
	v17 =	vmovc v26;
	v26 =	vmov v3;
	v3 =	vmov v7;
	v15 =	vld [tilespmem:$0x1FF70]  }
0x184: {  	v0 =	vmul.f32 v51, v0;
	[tilespmem:$0x1FF70] =	vst v3;
	v3 =	vld.idx.msk [tilespmem:v46+s20+$0x0], $0xffff  }
0x185: {  	v28 =	vmov v49;
	[tilespmem:v41+s19+$0x0] =	vst.idx.msk $0xffff, v1;
	v1 =	vld.idx.msk [tilespmem:v24+s26+$0x0], $0xffff  }
0x186: {  	v7 =	vld.idx.msk [tilespmem:v18+s25+$0x0], $0xffff;
	[tilespmem:v55+s19+$0x0] =	vst.idx.msk $0xffff, v0  }
0x187: {  	v54 =	vsub.f32 v54, v2;
	v61 =	vsub.f32 v60, v4;
	v2 =	vld.idx.msk [tilespmem:v34+s25+$0x0], $0xffff  }
0x188: {  	v60 =	vadd.s32 s10, v35;
	v4 =	vld.idx.msk [tilespmem:v30+s20+$0x0], $0xffff;
	v6 =	vsub.f32 v56, v6  }
0x189: {  	v57 =	vadd.s32 s3, v35;
	v35 =	vld.idx.msk [tilespmem:v17+s25+$0x0], $0xffff;
	v0 =	vadd.f32 v3, v61  }
0x18a: {  	v56 =	vld.idx.msk [tilespmem:v28+s20+$0x0], $0xffff;
	v1 =	vsub.f32 v6, v1  }
0x18b: {  	v3 =	vld.idx.msk [tilespmem:v26+s20+$0x0], $0xffff;
	v61 =	vadd.s32 s1, v13;
	v0 =	vmul.f32 v0, v31  }
0x18c: {  	v6 =	vld.idx.msk [tilespmem:v47+s20+$0x0], $0xffff;
	v1 =	vadd.f32 v8, v1  }
0x18d: {  	[tilespmem:v60+s19+$0x0] =	vst.idx.msk $0xffff, v0;
	v60 =	vld.idx.msk [tilespmem:v27+s25+$0x0], $0xffff  }
0x18e: {  	v2 =	vsub.f32 v7, v2;
	v7 =	vld.idx.msk [tilespmem:v45+s21+$0x0], $0xffff;
	v1 =	vmul.f32 v1, v19  }
0x18f: {  	v4 =	vsub.f32 v4, v56;
	v8 =	vld.idx.msk [tilespmem:v44+s21+$0x0], $0xffff  }
0x190: {  	v55 =	vld.idx.msk [tilespmem:v43+s21+$0x0], $0xffff;
	[tilespmem:v61+s19+$0x0] =	vst.idx.msk $0xffff, v1  }
0x191: {  	v2 =	vsub.f32 v2, v35;
	v61 =	vsub.f32 v4, v3;
	v3 =	vld.idx.msk [tilespmem:v22+s28+$0x0], $0xffff  }
0x192: {  	v4 =	vld.idx.msk [tilespmem:v23+s28+$0x0], $0xffff  }
0x193: {  	v0 =	vadd.f32 v60, v2;
	v2 =	vld.idx.msk [tilespmem:v24+s28+$0x0], $0xffff;
	v1 =	vadd.f32 v6, v61  }
0x194: {  	v56 =	vld.idx.msk [tilespmem:v25+s28+$0x0], $0xffff  }
0x195: {  	v6 =	vld.idx.msk [tilespmem:v46+s21+$0x0], $0xffff;
	v1 =	vmul.f32 v1, v51  }
0x196: {  	v7 =	vsub.f32 v7, v8;
	v8 =	vld.idx.msk [tilespmem:v16+s29+$0x0], $0xffff  }
0x197: {  	v0 =	vmul.f32 v0, v29;
	[tilespmem:v57+s19+$0x0] =	vst.idx.msk $0xffff, v1;
	v57 =	vld [tilespmem:$0x1FF30]  }
0x198: {  	v35 =	vsub.f32 v7, v55;
	v7 =	vld.idx.msk [tilespmem:v12+s29+$0x0], $0xffff  }
0x199: {  	v60 =	vadd.s32 s10, v36;
	v61 =	vsub.f32 v3, v4;
	v55 =	vld.idx.msk [tilespmem:v30+s21+$0x0], $0xffff;
	[tilespmem:v40+s19+$0x0] =	vst.idx.msk $0xffff, v0  }
0x19a: {  	v1 =	vadd.f32 v6, v35;
	v3 =	vld.idx.msk [tilespmem:v28+s21+$0x0], $0xffff  }
0x19b: {  	v4 =	vld.idx.msk [tilespmem:v26+s21+$0x0], $0xffff;
	v0 =	vsub.f32 v61, v2  }
0x19c: {  	v40 =	vmov v5;
	v5 =	vadd.s32 s1, v33;
	v2 =	vld.idx.msk [tilespmem:v47+s21+$0x0], $0xffff;
	v1 =	vmul.f32 v1, v31  }
0x19d: {  	v6 =	vld.idx.msk [tilespmem:v18+s26+$0x0], $0xffff;
	v0 =	vadd.f32 v56, v0  }
0x19e: {  	v35 =	vld.idx.msk [tilespmem:v34+s26+$0x0], $0xffff;
	[tilespmem:v60+s19+$0x0] =	vst.idx.msk $0xffff, v1  }
0x19f: {  	v7 =	vsub.f32 v8, v7;
	v8 =	vld.idx.msk [tilespmem:v43+s22+$0x0], $0xffff;
	v0 =	vmul.f32 v0, v19  }
0x1a0: {  	v53 =	vadd.s32 s3, v36;
	v36 =	vld.idx.msk [tilespmem:v45+s22+$0x0], $0xffff;
	v3 =	vsub.f32 v55, v3  }
0x1a1: {  	v15 =	vmov v15;
	v60 =	vld.idx.msk [tilespmem:v44+s22+$0x0], $0xffff;
	[tilespmem:v5+s19+$0x0] =	vst.idx.msk $0xffff, v0  }
0x1a2: {  	v61 =	vsub.f32 v3, v4;
	v3 =	vld.idx.msk [tilespmem:v22+s29+$0x0], $0xffff  }
0x1a3: {  	v4 =	vld.idx.msk [tilespmem:v23+s29+$0x0], $0xffff  }
0x1a4: {  	[tilespmem:$0x1FF60] =	vst v15;
	v15 =	vmov v12;
	v12 =	vld [tilespmem:$0x1FF10]  }
0x1a5: {  	v5 =	vld.idx.msk [tilespmem:v24+s29+$0x0], $0xffff;
	v0 =	vadd.f32 v2, v61  }
0x1a6: {  	v1 =	vsub.f32 v6, v35;
	v6 =	vld.idx.msk [tilespmem:v17+s26+$0x0], $0xffff  }
0x1a7: {  	v35 =	vld.idx.msk [tilespmem:v25+s29+$0x0], $0xffff;
	v55 =	vsub.f32 v36, v60;
	v0 =	vmul.f32 v0, v51  }
0x1a8: {  	v33 =	vld.idx.msk [tilespmem:v46+s22+$0x0], $0xffff;
	v3 =	vsub.f32 v3, v4  }
0x1a9: {  	v8 =	vsub.f32 v55, v8;
	v55 =	vld [tilespmem:$0x1FF20];
	[tilespmem:v53+s19+$0x0] =	vst.idx.msk $0xffff, v0  }
0x1aa: {  	v0 =	vld.idx.msk [tilespmem:v27+s26+$0x0], $0xffff;
	v3 =	vsub.f32 v3, v5  }
0x1ab: {  	v53 =	vld.idx.msk [tilespmem:v30+s22+$0x0], $0xffff  }
0x1ac: {  	v36 =	vadd.s32 s10, v37;
	v4 =	vld.idx.msk [tilespmem:v28+s22+$0x0], $0xffff;
	v3 =	vadd.f32 v35, v3  }
0x1ad: {  	v48 =	vadd.s32 s3, v37;
	v2 =	vadd.f32 v33, v8;
	v37 =	vld.idx.msk [tilespmem:v26+s22+$0x0], $0xffff  }
0x1ae: {  	v58 =	vmul.f32 v3, v19;
	v3 =	vld [tilespmem:$0x1FF00]  }
0x1af: {  	v1 =	vsub.f32 v1, v6;
	v6 =	vadd.s32 s1, v14;
	v5 =	vld.idx.msk [tilespmem:v47+s22+$0x0], $0xffff;
	v2 =	vmul.f32 v2, v31  }
0x1b0: {  	v8 =	vld.idx.msk [tilespmem:v62+s29+$0x0], $0xffff  }
0x1b1: {  	v56 =	vld.idx.msk [tilespmem:v32+s29+$0x0], $0xffff;
	[tilespmem:v36+s19+$0x0] =	vst.idx.msk $0xffff, v2  }
0x1b2: {  	v59 =	vld.idx.msk [tilespmem:v45+s23+$0x0], $0xffff  }
0x1b3: {  	v61 =	vmov v32;
	v32 =	vld.idx.msk [tilespmem:v44+s23+$0x0], $0xffff;
	v4 =	vsub.f32 v53, v4  }
0x1b4: {  	[tilespmem:v6+s19+$0x0] =	vst.idx.msk $0xffff, v58;
	v58 =	vld [tilespmem:$0x1FF40]  }
0x1b5: {  	v33 =	vsub.f32 v4, v37;
	v35 =	vld.idx.msk [tilespmem:v22+s30+$0x0], $0xffff  }
0x1b6: {  	v0 =	vadd.f32 v0, v1;
	v3 =	vld.idx.msk [tilespmem:v3+s30+$0x0], $0xffff  }
0x1b7: {  	v4 =	vld.idx.msk [tilespmem:v23+s30+$0x0], $0xffff;
	v2 =	vadd.f32 v5, v33  }
0x1b8: {  	v6 =	vsub.f32 v7, v8;
	v0 =	vmul.f32 v0, v29;
	v7 =	vld.idx.msk [tilespmem:v24+s30+$0x0], $0xffff  }
0x1b9: {  	v8 =	vld.idx.msk [tilespmem:v25+s30+$0x0], $0xffff;
	v2 =	vmul.f32 v2, v51  }
0x1ba: {  	v49 =	vadd.s32 s3, v20;
	v1 =	vadd.f32 v56, v6;
	v6 =	vld.idx.msk [tilespmem:v46+s23+$0x0], $0xffff;
	[tilespmem:v39+s19+$0x0] =	vst.idx.msk $0xffff, v0  }
0x1bb: {  	v50 =	vadd.s32 s3, v14;
	v52 =	vadd.s32 s3, v13;
	v5 =	vld.idx.msk [tilespmem:v43+s23+$0x0], $0xffff;
	[tilespmem:v48+s19+$0x0] =	vst.idx.msk $0xffff, v2;
	v3 =	vadd.f32 v3, v54  }
0x1bc: {  	s14 =	sadd.s32 $0x2, s14;
	v41 =	vmovc v63;
	v13 =	vmovc v27;
	v27 =	vmov v47;
	v22 =	vmov v45;
	v1 =	vmul.f32 v1, v21;
	v45 =	vld.idx.msk [tilespmem:v18+s28+$0x0], $0xffff  }
0x1bd: {  	p1 =	slt.u32 s14, $0xE;
	v63 =	vmovc v16;
	v0 =	vsub.f32 v35, v4;
	v54 =	vsub.f32 v59, v32;
	v59 =	vld [tilespmem:$0x1FF50];
	v3 =	vmul.f32 v3, v12  }
.Ltmp5:
0x1be: {  	v16 =	vmovc v50;
	v60 =	vmov v21;
	v14 =	vmov v18;
	v36 =	vmov v49;
	v47 =	vld.idx.msk [tilespmem:v30+s23+$0x0], $0xffff;
	[tilespmem:v38+s19+$0x0] =	vst.idx.msk $0xffff, v1;
	(pc) =	sbr.rel @p1 .LBB2_5-.Ltmp5, $4  }
0x1bf: {  	v23 =	vmov v44;
	v24 =	vmov v43;
	v0 =	vsub.f32 v0, v7;
	v48 =	vld.idx.msk [tilespmem:v28+s23+$0x0], $0xffff;
	[tilespmem:v57+s19+$0x0] =	vst.idx.msk $0xffff, v3  }
0x1c0: {  	v25 =	vmovc v46;
	v43 =	vadd.s32 s1, v20;
	v21 =	vmovc v29;
	v29 =	vmov v51;
	v56 =	vsub.f32 v54, v5;
	v50 =	vld.idx.msk [tilespmem:v26+s23+$0x0], $0xffff  }
0x1c1: {  	v51 =	vadd.s32 s10, v9;
	v39 =	vmovc v52;
	v18 =	vmovc v58;
	v7 =	vmov v11;
	v44 =	vadd.f32 v8, v0;
	v49 =	vld.idx.msk [tilespmem:v27+s23+$0x0], $0xffff  }
0x1c2: {  	s6 =	sadd.s32 $0x20, s6;
	s1 =	smov.u32 s10;
	v12 =	vmovc v55;
	v5 =	vmovc v9;
	v52 =	vadd.f32 v6, v56;
	v6 =	vmov v10;
	v35 =	vmov v59;
	v46 =	vld.idx.msk [tilespmem:v34+s28+$0x0], $0xffff  }
0x1c3: {  	_ =	sdelay $0x1  }
0x1c4: {  	v0 =	vmul.f32 v52, v31;
	v1 =	vsub.f32 v47, v48;
	_ =	sdelay $0x1  }
0x1c5: {  	[tilespmem:v51+s19+$0x0] =	vst.idx.msk $0xffff, v0;
	v0 =	vsub.f32 v1, v50  }
0x1c6: {  	v1 =	vld.idx.msk [tilespmem:v22+s24+$0x0], $0xffff  }
0x1c7: {  	v2 =	vld.idx.msk [tilespmem:v23+s24+$0x0], $0xffff;
	v0 =	vadd.f32 v49, v0;
	_ =	sdelay $0x1  }
0x1c8: {  	v3 =	vld.idx.msk [tilespmem:v24+s24+$0x0], $0xffff;
	v0 =	vmul.f32 v0, v29;
	_ =	sdelay $0x1  }
0x1c9: {  	v4 =	vld.idx.msk [tilespmem:v25+s24+$0x0], $0xffff;
	[tilespmem:v42+s19+$0x0] =	vst.idx.msk $0xffff, v0  }
0x1ca: {  	v0 =	vsub.f32 v1, v2;
	v1 =	vld.idx.msk [tilespmem:v30+s24+$0x0], $0xffff  }
0x1cb: {  	v2 =	vld.idx.msk [tilespmem:v28+s24+$0x0], $0xffff  }
0x1cc: {  	v0 =	vsub.f32 v0, v3  }
0x1cd: {  	v5 =	vld.idx.msk [tilespmem:v26+s24+$0x0], $0xffff;
	v3 =	vadd.s32 s10, v6  }
0x1ce: {  	v0 =	vadd.f32 v4, v0  }
0x1cf: {  	v4 =	vld.idx.msk [tilespmem:v27+s24+$0x0], $0xffff  }
0x1d0: {  	v0 =	vmul.f32 v0, v31;
	v1 =	vsub.f32 v1, v2;
	_ =	sdelay $0x1  }
0x1d1: {  	[tilespmem:v3+s19+$0x0] =	vst.idx.msk $0xffff, v0;
	v0 =	vsub.f32 v1, v5  }
0x1d2: {  	v1 =	vld.idx.msk [tilespmem:v22+s25+$0x0], $0xffff  }
0x1d3: {  	v2 =	vld.idx.msk [tilespmem:v23+s25+$0x0], $0xffff;
	v0 =	vadd.f32 v4, v0;
	_ =	sdelay $0x1  }
0x1d4: {  	v3 =	vld.idx.msk [tilespmem:v24+s25+$0x0], $0xffff;
	v0 =	vmul.f32 v0, v29;
	_ =	sdelay $0x1  }
0x1d5: {  	v4 =	vld.idx.msk [tilespmem:v25+s25+$0x0], $0xffff;
	[tilespmem:v41+s19+$0x0] =	vst.idx.msk $0xffff, v0  }
0x1d6: {  	v0 =	vsub.f32 v1, v2;
	v1 =	vld.idx.msk [tilespmem:v30+s25+$0x0], $0xffff  }
0x1d7: {  	v2 =	vld.idx.msk [tilespmem:v28+s25+$0x0], $0xffff  }
0x1d8: {  	v0 =	vsub.f32 v0, v3  }
0x1d9: {  	v5 =	vld.idx.msk [tilespmem:v26+s25+$0x0], $0xffff;
	v3 =	vadd.s32 s1, v7  }
0x1da: {  	v0 =	vadd.f32 v4, v0  }
0x1db: {  	v4 =	vld.idx.msk [tilespmem:v27+s25+$0x0], $0xffff  }
0x1dc: {  	v0 =	vmul.f32 v0, v31;
	v1 =	vsub.f32 v1, v2;
	_ =	sdelay $0x1  }
0x1dd: {  	[tilespmem:v3+s19+$0x0] =	vst.idx.msk $0xffff, v0;
	v0 =	vsub.f32 v1, v5;
	_ =	sdelay $0x1  }
0x1de: {  	v0 =	vadd.f32 v4, v0  }
0x1df: {  	v1 =	vld.idx.msk [tilespmem:v22+s26+$0x0], $0xffff  }
0x1e0: {  	v2 =	vld.idx.msk [tilespmem:v23+s26+$0x0], $0xffff;
	v0 =	vmul.f32 v0, v29;
	_ =	sdelay $0x1  }
0x1e1: {  	v3 =	vld.idx.msk [tilespmem:v24+s26+$0x0], $0xffff;
	[tilespmem:v40+s19+$0x0] =	vst.idx.msk $0xffff, v0  }
0x1e2: {  	v40 =	vld [tilespmem:$0x1FF80]  }
0x1e3: {  	v4 =	vld.idx.msk [tilespmem:v25+s26+$0x0], $0xffff  }
0x1e4: {  	v0 =	vsub.f32 v1, v2;
	v1 =	vld.idx.msk [tilespmem:v30+s26+$0x0], $0xffff  }
0x1e5: {  	v2 =	vld.idx.msk [tilespmem:v28+s26+$0x0], $0xffff  }
0x1e6: {  	v0 =	vsub.f32 v0, v3  }
0x1e7: {  	v5 =	vld.idx.msk [tilespmem:v26+s26+$0x0], $0xffff;
	v3 =	vadd.s32 s1, v40  }
0x1e8: {  	v0 =	vadd.f32 v4, v0  }
0x1e9: {  	v4 =	vld.idx.msk [tilespmem:v27+s26+$0x0], $0xffff  }
0x1ea: {  	v0 =	vmul.f32 v0, v31;
	v1 =	vsub.f32 v1, v2;
	_ =	sdelay $0x1  }
0x1eb: {  	[tilespmem:v3+s19+$0x0] =	vst.idx.msk $0xffff, v0;
	v0 =	vsub.f32 v1, v5  }
0x1ec: {  	v1 =	vld.idx.msk [tilespmem:v22+s28+$0x0], $0xffff  }
0x1ed: {  	v2 =	vld.idx.msk [tilespmem:v23+s28+$0x0], $0xffff;
	v0 =	vadd.f32 v4, v0  }
0x1ee: {  	v3 =	vld.idx.msk [tilespmem:v17+s28+$0x0], $0xffff  }
0x1ef: {  	v0 =	vmul.f32 v0, v29;
	_ =	sdelay $0x1  }
0x1f0: {  	v6 =	vsub.f32 v45, v46;
	[tilespmem:v39+s19+$0x0] =	vst.idx.msk $0xffff, v0  }
0x1f1: {  	v0 =	vsub.f32 v1, v2;
	v1 =	vld.idx.msk [tilespmem:v30+s28+$0x0], $0xffff  }
0x1f2: {  	v2 =	vsub.f32 v6, v3;
	v3 =	vld.idx.msk [tilespmem:v28+s28+$0x0], $0xffff  }
0x1f3: {  	v4 =	vld.idx.msk [tilespmem:v24+s28+$0x0], $0xffff  }
0x1f4: {  	v32 =	vld [tilespmem:$0x1FF90]  }
0x1f5: {  	v7 =	vld.idx.msk [tilespmem:v25+s28+$0x0], $0xffff  }
0x1f6: {  	v5 =	vld.idx.msk [tilespmem:v13+s28+$0x0], $0xffff  }
0x1f7: {  	v1 =	vsub.f32 v1, v3;
	v3 =	vld [tilespmem:$0x1FF60]  }
0x1f8: {  	v0 =	vsub.f32 v0, v4  }
0x1f9: {  	v4 =	vadd.s32 s1, v32  }
0x1fa: {  	v0 =	vadd.f32 v7, v0  }
0x1fb: {  	v2 =	vadd.f32 v5, v2  }
0x1fc: {  	v0 =	vmul.f32 v0, v31  }
0x1fd: {  	v5 =	vld.idx.msk [tilespmem:v26+s28+$0x0], $0xffff;
	v2 =	vmul.f32 v2, v21  }
0x1fe: {  	[tilespmem:v4+s19+$0x0] =	vst.idx.msk $0xffff, v0  }
0x1ff: {  	v6 =	vld.idx.msk [tilespmem:v27+s28+$0x0], $0xffff;
	[tilespmem:v3+s19+$0x0] =	vst.idx.msk $0xffff, v2  }
0x200: {  	v8 =	vld [tilespmem:$0x1FF70];
	_ =	sdelay $0x1  }
0x201: {  	v0 =	vsub.f32 v1, v5  }
0x202: {  	v33 =	vld.idx.msk [tilespmem:v63+s30+$0x0], $0xffff  }
0x203: {  	v1 =	vld.idx.msk [tilespmem:v22+s29+$0x0], $0xffff;
	v0 =	vadd.f32 v6, v0  }
0x204: {  	v5 =	vld.idx.msk [tilespmem:v24+s29+$0x0], $0xffff  }
0x205: {  	v3 =	vld.idx.msk [tilespmem:v23+s29+$0x0], $0xffff;
	v0 =	vmul.f32 v0, v29  }
0x206: {  	v2 =	vld.idx.msk [tilespmem:v14+s29+$0x0], $0xffff  }
0x207: {  	v4 =	vld.idx.msk [tilespmem:v34+s29+$0x0], $0xffff;
	[tilespmem:v8+s19+$0x0] =	vst.idx.msk $0xffff, v0  }
0x208: {  	v38 =	vld [tilespmem:$0x1FFA0]  }
0x209: {  	v6 =	vld.idx.msk [tilespmem:v25+s29+$0x0], $0xffff  }
0x20a: {  	v7 =	vld.idx.msk [tilespmem:v17+s29+$0x0], $0xffff;
	v0 =	vsub.f32 v1, v3  }
0x20b: {  	v1 =	vld.idx.msk [tilespmem:v30+s29+$0x0], $0xffff  }
0x20c: {  	v3 =	vld.idx.msk [tilespmem:v28+s29+$0x0], $0xffff;
	v0 =	vsub.f32 v0, v5  }
0x20d: {  	v2 =	vsub.f32 v2, v4;
	v5 =	vld.idx.msk [tilespmem:v13+s29+$0x0], $0xffff;
	v8 =	vadd.s32 s1, v38  }
0x20e: {  	v37 =	vld.idx.msk [tilespmem:v26+s29+$0x0], $0xffff;
	v0 =	vadd.f32 v6, v0  }
0x20f: {  	v2 =	vsub.f32 v2, v7;
	v7 =	vld.idx.msk [tilespmem:v61+s30+$0x0], $0xffff  }
0x210: {  	v4 =	vld.idx.msk [tilespmem:v27+s29+$0x0], $0xffff;
	v0 =	vmul.f32 v0, v31  }
0x211: {  	v6 =	vld.idx.msk [tilespmem:v15+s30+$0x0], $0xffff;
	v1 =	vsub.f32 v1, v3  }
0x212: {  	v3 =	vld.idx.msk [tilespmem:v62+s30+$0x0], $0xffff;
	[tilespmem:v8+s19+$0x0] =	vst.idx.msk $0xffff, v0;
	v0 =	vadd.f32 v5, v2  }
0x213: {  	v1 =	vsub.f32 v1, v37;
	v2 =	vld.idx.msk [tilespmem:v22+s30+$0x0], $0xffff  }
0x214: {  	v5 =	vld.idx.msk [tilespmem:v23+s30+$0x0], $0xffff;
	v0 =	vmul.f32 v0, v21  }
0x215: {  	v1 =	vadd.f32 v4, v1;
	v4 =	vld.idx.msk [tilespmem:v24+s30+$0x0], $0xffff  }
0x216: {  	v8 =	vld.idx.msk [tilespmem:v25+s30+$0x0], $0xffff;
	[tilespmem:v12+s19+$0x0] =	vst.idx.msk $0xffff, v0  }
0x217: {  	v0 =	vmul.f32 v1, v29;
	v1 =	vld.idx.msk [tilespmem:v14+s30+$0x0], $0xffff  }
0x218: {  	v12 =	vld.idx.msk [tilespmem:v34+s30+$0x0], $0xffff  }
0x219: {  	v61 =	vld.idx.msk [tilespmem:v17+s30+$0x0], $0xffff;
	[tilespmem:v16+s19+$0x0] =	vst.idx.msk $0xffff, v0  }
0x21a: {  	v0 =	vld.idx.msk [tilespmem:v30+s30+$0x0], $0xffff  }
0x21b: {  	v16 =	vld.idx.msk [tilespmem:v28+s30+$0x0], $0xffff  }
0x21c: {  	v63 =	vld [tilespmem:$0x1FFB0]  }
0x21d: {  	v6 =	vsub.f32 v33, v6;
	v62 =	vld.idx.msk [tilespmem:v26+s30+$0x0], $0xffff  }
0x21e: {  	v2 =	vsub.f32 v2, v5;
	v5 =	vld.idx.msk [tilespmem:v13+s30+$0x0], $0xffff  }
0x21f: {  	v3 =	vsub.f32 v6, v3;
	v6 =	vld.idx.msk [tilespmem:v27+s30+$0x0], $0xffff;
	v1 =	vsub.f32 v1, v12  }
0x220: {  	v2 =	vsub.f32 v2, v4;
	v0 =	vsub.f32 v0, v16  }
0x221: {  	v3 =	vadd.f32 v7, v3;
	v4 =	vadd.s32 s1, v63;
	v1 =	vsub.f32 v1, v61  }
0x222: {  	v7 =	vmul.f32 v44, v19;
	v2 =	vadd.f32 v8, v2;
	v0 =	vsub.f32 v0, v62  }
0x223: {  	v3 =	vmul.f32 v3, v60;
	v1 =	vadd.f32 v5, v1  }
0x224: {  	[tilespmem:v43+s19+$0x0] =	vst.idx.msk $0xffff, v7;
	v2 =	vmul.f32 v2, v31;
	s1 =	smul.u32 $0x43600, s17;
	v0 =	vadd.f32 v6, v0  }
0x225: {  	[tilespmem:v18+s19+$0x0] =	vst.idx.msk $0xffff, v3;
	v1 =	vmul.f32 v1, v21  }
0x226: {  	s3 =	sadd.s32 s18, s1;
	[tilespmem:v4+s19+$0x0] =	vst.idx.msk $0xffff, v2;
	v0 =	vmul.f32 v0, v29  }
0x227: {  	s3 =	sshrl.u32 s3, $0x3;
	[tilespmem:v35+s19+$0x0] =	vst.idx.msk $0xffff, v1  }
0x228: {  	s3 =	sadd.s32 s8, s3;
	[tilespmem:v36+s19+$0x0] =	vst.idx.msk $0xffff, v0  }
0x229: {  	[hbm4b:s3+s2] =	stream.linear.scatter [tilespmem:s19], [sflag:$0x1], $0x160, $0x38;
	[tilespmem:$0x1D980] =	vst v63  }
0x22a: {  	s15 =	rddreg [dreg:$0xb]  }
0x22b: {  	s3 =	sadd.s32 s1, s15  }
0x22c: {  	s3 =	sshrl.u32 s3, $0x3  }
0x22d: {  	s6 =	simm.s32 $0x1CFE0;
	s3 =	sadd.s32 s8, s3  }
0x22e: {  	[hbm4b:s3+s2] =	stream.linear.scatter [tilespmem:s6], [sflag:$0x1], $0x160, $0x38;
	[tilespmem:$0x1D980] =	vst v63  }
0x22f: {  	s6 =	rddreg [dreg:$0xc]  }
0x230: {  	s3 =	sadd.s32 s1, s6  }
0x231: {  	s3 =	sshrl.u32 s3, $0x3  }
0x232: {  	s7 =	simm.s32 $0x1D140;
	s10 =	rddreg [dreg:$0xd];
	s3 =	sadd.s32 s8, s3  }
0x233: {  	[hbm4b:s3+s2] =	stream.linear.scatter [tilespmem:s7], [sflag:$0x1], $0x160, $0x38;
	[tilespmem:$0x1D980] =	vst v63  }
0x234: {  	s3 =	sadd.s32 s1, s10  }
0x235: {  	s3 =	sshrl.u32 s3, $0x3  }
0x236: {  	s11 =	simm.s32 $0x1D2A0;
	s14 =	rddreg [dreg:$0xe];
	s3 =	sadd.s32 s8, s3  }
0x237: {  	[hbm4b:s3+s2] =	stream.linear.scatter [tilespmem:s11], [sflag:$0x1], $0x160, $0x38;
	[tilespmem:$0x1D980] =	vst v63  }
0x238: {  	s3 =	sadd.s32 s1, s14  }
0x239: {  	s3 =	sshrl.u32 s3, $0x3  }
0x23a: {  	s15 =	simm.s32 $0x1D400;
	s7 =	sadd.s32 s1, s4;
	s3 =	sadd.s32 s8, s3  }
0x23b: {  	[hbm4b:s3+s2] =	stream.linear.scatter [tilespmem:s15], [sflag:$0x1], $0x160, $0x38;
	[tilespmem:$0x1D980] =	vst v63  }
0x23c: {  	s3 =	sshrl.u32 s7, $0x3  }
0x23d: {  	s10 =	simm.s32 $0x1D560;
	s11 =	sadd.s32 s1, s9;
	s3 =	sadd.s32 s8, s3  }
0x23e: {  	[hbm4b:s3+s2] =	stream.linear.scatter [tilespmem:s10], [sflag:$0x1], $0x160, $0x38;
	[tilespmem:$0x1D980] =	vst v63  }
0x23f: {  	s1 =	sadd.s32 s1, s12;
	s3 =	sshrl.u32 s11, $0x3  }
0x240: {  	s14 =	simm.s32 $0x1D6C0;
	s1 =	sshrl.u32 s1, $0x3;
	s3 =	sadd.s32 s8, s3  }
0x241: {  	[hbm4b:s3+s2] =	stream.linear.scatter [tilespmem:s14], [sflag:$0x1], $0x160, $0x38;
	[tilespmem:$0x1D980] =	vst v63  }
0x242: {  	s1 =	sadd.s32 s8, s1;
	s15 =	simm.s32 $0x1D820  }
0x243: {  	[hbm4b:s1+s2] =	stream.linear.scatter [tilespmem:s15], [sflag:$0x1], $0x160, $0x38;
	[tilespmem:$0x1D980] =	vst v63  }
0x244: {  	_ =	swait.ge [sflag:s13], $0x160  }
0x245: {  	[sflag:s13] =	ssyncset.done $0x0  }
0x246: {  	[sflag:s13] =	ssyncadd.s32 $0xFFFFFEA0  }
0x247: {  	_ =	swait.ge [sflag:s13], $0x160  }
0x248: {  	[sflag:s13] =	ssyncset.done $0x0  }
0x249: {  	[sflag:s13] =	ssyncadd.s32 $0xFFFFFEA0  }
0x24a: {  	_ =	swait.ge [sflag:s13], $0x160  }
0x24b: {  	[sflag:s13] =	ssyncset.done $0x0  }
0x24c: {  	[sflag:s13] =	ssyncadd.s32 $0xFFFFFEA0  }
0x24d: {  	_ =	swait.ge [sflag:s13], $0x160  }
0x24e: {  	[sflag:s13] =	ssyncset.done $0x0  }
0x24f: {  	[sflag:s13] =	ssyncadd.s32 $0xFFFFFEA0  }
0x250: {  	_ =	swait.ge [sflag:s13], $0x160  }
0x251: {  	[sflag:s13] =	ssyncset.done $0x0  }
0x252: {  	[sflag:s13] =	ssyncadd.s32 $0xFFFFFEA0  }
0x253: {  	_ =	swait.ge [sflag:s13], $0x160  }
0x254: {  	[sflag:s13] =	ssyncset.done $0x0  }
0x255: {  	[sflag:s13] =	ssyncadd.s32 $0xFFFFFEA0  }
0x256: {  	_ =	swait.ge [sflag:s13], $0x160  }
0x257: {  	s17 =	sadd.s32 $0x1, s17;
	[sflag:s13] =	ssyncset.done $0x0  }
0x258: {  	p1 =	sne.s32 s17, $0x14;
	[sflag:s13] =	ssyncadd.s32 $0xFFFFFEA0  }
.Ltmp6:
0x259: {  	_ =	swait.ge [sflag:s13], $0x160;
	(pc) =	sbr.rel @p1 .LBB2_4-.Ltmp6, $4  }
.Ltmp7:
0x25a: {  	v0 =	vld [tilespmem:$0x1FFC0];
	(pc) =	sbr.rel @!p1 .LBB2_7-.Ltmp7, $4  }
0x25b: {  	v1 =	vld [tilespmem:$0x1FFD0]  }
0x25c: {  	s31 =	sadd.s32 $0x100, s31;
	v7 =	vmov v11;
	v8 =	vmov v32;
	[sflag:s13] =	ssyncset.done $0x0;
	v2 =	vld [tilespmem:$0x1FFE0]  }
0x25d: {  	s0 =	sadd.s32 $0x100, s0;
	s5 =	sadd.s32 $0x100, s5;
	v5 =	vmovc v9;
	v9 =	vmovc v38;
	v6 =	vmov v10;
	v10 =	vmov v63;
	v4 =	vmov v40;
	v3 =	vld [tilespmem:$0x1FFF0];
	[sflag:s13] =	ssyncadd.s32 $0xFFFFFEA0  }
0x25e: {  	_ = 	snop  }
.LBB2_9:
0x25f: {  	_ =	sfence.sel $0x180000  }
0x260: {  	[bflag:$0x0] =	sbarrier.arrive $0xFFFF  }
0x261: {  	_ =	strace $0x90000047  }
0x262: {  	s0 =	stileid.u32;
	[bflag:$0x2] =	sbarrier.arrive $0xFFFF  }
0x263: {  	p0 =	sne.s32 s0, $0x0;
	s0 =	rddreg [dreg:$0x2]  }
0x264: {  	s0 =	sadd.s32 @!p0 $0x100000, s0  }
0x265: {  	[sflag:s0] =	ssyncadd.tile.s32 @!p0 $0x1;
	_ =	shalt  }
.Lfunc_end2:
_tile_overlayer_lowered:
.L_overlay_start_2:
0x266: {  	(tag) =	ssettag $0x2  }
0x267: {  	s0 =	rddreg [dreg:$0x0];
	s2 =	stileid.u32  }
0x268: {  	s1 =	rddreg [dreg:$0x1];
	p0 =	sne.s32 s2, $0x0  }
0x269: {  	s3 =	rddreg [dreg:$0x2];
	[bflag:$0x3] =	sbarrier.arrive $0xFFFF;
	s2 =	simm.s32 @!p0 $0x1C02  }
0x26a: {  	[timem:s3], [sflag:s2] =	dma.local @!p0 [hbm:s0], s1  }
0x26b: {  	s0 =	simm.s32 @!p0 $0x2  }
0x26c: {  	_ =	swait.ge @!p0 [sflag:s0], s1  }
0x26d: {  	s1 =	ssub.s32 @!p0 $0x0, s1;
	[sflag:s0] =	ssyncset.done @!p0 $0x0  }
0x26e: {  	[sflag:s0] =	ssyncadd.s32 @!p0 s1  }
0x26f: {  	[bflag:$0x3] =	sbarrier.arrive $0xFFFF  }
0x270: {  	_ =	shalt  }

// kernel: kernel.8.cloned.1.call-start
scs
__scs_entry_jumppad:
0x0: {  	(pc) =	sbr.rel $0x88, $3  }
0x1: {  	(tag) =	ssettag $0x0;
	lr =	simm.s32 $0x1  }
0x2: {  	[smem:$0x3F9F] =	sst lr;
	_ =	strace $0xD0000000  }
0x3: {  	_ = 	snop  }
0x4: {  	_ = 	snop  }
0x5: {  	_ = 	snop  }
0x6: {  	_ = 	snop  }
0x7: {  	_ = 	snop  }
__scs_overlays_trampoline_lowered:
0x8: {  	[smem:$0x3FAE] =	sst s0  }
0x9: {  	[smem:$0x3FAF] =	sst s1  }
0xa: {  	[smem:$0x3FB0] =	sst s2  }
0xb: {  	[smem:$0x3FB1] =	sst s3  }
0xc: {  	[smem:$0x3FB2] =	sst s4  }
0xd: {  	[smem:$0x3FB3] =	sst s5  }
0xe: {  	[smem:$0x3FB4] =	sst s6  }
0xf: {  	[smem:$0x3FB5] =	sst s7  }
0x10: {  	[smem:$0x3FB6] =	sst s8  }
0x11: {  	[smem:$0x3FB7] =	sst s9;
	s0 =	simm.s32 @!p0 $0x0  }
0x12: {  	s1 =	sld [smem:$0x3F9D];
	s0 =	simm.s32 @p0 $0x1  }
0x13: {  	[smem:$0x3FB8] =	sst s0;
	s0 =	simm.s32 @!p1 $0x0  }
0x14: {  	s2 =	sld [smem:$0x3F9C];
	s0 =	simm.s32 @p1 $0x1  }
0x15: {  	[smem:$0x3FB9] =	sst s0;
	s0 =	simm.s32 @!p2 $0x0  }
0x16: {  	s3 =	sld [smem:$0x3FDB];
	s0 =	simm.s32 @p2 $0x1  }
0x17: {  	s4 =	simm.s32 $0x1BF5;
	[smem:$0x3FBB] =	sst s0  }
0x18: {  	s0 =	sld [smem:$0x3F9E];
	_ =	swait.ge [sflag:s4], $0x0  }
0x19: {  	s7 =	sld [smem:$0x3F9F]  }
0x1a: {  	s8 =	sadd.s32 $0xFFFFE003, lr  }
0x1b: {  	s9 =	sadd.s32 $0xFFFFFEF7, lr;
	s5 =	simm.s32 $0xFFFFFFFF;
	p2 =	slt.u32 s8, $0xFFFFF086  }
0x1c: {  	p1 =	slt.u32 s9, $0xF7A;
	s5 =	simm.s32 @!p2 $0x0  }
0x1d: {  	s5 =	simm.s32 @p1 $0x1;
	p0 =	seq.s32 s7, s2  }
0x1e: {  	s7 =	smul.u32 @!p0 $0xF7A, s2;
	p2 =	seq.s32 @!p0 s5, $0x0  }
0x1f: {  	s9 =	smul.u32 $0xF7A, s1;
	s8 =	simm.s32 @!p0 $0x1BF5;
	p2 =	por !p2, p0  }
0x20: {  	[sflag:s8] =	ssyncset.s32 @!p0 $0xFFFFF086;
	s6 =	sadd.s32 @!p0 s3, s7;
	s7 =	simm.s32 @!p0 $0x108  }
0x21: {  	s3 =	sadd.s32 s3, s9;
	s6 =	sadd.s32 @!p0 $0x88, s6;
	s7 =	simm.s32 @p2 $0x1082  }
0x22: {  	[simem:s7], [sflag:s8] =	dma.local @!p0 [hbm:s6], $0xF7A  }
0x23: {  	s9 =	sor.u32 $0xD0000000, s2;
	s6 =	simm.s32 $0x108;
	_ =	swait.ge @!p0 [sflag:s8], $0x0  }
0x24: {  	s3 =	sadd.s32 $0x88, s3;
	s6 =	simm.s32 @!p1 $0x1082;
	[sflag:s4] =	ssyncset.s32 $0xFFFFF086  }
0x25: {  	[simem:s6], [sflag:s4] =	dma.local [hbm:s3], $0xF7A  }
0x26: {  	[smem:$0x3F9F] =	sst s1;
	(tag) =	ssettag s2;
	_ =	strace s9  }
0x27: {  	s1 =	sld [smem:$0x3FAF]  }
0x28: {  	s2 =	sld [smem:$0x3FB0]  }
0x29: {  	s4 =	sld [smem:$0x3FB2]  }
0x2a: {  	p0 =	seq.s32 s5, $0x0;
	s5 =	sld [smem:$0x3FB3]  }
0x2b: {  	s6 =	sld [smem:$0x3FB4]  }
0x2c: {  	s7 =	sld [smem:$0x3FB5]  }
0x2d: {  	s3 =	simm.s32 $0x108;
	s8 =	sld [smem:$0x3FB6]  }
0x2e: {  	s3 =	simm.s32 @!p0 $0x1082;
	s9 =	sld [smem:$0x3FB7]  }
0x2f: {  	lr =	sadd.s32 s0, s3;
	s0 =	sld [smem:$0x3FAE]  }
0x30: {  	s3 =	sld [smem:$0x3FB1]  }
0x31: {  	[smem:$0x3FBA] =	sst s10  }
0x32: {  	s10 =	sld [smem:$0x3FB8];
	_ =	sdelay $0x3  }
0x33: {  	p0 =	seq.s32 s10, $0x1;
	s10 =	sld [smem:$0x3FBA];
	_ =	sdelay $0x3  }
0x34: {  	[smem:$0x3FBA] =	sst s10  }
0x35: {  	s10 =	sld [smem:$0x3FB9];
	_ =	sdelay $0x3  }
0x36: {  	p1 =	seq.s32 s10, $0x1;
	s10 =	sld [smem:$0x3FBA];
	_ =	sdelay $0x3  }
0x37: {  	[smem:$0x3FBA] =	sst s10  }
0x38: {  	s10 =	sld [smem:$0x3FBB]  }
0x39: {  	_ = 	snop;
	(pc) =	sbr.ind lr, $3  }
0x3a: {  	_ = 	snop  }
0x3b: {  	_ = 	snop  }
0x3c: {  	p2 =	seq.s32 s10, $0x1;
	s10 =	sld [smem:$0x3FBA]  }
0x3d: {  	_ =	shalt  }
0x3e: {  	_ =	shalt  }
0x3f: {  	_ =	shalt  }
0x40: {  	_ =	shalt  }
0x41: {  	_ =	shalt  }
0x42: {  	_ =	shalt  }
0x43: {  	_ =	shalt  }
0x44: {  	_ =	shalt  }
0x45: {  	_ =	shalt  }
0x46: {  	_ =	shalt  }
0x47: {  	_ =	shalt  }
0x48: {  	_ =	shalt  }
0x49: {  	_ =	shalt  }
0x4a: {  	_ =	shalt  }
0x4b: {  	_ =	shalt  }
0x4c: {  	_ =	shalt  }
0x4d: {  	_ =	shalt  }
0x4e: {  	_ =	shalt  }
0x4f: {  	_ =	shalt  }
0x50: {  	_ =	shalt  }
0x51: {  	_ =	shalt  }
0x52: {  	_ =	shalt  }
0x53: {  	_ =	shalt  }
0x54: {  	_ =	shalt  }
0x55: {  	_ =	shalt  }
0x56: {  	_ =	shalt  }
0x57: {  	_ =	shalt  }
0x58: {  	_ =	shalt  }
0x59: {  	_ =	shalt  }
0x5a: {  	_ =	shalt  }
0x5b: {  	_ =	shalt  }
0x5c: {  	_ =	shalt  }
0x5d: {  	_ =	shalt  }
0x5e: {  	_ =	shalt  }
0x5f: {  	_ =	shalt  }
0x60: {  	_ =	shalt  }
0x61: {  	_ =	shalt  }
0x62: {  	_ =	shalt  }
0x63: {  	_ =	shalt  }
0x64: {  	_ =	shalt  }
0x65: {  	_ =	shalt  }
0x66: {  	_ =	shalt  }
0x67: {  	_ =	shalt  }
0x68: {  	_ =	shalt  }
0x69: {  	_ =	shalt  }
0x6a: {  	_ =	shalt  }
0x6b: {  	_ =	shalt  }
0x6c: {  	_ =	shalt  }
0x6d: {  	_ =	shalt  }
0x6e: {  	_ =	shalt  }
0x6f: {  	_ =	shalt  }
0x70: {  	_ =	shalt  }
0x71: {  	_ =	shalt  }
0x72: {  	_ =	shalt  }
0x73: {  	_ =	shalt  }
0x74: {  	_ =	shalt  }
0x75: {  	_ =	shalt  }
0x76: {  	_ =	shalt  }
0x77: {  	_ =	shalt  }
0x78: {  	_ =	shalt  }
0x79: {  	_ =	shalt  }
0x7a: {  	_ =	shalt  }
0x7b: {  	_ =	shalt  }
0x7c: {  	_ =	shalt  }
0x7d: {  	_ =	shalt  }
0x7e: {  	_ =	shalt  }
0x7f: {  	_ =	shalt  }
0x80: {  	_ =	shalt  }
0x81: {  	_ =	shalt  }
0x82: {  	_ =	shalt  }
0x83: {  	_ =	shalt  }
0x84: {  	_ =	shalt  }
0x85: {  	_ =	shalt  }
0x86: {  	_ =	shalt  }
0x87: {  	_ =	shalt  }
.Lfunc_end0:
.L_simem_size_0:
called_computation.1_lowered:
.L_overlay_start_0:
0x88: {  	s2 =	sld [smem:$0x3FD9]  }
0x89: {  	s3 =	sld [smem:$0x3FFE];
	_ =	sdelay $0x1  }
0x8a: {  	s1 =	srdreg.scid  }
0x8b: {  	s0 =	sand.u32 $0x1, s1  }
0x8c: {  	s17 =	sshll.u32 s0, $0xA;
	s2 =	sadd.s32 s3, s2  }
0x8d: {  	s2 =	sadd.s32 s2, s17  }
0x8e: {  	[smem:$0x3FC6] =	sst s2  }
0x8f: {  	_ = 	snop  }
0x90: {  	s2 =	sld [smem:$0x3FD0];
	(tm) =	ssettm $0x1  }
0x91: {  	s18 =	sld [smem:$0x3FFB];
	_ =	sdelay $0x3  }
0x92: {  	_ =	strace s18  }
0x93: {  	s3 =	sld [smem:$0x3FFC];
	_ =	sdelay $0x3  }
0x94: {  	_ =	strace s3  }
0x95: {  	s3 =	sld [smem:$0x3FFD];
	_ =	sdelay $0x3  }
0x96: {  	_ =	strace s3  }
0x97: {  	_ =	strace $0x8FFFFFFF  }
0x98: {  	s19 =	sld [smem:$0x3FDB];
	_ =	sdelay $0x1  }
0x99: {  	s4 =	simm.s32 $_scs_section_size  }
0x9a: {  	s5 =	simm.s32 $_size__tile_overlayer_lowered;
	s6 =	simm.s32 $_tile_overlayer_lowered  }
0x9b: {  	s22 =	simm.s32 $0x1BFF;
	s21 =	sshll.u32 s6, $0x1;
	s3 =	sadd.s32 s4, s19  }
0x9c: {  	s7 =	simm.s32 $0x0;
	s20 =	sshll.u32 s5, $0x1;
	s5 =	sadd.s32 s21, s3  }
0x9d: {  	[timem:s7], [sflag:s22] =	dma.local [hbm:s5], s20  }
0x9e: {  	_ =	swait.ge [sflag:s22], s20  }
0x9f: {  	s4 =	ssub.s32 $0x0, s20;
	[sflag:s22] =	ssyncset.done $0x0  }
0xa0: {  	[sflag:s22] =	ssyncadd.s32 s4;
	_ =	sdelay $0x1  }
0xa1: {  	s23 =	simm.s32 $0x1B8B  }
0xa2: {  	_ =	swait.ge [sflag:s23], $0x1  }
0xa3: {  	[sflag:s23] =	ssyncset.done $0x0  }
0xa4: {  	s25 =	simm.s32 $0x1B8E;
	s24 =	sld [smem:$0x3FFE];
	[sflag:s23] =	ssyncadd.s32 $0xFFFFFFFF  }
0xa5: {  	s26 =	simm.s32 $execute0_lowered;
	[smem:$0x3FD2] =	sst s25  }
0xa6: {  	s5 =	sshll.u32 s26, $0x1;
	_ =	strace $0x80000049;
	[dreg:$0x1] =	wrdreg $0xFFFFFFFF  }
0xa7: {  	s28 =	simm.s32 $_size_execute0_lowered;
	s3 =	sadd.s32 s3, s5;
	[dreg:$0x0] =	wrdreg $0x0  }
0xa8: {  	s5 =	sshll.u32 s28, $0x1;
	[dreg:$0x2] =	wrdreg s3  }
0xa9: {  	[dreg:$0x3] =	wrdreg s5  }
0xaa: {  	[dreg:$0x4] =	wrdreg $0xC0  }
0xab: {  	_ =	task [dreg:s7], $0x5FFFF  }
0xac: {  	[dreg:$0x1] =	wrdreg $0xFFFFFFFF  }
0xad: {  	[dreg:$0x0] =	wrdreg $0x60  }
0xae: {  	[dreg:$0x2] =	wrdreg s24  }
0xaf: {  	[dreg:$0x3] =	wrdreg s2  }
0xb0: {  	[dreg:$0x4] =	wrdreg $0x9  }
0xb1: {  	_ =	task.clear_ibuf [dreg:s7], $0x5FFFF;
	_ =	strace $0x90000049  }
0xb2: {  	s29 =	simm.s32 $0x9;
	_ =	strace $0x8000004B  }
0xb3: {  	_ =	swait.ge [sflag:s29], $0x1  }
0xb4: {  	[sflag:s29] =	ssyncadd.s32 $0xFFFFFFFF  }
0xb5: {  	_ =	strace $0x9000004B  }
0xb6: {  	_ =	sfence  }
0xb7: {  	s30 =	sld [smem:$0x0];
	_ =	sdelay $0x2  }
0xb8: {  	s31 =	sshll.u32 s1, $0xD;
	s1 =	sshrl.u32 s1, $0x2  }
0xb9: {  	s3 =	sand.u32 $0x4000, s31;
	s1 =	sadd.s32 s1, s30  }
0xba: {  	s0 =	sor.u32 s3, s0;
	s1 =	sshll.u32 s1, $0x11  }
0xbb: {  	s0 =	sor.u32 s1, s0  }
0xbc: {  	s0 =	sadd.s32 $0x8F2B, s0  }
0xbd: {  	[sflag:s0] =	ssyncadd.remote.s32 $0x1  }
0xbe: {  	_ =	sfence.sel $0xFFFF  }
0xbf: {  	[dreg:$0x0] =	wrdreg $0xFFFFFFFF;
	(pc) =	sbr.abs _section_cstart, $3  }
0xc0: {  	[dreg:$0x1] =	wrdreg $0xFFFFFFFF  }
0xc1: {  	_ =	task.clear_ibuf [dreg:s7], $0x2FFFF;
	_ =	strace $0x9FFFFFFF  }
0xc2: {  	(tm) =	ssettm $0x7FFFFFFF  }
0xc3: {  	_ =	shalt  }
tec
execute0_lowered:
.L_overlay_start_1:
0x0: {  	(tag) =	ssettag $0x1  }
0x1: {  	v0 =	vimm.s32 $0x2780;
	vm14 =	vcmask $0x300;
	vm13 =	vcmask $0x704  }
0x2: {  	vm12 =	vcmask $0xB08;
	vm11 =	vcmask $0xF0C;
	vm10 =	vcmask $0x1310  }
0x3: {  	vm9 =	vcmask $0x1714;
	vm8 =	vcmask $0x1B18;
	vm7 =	vcmask $0x1F1C  }
0x4: {  	vm6 =	vcmask $0x2320;
	vm5 =	vcmask $0x2724;
	vm4 =	vcmask $0x2B28  }
0x5: {  	vm3 =	vcmask $0x2F2C;
	v1 =	vlaneseq.u32;
	vm2 =	vcmask $0x3330  }
0x6: {  	vm1 =	vcmask $0x3734;
	vm0 =	vcmask $0x3B38;
	v3 =	vimm.s32 $0x6F80  }
0x7: {  	v4 =	vimm.s32 $0x4784;
	v5 =	vimm.s32 $0x8F84;
	v0 =	vsel vm14, $0x0, v0  }
0x8: {  	v3 =	vsel vm14, $0x4800, v3;
	v4 =	vsel vm14, $0x2004, v4;
	v5 =	vsel vm14, $0x6804, v5  }
0x9: {  	v0 =	vsel vm13, $0x80, v0;
	v3 =	vsel vm13, $0x4880, v3;
	v4 =	vsel vm13, $0x2084, v4  }
0xa: {  	v5 =	vsel vm13, $0x6884, v5;
	v0 =	vsel vm12, $0x100, v0;
	v3 =	vsel vm12, $0x4900, v3  }
0xb: {  	v4 =	vsel vm12, $0x2104, v4;
	v5 =	vsel vm12, $0x6904, v5;
	v0 =	vsel vm11, $0x180, v0  }
0xc: {  	v3 =	vsel vm11, $0x4980, v3;
	v4 =	vsel vm11, $0x2184, v4;
	v5 =	vsel vm11, $0x6984, v5  }
0xd: {  	v0 =	vsel vm10, $0x200, v0;
	v3 =	vsel vm10, $0x4A00, v3;
	v4 =	vsel vm10, $0x2204, v4  }
0xe: {  	v5 =	vsel vm10, $0x6A04, v5;
	v0 =	vsel vm9, $0x280, v0;
	v3 =	vsel vm9, $0x4A80, v3  }
0xf: {  	v4 =	vsel vm9, $0x2284, v4;
	v5 =	vsel vm9, $0x6A84, v5;
	v0 =	vsel vm8, $0x300, v0  }
0x10: {  	v3 =	vsel vm8, $0x4B00, v3;
	v4 =	vsel vm8, $0x2304, v4;
	v5 =	vsel vm8, $0x6B04, v5  }
0x11: {  	v0 =	vsel vm7, $0x380, v0;
	v3 =	vsel vm7, $0x4B80, v3;
	v4 =	vsel vm7, $0x2384, v4  }
0x12: {  	v5 =	vsel vm7, $0x6B84, v5;
	v0 =	vsel vm6, $0x2400, v0;
	v3 =	vsel vm6, $0x6C00, v3  }
0x13: {  	v4 =	vsel vm6, $0x4404, v4;
	v5 =	vsel vm6, $0x8C04, v5;
	v0 =	vsel vm5, $0x2480, v0  }
0x14: {  	v3 =	vsel vm5, $0x6C80, v3;
	v4 =	vsel vm5, $0x4484, v4;
	v5 =	vsel vm5, $0x8C84, v5  }
0x15: {  	s4 =	rddreg [dreg:$0x0];
	v0 =	vsel vm4, $0x2500, v0;
	v3 =	vsel vm4, $0x6D00, v3;
	v4 =	vsel vm4, $0x4504, v4  }
0x16: {  	s1 =	rddreg [dreg:$0x1];
	v5 =	vsel vm4, $0x8D04, v5;
	v2 =	vsel vm3, $0x2580, v0;
	v0 =	vmul.u32 $0xB, v1  }
0x17: {  	s3 =	srdreg.scid;
	s0 =	rddreg [dreg:$0x2];
	s2 =	simm.s32 $0x0;
	v3 =	vsel vm3, $0x6D80, v3;
	v4 =	vsel vm3, $0x4584, v4;
	v5 =	vsel vm3, $0x8D84, v5  }
.Ltmp0:
0x18: {  	s9 =	simm.s32 $0x2;
	s3 =	sand.u32 $0x1, s3;
	v1 =	vsel vm2, $0x2600, v2;
	v3 =	vsel vm2, $0x6E00, v3;
	v6 =	vsel vm2, $0x4604, v4;
	(pc) =	sbr.rel .LBB2_1-.Ltmp0, $4  }
0x19: {  	s10 =	simm.s32 $0x8700;
	s11 =	simm.s32 $0x0;
	s6 =	ssub.s32 $0x2, s3;
	v5 =	vsel vm2, $0x8E04, v5;
	v1 =	vsel vm1, $0x2680, v1;
	v2 =	vadd.s32 $0xB0, v0  }
0x1a: {  	[smem:$0x7FF] =	sst s2;
	s5 =	sadd.s32 $0x136800, s4;
	s7 =	sshrl.u32 s6, $0x1;
	v3 =	vsel vm1, $0x6E80, v3;
	v4 =	vadd.s32 $0x8569, v0;
	v6 =	vsel vm1, $0x4684, v6  }
0x1b: {  	s4 =	stileid.u32;
	_ =	strace $0x8000004A;
	s8 =	ssub.s32 s6, s7;
	v7 =	vsel vm1, $0x8E84, v5;
	v1 =	vsel vm0, $0x2700, v1;
	v3 =	vsel vm0, $0x6F00, v3  }
0x1c: {  	s6 =	sshll.u32 s4, $0x1;
	s7 =	sadd.s32 $0xAF800, s1;
	s8 =	smax.u32 s8, $0x1;
	v5 =	vsel vm0, $0x4704, v6;
	v6 =	vadd.s32 $0x8619, v0;
	v7 =	vsel vm0, $0x8F04, v7  }
.LBB2_7:
0x1d: {  	s11 =	sadd.s32 $0x1, s11  }
0x1e: {  	p0 =	sne.s32 s11, s8  }
.Ltmp1:
0x1f: {  	_ = 	snop;
	(pc) =	sbr.rel @!p0 .LBB2_8-.Ltmp1, $1  }
0x20: {  	_ =	sdelay $0x3  }
.LBB2_1:
.Ltmp2:
0x21: {  	(pc) =	sbr.rel .LBB2_2-.Ltmp2, $2  }
0x22: {  	_ =	sdelay $0x2  }
0x23: {  	s12 =	simm.s32 $0x0  }
.LBB2_6:
0x24: {  	s12 =	sadd.s32 $0x1, s12  }
0x25: {  	p0 =	sne.s32 s12, $0x5  }
.Ltmp3:
0x26: {  	_ = 	snop;
	(pc) =	sbr.rel @!p0 .LBB2_7-.Ltmp3, $1  }
0x27: {  	_ =	sdelay $0x3  }
.LBB2_2:
0x28: {  	s13 =	sshll.u32 s12, $0x5  }
0x29: {  	s13 =	sor.u32 s13, s6  }
0x2a: {  	s13 =	sor.u32 s3, s13  }
0x2b: {  	p0 =	sgt.u32 s13, $0x9C  }
.Ltmp4:
0x2c: {  	_ = 	snop;
	(pc) =	sbr.rel @p0 .LBB2_6-.Ltmp4, $1  }
0x2d: {  	_ =	sdelay $0x3  }
0x2e: {  	s15 =	smul.u32 $0x10D8, s13  }
0x2f: {  	s14 =	simm.s32 $0x0;
	p3 =	por $0x0, $0x0;
	p2 =	por $0x0, $0x0  }
0x30: {  	p0 =	por $0x1, $0x1;
	p1 =	por $0x1, $0x1;
	s17 =	simm.s32 $0x1  }
0x31: {  	p4 =	por $0x1, $0x1;
	s24 =	simm.s32 $0x1;
	p5 =	por $0x1, $0x1  }
0x32: {  	p6 =	por $0x1, $0x1;
	s16 =	smul.u32 $0x4E5F, s14;
	s15 =	sadd.s32 s5, s15  }
0x33: {  	[tilespmem:s14], [sflag:$0x2] =	stream.linear.gather [hbm4b:s15+s14], $0x86C0, $0x38;
	[tilespmem:$0x11700] =	vst v63  }
0x34: {  	v19 =	vmov s17;
	s17 =	simm.s32 $0x8;
	s28 =	sadd.s32 $0xEB1D, s16;
	s21 =	sadd.s32 $0x4E5F, s16  }
0x35: {  	v18 =	vmov s14;
	s31 =	sshrl.u32 s16, $0x10;
	s16 =	sadd.s32 $0x9CBE, s16;
	s14 =	simm.s32 $0x1  }
0x36: {  	_ =	swait.ge [sflag:s9], $0x86C0;
	s18 =	sshrl.u32 s28, $0x10;
	s29 =	sshrl.u32 s21, $0x10  }
0x37: {  	s25 =	ssub.s32 $0x0, s31;
	s28 =	sshrl.u32 s16, $0x10;
	[sflag:s9] =	ssyncset.done $0x0  }
0x38: {  	s15 =	ssub.s32 $0x3, s18;
	s23 =	ssub.s32 $0x1, s29;
	s25 =	sand.u32 $0xFFFE, s25  }
0x39: {  	[sflag:s9] =	ssyncadd.s32 $0xFFFF7940;
	s15 =	sand.u32 $0xFFFE, s15;
	s23 =	sand.u32 $0xFFFE, s23  }
0x3a: {  	s25 =	sshrl.u32 s25, $0x1;
	s19 =	sshrl.u32 s15, $0x1;
	s15 =	simm.s32 $0x1  }
0x3b: {  	s30 =	sshrl.u32 s23, $0x1;
	s23 =	simm.s32 $0x1;
	s16 =	sadd.s32 s31, s25  }
0x3c: {  	s19 =	sadd.s32 s18, s19;
	s18 =	simm.s32 $0x2;
	s15 =	simm.s32 @!p3 $0x0  }
0x3d: {  	p3 =	por $0x1, $0x1;
	s20 =	sand.u32 $0xFFE0, s19;
	s19 =	simm.s32 $0x1  }
0x3e: {  	s22 =	sshrl.u32 s20, $0x5;
	s19 =	simm.s32 @!p2 $0x0;
	p2 =	por $0x0, $0x0  }
0x3f: {  	s20 =	sadd.s32 s29, s30;
	s29 =	ssub.s32 $0x2, s28;
	s21 =	sadd.s32 $0xFFFFFFF5, s22  }
0x40: {  	s24 =	simm.s32 @!p2 $0x0;
	s20 =	sand.u32 $0xFFE0, s20;
	s30 =	sand.u32 $0xFFFE, s29  }
0x41: {  	s31 =	smul.u32 $0x31, s22;
	s29 =	sand.u32 $0xFFE0, s16;
	s16 =	simm.s32 $0x4  }
0x42: {  	s21 =	smov.u32 @p3 s22;
	s20 =	sshrl.u32 s20, $0x5;
	s30 =	sshrl.u32 s30, $0x1  }
0x43: {  	p3 =	sne.s32 s21, $0x0;
	s26 =	sadd.s32 $0xFFFFFFF5, s20;
	s21 =	sshrl.u32 s29, $0x5  }
0x44: {  	s28 =	sadd.s32 s28, s30;
	s25 =	ssub.s32 $0x3, s31;
	s30 =	simm.s32 $0x3  }
0x45: {  	p3 =	por !p4, !p3;
	s29 =	sadd.s32 $0xFFFFFFF5, s21;
	s28 =	sand.u32 $0xFFE0, s28  }
0x46: {  	s25 =	smul.u32 $0x2C0, s25;
	p3 =	por !p3, !p3;
	s29 =	smov.u32 @p1 s21  }
0x47: {  	p1 =	por $0x1, $0x1;
	s28 =	sshrl.u32 s28, $0x5;
	s23 =	simm.s32 @!p3 $0x0  }
0x48: {  	p3 =	por $0x1, $0x1;
	s31 =	sand.u32 $0xFFC0, s25;
	s25 =	sadd.s32 $0xFFFFFFF5, s28  }
0x49: {  	s23 =	ssub.s32 s24, s23;
	s22 =	sadd.s32 s22, s31;
	s31 =	smul.u32 $0x31, s28  }
0x4a: {  	s26 =	smov.u32 @p3 s20;
	s25 =	smov.u32 @p1 s28;
	s23 =	smul.u32 $0x155, s23  }
0x4b: {  	p3 =	por $0x0, $0x0;
	p4 =	sne.s32 s26, $0x0;
	s26 =	smul.u32 $0x31, s20  }
0x4c: {  	p1 =	por !p5, !p4;
	p5 =	sne.s32 s25, $0x0;
	p4 =	por $0x1, $0x1  }
0x4d: {  	p2 =	por !p6, !p5;
	p6 =	sne.s32 s29, $0x0;
	s22 =	sadd.s32 s23, s22  }
0x4e: {  	s29 =	smul.u32 $0x31, s21;
	p1 =	por !p1, !p1;
	s24 =	ssub.s32 $0x1, s26  }
0x4f: {  	s26 =	simm.s32 $0x1;
	s23 =	ssub.s32 $0x2, s31;
	s31 =	simm.s32 $0x1  }
0x50: {  	p5 =	por $0x1, $0x1;
	p0 =	por !p0, !p6;
	v8 =	vadd.s32 s22, v0;
	s24 =	smul.u32 $0x2C0, s24  }
0x51: {  	v9 =	vmov s30;
	p2 =	por !p2, !p2;
	s26 =	simm.s32 @!p1 $0x0;
	s23 =	smul.u32 $0x2C0, s23  }
0x52: {  	v10 =	vshll.u32 v9, $0x3;
	v17 =	vadd.s32 s22, v2;
	p6 =	por $0x1, $0x1;
	s22 =	smul.u32 $0x4E5F, s16;
	p0 =	por !p0, !p0  }
0x53: {  	v9 =	vand.u32 $0x7F, v9;
	v10 =	vand.u32 $0x3C00, v10;
	s25 =	ssub.s32 $0x0, s29;
	s29 =	simm.s32 $0x1;
	s26 =	ssub.s32 s19, s26  }
0x54: {  	v9 =	vor.u32 v9, v10;
	s31 =	simm.s32 @!p2 $0x0;
	s29 =	simm.s32 @!p0 $0x0;
	s25 =	smul.u32 $0x2C0, s25  }
0x55: {  	v13 =	vadd.s32 v1, v9;
	s19 =	ssub.s32 s19, s31;
	s24 =	sand.u32 $0xFFC0, s24;
	s26 =	smul.u32 $0x155, s26;
	v12 =	vld.idx.msk [tilespmem:v8+s2+$0x0], $0xffff  }
0x56: {  	s23 =	sand.u32 $0xFFC0, s23;
	s15 =	ssub.s32 s15, s29;
	s19 =	smul.u32 $0x155, s19  }
0x57: {  	s20 =	sadd.s32 s20, s24;
	s31 =	sand.u32 $0xFFC0, s25;
	s15 =	smul.u32 $0x155, s15  }
0x58: {  	v16 =	vand.u32 $0x7C, v18;
	v20 =	vshll.u32 v19, $0x3;
	s25 =	sadd.s32 s28, s23;
	s29 =	sadd.s32 s26, s20;
	s28 =	sadd.s32 s21, s31  }
0x59: {  	v11 =	vadd.s32 v3, v9;
	p0 =	por $0x0, $0x0;
	v15 =	vadd.s32 s29, v0;
	v10 =	vadd.s32 s29, v2;
	s30 =	sadd.s32 s19, s25;
	s31 =	sadd.s32 s15, s28  }
0x5a: {  	s14 =	simm.s32 @!p0 $0x0;
	s20 =	simm.s32 $0x6;
	v14 =	vadd.s32 s30, v0;
	v8 =	vadd.s32 s30, v2;
	s15 =	simm.s32 $0x1;
	v9 =	vadd.s32 s31, v2;
	[tilespmem:v13+s10+$0x0] =	vst.idx.msk $0xffff, v12  }
0x5b: {  	s21 =	simm.s32 $0x5;
	s15 =	simm.s32 @!p3 $0x0;
	p3 =	por $0x1, $0x1;
	v13 =	vadd.s32 s31, v0;
	v12 =	vld.idx.msk [tilespmem:v17+s2+$0x0], $0xffff;
	v17 =	vshll.u32 v18, $0x3;
	v18 =	vmov s18  }
.LBB2_4:
0x5c: {  	s18 =	simm.s32 @!p6 $0x0;
	p0 =	slt.u32 s17, $0x400  }
0x5d: {  	s19 =	smov.u32 s21;
	s18 =	simm.s32 @p6 $0x1;
	p6 =	slt.u32 s21, $0x21B  }
0x5e: {  	s28 =	sadd.s32 $0x4E5F, s22;
	s29 =	sadd.s32 $0x9CBE, s22;
	s23 =	sadd.s32 $0xEB1D, s22  }
0x5f: {  	s22 =	sshrl.u32 s22, $0x10;
	[smem:$0x7FC] =	sst s18;
	s18 =	simm.s32 @!p0 $0x0  }
0x60: {  	s24 =	sshrl.u32 s28, $0x10;
	s23 =	sshrl.u32 s23, $0x10;
	s21 =	sshrl.u32 s29, $0x10  }
0x61: {  	s18 =	simm.s32 @p0 $0x1;
	p0 =	slt.u32 s20, $0x21B;
	s26 =	ssub.s32 s19, s24  }
0x62: {  	[smem:$0x7FD] =	sst s18;
	s18 =	simm.s32 @!p0 $0x0;
	s26 =	sand.u32 $0xFFFE, s26  }
0x63: {  	v19 =	vand.u32 $0x7D, v19;
	v20 =	vand.u32 $0x3C00, v20;
	s18 =	simm.s32 @p0 $0x1;
	s30 =	sshrl.u32 s26, $0x1;
	s26 =	simm.s32 $0x1  }
0x64: {  	v21 =	vshll.u32 v18, $0x3;
	v18 =	vand.u32 $0x7E, v18;
	[tilespmem:v11+s10+$0x0] =	vst.idx.msk $0xffff, v12;
	v11 =	vand.u32 $0x3C00, v17;
	[smem:$0x7FB] =	sst s18;
	s18 =	smov.u32 s20;
	s20 =	smov.u32 s16  }
0x65: {  	v19 =	vor.u32 v19, v20;
	v20 =	vand.u32 $0x3C00, v21;
	v11 =	vor.u32 v16, v11;
	s24 =	sadd.s32 s24, s30;
	s16 =	sadd.s32 $0x3, s20;
	s28 =	ssub.s32 s18, s21  }
0x66: {  	v13 =	vld.idx.msk [tilespmem:v13+s2+$0x0], $0xffff;
	v17 =	vor.u32 v18, v20;
	v18 =	vadd.s32 v1, v11;
	s29 =	ssub.s32 s20, s22;
	s24 =	sand.u32 $0xFFE0, s24;
	s25 =	ssub.s32 s16, s23  }
0x67: {  	s29 =	sand.u32 $0xFFFE, s29;
	s28 =	sand.u32 $0xFFFE, s28;
	s25 =	sand.u32 $0xFFFE, s25  }
0x68: {  	p0 =	slt.u32 s16, $0x21B;
	p1 =	sgt.u32 s16, $0x21A;
	s25 =	sshrl.u32 s25, $0x1  }
0x69: {  	s31 =	sshrl.u32 s28, $0x1;
	s29 =	sshrl.u32 s29, $0x1;
	s23 =	sadd.s32 s23, s25  }
0x6a: {  	s26 =	simm.s32 @!p1 $0x0;
	s21 =	sadd.s32 s21, s31;
	s23 =	sand.u32 $0xFFE0, s23  }
0x6b: {  	s22 =	sadd.s32 s22, s29;
	s29 =	simm.s32 $0x1;
	[tilespmem:v18+s10+$0x0] =	vst.idx.msk $0xffff, v13;
	s25 =	sshrl.u32 s23, $0x5  }
0x6c: {  	v11 =	vadd.s32 v3, v11;
	s21 =	sand.u32 $0xFFE0, s21;
	s28 =	sand.u32 $0xFFE0, s22;
	v9 =	vld.idx.msk [tilespmem:v9+s2+$0x0], $0xffff;
	s23 =	sadd.s32 $0xFFFFFFF5, s25  }
0x6d: {  	s22 =	sshrl.u32 s21, $0x5;
	s30 =	smul.u32 $0x31, s25;
	s23 =	smov.u32 @p0 s25  }
0x6e: {  	s21 =	sshrl.u32 s28, $0x5;
	p0 =	slt.u32 s16, $0x31;
	p2 =	sne.s32 s23, $0x0  }
0x6f: {  	s31 =	ssub.s32 s16, s30;
	s23 =	sshrl.u32 s24, $0x5;
	p0 =	por !p0, !p2  }
0x70: {  	s30 =	smul.u32 $0x2C0, s31;
	s28 =	sadd.s32 $0xFFFFFFF5, s23;
	s31 =	sld [smem:$0x7FB]  }
0x71: {  	[tilespmem:v11+s10+$0x0] =	vst.idx.msk $0xffff, v9;
	v9 =	vmov s16;
	s16 =	simm.s32 $0x1;
	p0 =	por !p0, !p0;
	s28 =	smov.u32 @p6 s23  }
0x72: {  	v14 =	vld.idx.msk [tilespmem:v14+s2+$0x0], $0xffff;
	v16 =	vadd.s32 v1, v17;
	s29 =	simm.s32 @!p0 $0x0;
	s30 =	sand.u32 $0xFFC0, s30;
	p2 =	sne.s32 s28, $0x0  }
0x73: {  	s29 =	ssub.s32 s26, s29;
	s25 =	sadd.s32 s25, s30;
	s26 =	sadd.s32 $0xFFFFFFF5, s21  }
0x74: {  	v15 =	vld.idx.msk [tilespmem:v15+s2+$0x0], $0xffff;
	v12 =	vadd.s32 v1, v19;
	p1 =	seq.s32 s31, $0x1;
	p0 =	por !p3, !p2;
	s31 =	smul.u32 $0x31, s22  }
0x75: {  	s30 =	sld [smem:$0x7FC];
	s24 =	smul.u32 $0x155, s29;
	s29 =	sadd.s32 $0xFFFFFFF5, s22  }
0x76: {  	s26 =	smov.u32 @p5 s21;
	p3 =	por !p0, !p0;
	s29 =	smov.u32 @p1 s22  }
0x77: {  	[tilespmem:v16+s10+$0x0] =	vst.idx.msk $0xffff, v14;
	p1 =	sne.s32 s26, $0x0;
	s26 =	smul.u32 $0x31, s23;
	s16 =	simm.s32 @!p3 $0x0  }
0x78: {  	v8 =	vld.idx.msk [tilespmem:v8+s2+$0x0], $0xffff;
	v13 =	vadd.s32 v3, v17;
	p3 =	sgt.u32 s17, $0x21A;
	s24 =	sadd.s32 s24, s25;
	p5 =	sne.s32 s29, $0x0  }
0x79: {  	[tilespmem:v12+s10+$0x0] =	vst.idx.msk $0xffff, v15;
	s29 =	smul.u32 $0x31, s21;
	p6 =	seq.s32 s30, $0x1;
	p2 =	por !p4, !p5  }
0x7a: {  	v12 =	vadd.s32 v3, v19;
	v10 =	vld.idx.msk [tilespmem:v10+s2+$0x0], $0xffff;
	p1 =	por !p6, !p1;
	s25 =	ssub.s32 s19, s26;
	s26 =	ssub.s32 s18, s31  }
0x7b: {  	p1 =	por !p1, !p1;
	s28 =	ssub.s32 s20, s29;
	s29 =	simm.s32 $0x1  }
0x7c: {  	s31 =	ssub.s32 s15, s16;
	s16 =	simm.s32 $0x1;
	s29 =	simm.s32 @!p1 $0x0  }
0x7d: {  	[tilespmem:v13+s10+$0x0] =	vst.idx.msk $0xffff, v8;
	v8 =	vadd.s32 s24, v0;
	p4 =	sgt.u32 s17, $0x219;
	s14 =	ssub.s32 s14, s29;
	s29 =	smul.u32 $0x2C0, s28  }
0x7e: {  	p6 =	slt.u32 s17, $0x31;
	p0 =	por !p2, !p2;
	s26 =	smul.u32 $0x2C0, s26  }
0x7f: {  	[tilespmem:v12+s10+$0x0] =	vst.idx.msk $0xffff, v10;
	v10 =	vshll.u32 v9, $0x3;
	s30 =	smul.u32 $0x155, s31;
	s16 =	simm.s32 @!p0 $0x0;
	s31 =	sand.u32 $0xFFC0, s29  }
0x80: {  	v9 =	vand.u32 $0x7F, v9;
	v10 =	vand.u32 $0x3C00, v10;
	v11 =	vadd.s32 s24, v2;
	s24 =	sand.u32 $0xFFC0, s26;
	s26 =	sadd.s32 s21, s31;
	s31 =	sld [smem:$0x7FD]  }
0x81: {  	v9 =	vor.u32 v9, v10;
	p5 =	slt.u32 s17, $0x21B;
	s25 =	smul.u32 $0x2C0, s25;
	s15 =	ssub.s32 s15, s16  }
0x82: {  	v17 =	vmov s20;
	v10 =	vadd.s32 v1, v9;
	s20 =	sadd.s32 $0x2, s17;
	s16 =	smov.u32 s17;
	s15 =	smul.u32 $0x155, s15;
	v8 =	vld.idx.msk [tilespmem:v8+s2+$0x0], $0xffff  }
0x83: {  	s25 =	sand.u32 $0xFFC0, s25;
	s14 =	smul.u32 $0x155, s14;
	p0 =	seq.s32 s31, $0x1  }
.Ltmp5:
0x84: {  	v19 =	vmov s19;
	s23 =	sadd.s32 s23, s25;
	s22 =	sadd.s32 s22, s24;
	(pc) =	sbr.rel @p0 .LBB2_4-.Ltmp5, $4  }
0x85: {  	v20 =	vshll.u32 v19, $0x3;
	v18 =	vmov s18;
	s29 =	sadd.s32 s30, s23;
	s15 =	sadd.s32 s15, s22;
	s21 =	sadd.s32 $0x1, s17  }
0x86: {  	v16 =	vand.u32 $0x7C, v17;
	v17 =	vshll.u32 v17, $0x3;
	v15 =	vadd.s32 s29, v0;
	s22 =	smul.u32 $0x4E5F, s16;
	s30 =	sadd.s32 s14, s26;
	s14 =	simm.s32 $0x1  }
0x87: {  	s17 =	sadd.s32 $0x4, s17;
	v14 =	vadd.s32 s15, v0;
	s14 =	simm.s32 @!p3 $0x0;
	v13 =	vadd.s32 s30, v0;
	[tilespmem:v10+s10+$0x0] =	vst.idx.msk $0xffff, v8;
	v8 =	vadd.s32 s15, v2;
	s15 =	simm.s32 $0x1  }
0x88: {  	p3 =	slt.u32 s21, $0x31;
	v10 =	vadd.s32 s29, v2;
	v12 =	vld.idx.msk [tilespmem:v11+s2+$0x0], $0xffff;
	v11 =	vadd.s32 v3, v9;
	s15 =	simm.s32 @!p4 $0x0;
	v9 =	vadd.s32 s30, v2;
	p4 =	slt.u32 s20, $0x31  }
0x89: {  	s18 =	sadd.s32 $0xEB1D, s22  }
0x8a: {  	s17 =	sadd.s32 $0x3, s16;
	s18 =	sshrl.u32 s18, $0x10  }
0x8b: {  	s19 =	ssub.s32 s17, s18  }
0x8c: {  	s24 =	simm.s32 $0x1;
	s19 =	sand.u32 $0xFFFE, s19  }
0x8d: {  	s25 =	simm.s32 $0x1;
	s28 =	sadd.s32 $0x4E5F, s22;
	s19 =	sshrl.u32 s19, $0x1  }
0x8e: {  	s29 =	sadd.s32 $0x9CBE, s22;
	s30 =	sshrl.u32 s22, $0x10;
	s18 =	sadd.s32 s18, s19  }
0x8f: {  	s19 =	sshrl.u32 s29, $0x10;
	s29 =	ssub.s32 s16, s30;
	s18 =	sand.u32 $0xFFE0, s18  }
0x90: {  	p0 =	slt.u32 s17, $0x21B;
	s29 =	sand.u32 $0xFFFE, s29;
	s23 =	sshrl.u32 s18, $0x5  }
0x91: {  	p2 =	slt.u32 s17, $0x31;
	s29 =	sshrl.u32 s29, $0x1;
	s18 =	sadd.s32 $0xFFFFFFF5, s23  }
0x92: {  	s22 =	sadd.s32 s30, s29;
	s31 =	smul.u32 $0x31, s23;
	s18 =	smov.u32 @p0 s23  }
0x93: {  	s29 =	sand.u32 $0xFFE0, s22;
	p1 =	sne.s32 s18, $0x0;
	s18 =	sshrl.u32 s28, $0x10  }
0x94: {  	s28 =	ssub.s32 s20, s19;
	p0 =	por !p2, !p1;
	p1 =	sgt.u32 s17, $0x21A  }
0x95: {  	s26 =	ssub.s32 s21, s18;
	s28 =	sand.u32 $0xFFFE, s28;
	p0 =	por !p0, !p0  }
0x96: {  	s24 =	simm.s32 @!p1 $0x0;
	s26 =	sand.u32 $0xFFFE, s26;
	s28 =	sshrl.u32 s28, $0x1  }
0x97: {  	s25 =	simm.s32 @!p0 $0x0;
	s26 =	sshrl.u32 s26, $0x1;
	s19 =	sadd.s32 s19, s28  }
0x98: {  	p0 =	slt.u32 s21, $0x21B;
	s18 =	sadd.s32 s18, s26;
	s19 =	sand.u32 $0xFFE0, s19  }
0x99: {  	s26 =	ssub.s32 s17, s31;
	s24 =	ssub.s32 s24, s25;
	s25 =	simm.s32 $0x1  }
0x9a: {  	s18 =	sand.u32 $0xFFE0, s18;
	s19 =	sshrl.u32 s19, $0x5;
	s26 =	smul.u32 $0x2C0, s26  }
0x9b: {  	s24 =	smul.u32 $0x155, s24;
	s22 =	sshrl.u32 s18, $0x5;
	s18 =	sshrl.u32 s29, $0x5  }
0x9c: {  	s30 =	sadd.s32 $0xFFFFFFF5, s19;
	s28 =	sadd.s32 $0xFFFFFFF5, s22;
	s29 =	sadd.s32 $0xFFFFFFF5, s18  }
0x9d: {  	s26 =	sand.u32 $0xFFC0, s26;
	s31 =	smul.u32 $0x31, s18;
	s28 =	smov.u32 @p0 s22  }
0x9e: {  	p0 =	slt.u32 s20, $0x21B;
	s29 =	smov.u32 @p5 s18;
	s23 =	sadd.s32 s23, s26  }
0x9f: {  	p2 =	sne.s32 s28, $0x0;
	s30 =	smov.u32 @p0 s19;
	p0 =	sne.s32 s29, $0x0  }
0xa0: {  	s28 =	smul.u32 $0x31, s22;
	s29 =	simm.s32 $0x1;
	s23 =	sadd.s32 s24, s23  }
0xa1: {  	s24 =	simm.s32 $0x1;
	p2 =	por !p3, !p2;
	p5 =	sne.s32 s30, $0x0  }
0xa2: {  	p0 =	por !p6, !p0;
	s30 =	smul.u32 $0x31, s19;
	p1 =	por !p4, !p5  }
0xa3: {  	v19 =	vand.u32 $0x7D, v19;
	v20 =	vand.u32 $0x3C00, v20;
	p2 =	por !p2, !p2;
	p0 =	por !p0, !p0;
	s28 =	ssub.s32 s21, s28  }
0xa4: {  	v21 =	vshll.u32 v18, $0x3;
	v38 =	vand.u32 $0x7E, v18;
	v17 =	vand.u32 $0x3C00, v17;
	s25 =	simm.s32 @!p2 $0x0;
	s26 =	ssub.s32 s20, s30;
	s28 =	smul.u32 $0x2C0, s28  }
0xa5: {  	v25 =	vmov s16;
	v31 =	vmov s21;
	v44 =	vmov s20;
	s29 =	simm.s32 @!p0 $0x0;
	s30 =	ssub.s32 s16, s31;
	s26 =	smul.u32 $0x2C0, s26  }
0xa6: {  	v19 =	vor.u32 v19, v20;
	v39 =	vmov s17;
	v21 =	vand.u32 $0x3C00, v21;
	p0 =	por !p1, !p1;
	s25 =	ssub.s32 s15, s25;
	s17 =	smul.u32 $0x2C0, s30  }
0xa7: {  	v16 =	vor.u32 v16, v17;
	v28 =	vand.u32 $0x7C, v25;
	v42 =	vshll.u32 v25, $0x3;
	s24 =	simm.s32 @!p0 $0x0;
	s14 =	ssub.s32 s14, s29;
	s25 =	smul.u32 $0x155, s25  }
0xa8: {  	v15 =	vld.idx.msk [tilespmem:v15+s2+$0x0], $0xffff;
	v43 =	vshll.u32 v31, $0x3;
	v45 =	vand.u32 $0x7D, v31;
	v22 =	vadd.s32 v1, v19;
	s31 =	ssub.s32 s15, s24;
	s28 =	sand.u32 $0xFFC0, s28;
	s14 =	smul.u32 $0x155, s14  }
0xa9: {  	v47 =	vshll.u32 v44, $0x3;
	v49 =	vand.u32 $0x7E, v44;
	v18 =	vor.u32 v38, v21;
	s22 =	sadd.s32 s22, s28;
	s15 =	smul.u32 $0x155, s31;
	s30 =	sand.u32 $0xFFC0, s26  }
0xaa: {  	v40 =	vshll.u32 v39, $0x3;
	v20 =	vand.u32 $0x7F, v39;
	v41 =	vadd.s32 s23, v0;
	s17 =	sand.u32 $0xFFC0, s17;
	s19 =	sadd.s32 s19, s30;
	s31 =	sadd.s32 s25, s22  }
0xab: {  	v23 =	vadd.s32 v1, v16;
	v19 =	vadd.s32 v3, v19;
	s17 =	sadd.s32 s18, s17;
	v27 =	vadd.s32 s31, v0;
	s15 =	sadd.s32 s15, s19  }
0xac: {  	v13 =	vld.idx.msk [tilespmem:v13+s2+$0x0], $0xffff;
	v46 =	vand.u32 $0x3C00, v43;
	v50 =	vand.u32 $0x3C00, v47;
	s14 =	sadd.s32 s14, s17;
	v29 =	vadd.s32 s15, v0  }
0xad: {  	v14 =	vld.idx.msk [tilespmem:v14+s2+$0x0], $0xffff;
	v21 =	vadd.s32 v1, v18;
	v17 =	vand.u32 $0x3C00, v40;
	[tilespmem:v22+s10+$0x0] =	vst.idx.msk $0xffff, v15;
	v30 =	vadd.s32 s14, v0  }
0xae: {  	v17 =	vor.u32 v20, v17;
	[tilespmem:v11+s10+$0x0] =	vst.idx.msk $0xffff, v12;
	v11 =	vor.u32 v45, v46;
	v10 =	vld.idx.msk [tilespmem:v10+s2+$0x0], $0xffff  }
0xaf: {  	v12 =	vor.u32 v49, v50;
	v24 =	vadd.s32 v1, v17;
	v52 =	vadd.s32 v1, v11;
	v48 =	vld.idx.msk [tilespmem:v41+s2+$0x0], $0xffff  }
0xb0: {  	v55 =	vadd.s32 v1, v12;
	v15 =	vand.u32 $0x3C00, v42;
	v26 =	vadd.s32 s23, v2;
	v51 =	vld.idx.msk [tilespmem:v27+s2+$0x0], $0xffff  }
0xb1: {  	[tilespmem:v23+s10+$0x0] =	vst.idx.msk $0xffff, v13;
	v15 =	vor.u32 v28, v15;
	v53 =	vadd.s32 s31, v2;
	v54 =	vld.idx.msk [tilespmem:v29+s2+$0x0], $0xffff  }
0xb2: {  	[tilespmem:v21+s10+$0x0] =	vst.idx.msk $0xffff, v14;
	v28 =	vadd.s32 v1, v15;
	v56 =	vadd.s32 s15, v2;
	v57 =	vld.idx.msk [tilespmem:v30+s2+$0x0], $0xffff  }
0xb3: {  	v58 =	vadd.s32 v3, v18;
	v8 =	vld.idx.msk [tilespmem:v8+s2+$0x0], $0xffff;
	[tilespmem:v19+s10+$0x0] =	vst.idx.msk $0xffff, v10;
	v59 =	vadd.s32 s14, v2  }
0xb4: {  	v60 =	vadd.s32 v3, v16;
	v9 =	vld.idx.msk [tilespmem:v9+s2+$0x0], $0xffff;
	[tilespmem:v24+s10+$0x0] =	vst.idx.msk $0xffff, v48  }
0xb5: {  	v17 =	vadd.s32 v3, v17;
	v61 =	vld.idx.msk [tilespmem:v26+s2+$0x0], $0xffff;
	[tilespmem:v52+s10+$0x0] =	vst.idx.msk $0xffff, v51  }
0xb6: {  	v11 =	vadd.s32 v3, v11;
	[tilespmem:v55+s10+$0x0] =	vst.idx.msk $0xffff, v54;
	v62 =	vld.idx.msk [tilespmem:v53+s2+$0x0], $0xffff  }
0xb7: {  	v12 =	vadd.s32 v3, v12;
	[tilespmem:v28+s10+$0x0] =	vst.idx.msk $0xffff, v57;
	v13 =	vld.idx.msk [tilespmem:v56+s2+$0x0], $0xffff  }
0xb8: {  	v63 =	vadd.s32 v3, v15;
	[tilespmem:v58+s10+$0x0] =	vst.idx.msk $0xffff, v8;
	v8 =	vld.idx.msk [tilespmem:v59+s2+$0x0], $0xffff  }
0xb9: {  	[tilespmem:v60+s10+$0x0] =	vst.idx.msk $0xffff, v9  }
0xba: {  	[tilespmem:v17+s10+$0x0] =	vst.idx.msk $0xffff, v61  }
0xbb: {  	[tilespmem:v11+s10+$0x0] =	vst.idx.msk $0xffff, v62  }
0xbc: {  	[tilespmem:v12+s10+$0x0] =	vst.idx.msk $0xffff, v13  }
0xbd: {  	[tilespmem:v63+s10+$0x0] =	vst.idx.msk $0xffff, v8  }
0xbe: {  	v8 =	vld.idx.msk [tilespmem:v4+s2+$0x0], $0xffff;
	_ =	sdelay $0x4  }
0xbf: {  	[tilespmem:v5+s10+$0x0] =	vst.idx.msk $0xffff, v8  }
0xc0: {  	v8 =	vld.idx.msk [tilespmem:v6+s2+$0x0], $0xffff;
	_ =	sdelay $0x3  }
0xc1: {  	p0 =	seq.s32 s13, $0x9C  }
0xc2: {  	s14 =	simm.s32 @p0 $0x0;
	s15 =	simm.s32 @p0 $0x8700;
	[tilespmem:v7+s10+$0x0] =	vst.idx.msk $0xffff, v8  }
0xc3: {  	[hbm4b:s7+s14] =	stream.linear.scatter @p0 [tilespmem:s15], [sflag:$0x1], $0x2400, $0x38;
	[tilespmem:$0x11700] =	vst v63  }
0xc4: {  	s13 =	smul.u32 @!p0 $0x1200, s13;
	s14 =	simm.s32 @p0 $0x1  }
0xc5: {  	_ =	swait.ge @p0 [sflag:s14], $0x2400  }
0xc6: {  	s13 =	sadd.s32 @!p0 s1, s13;
	[sflag:s14] =	ssyncset.done @p0 $0x0  }
0xc7: {  	s15 =	simm.s32 @!p0 $0x8700;
	[sflag:s14] =	ssyncadd.s32 @p0 $0xFFFFDC00;
	s14 =	simm.s32 @!p0 $0x0  }
0xc8: {  	[hbm4b:s13+s14] =	stream.linear.scatter @!p0 [tilespmem:s15], [sflag:$0x2], $0x9000, $0x38;
	[tilespmem:$0x11700] =	vst v63  }
.Ltmp6:
0xc9: {  	_ = 	snop;
	(pc) =	sbr.rel .LBB2_6-.Ltmp6, $4  }
0xca: {  	s13 =	simm.s32 @!p0 $0x2  }
0xcb: {  	_ =	swait.ge @!p0 [sflag:s13], $0x9000  }
0xcc: {  	[sflag:s13] =	ssyncset.done @!p0 $0x0  }
0xcd: {  	[sflag:s13] =	ssyncadd.s32 @!p0 $0xFFFF7000  }
.LBB2_8:
0xce: {  	_ =	sfence.sel $0x180000  }
0xcf: {  	[bflag:$0x0] =	sbarrier.arrive $0xFFFF  }
0xd0: {  	p0 =	sne.s32 s4, $0x0;
	_ =	strace $0x9000004A  }
0xd1: {  	s0 =	sadd.s32 @!p0 $0x100000, s0;
	[bflag:$0x2] =	sbarrier.arrive $0xFFFF  }
0xd2: {  	[sflag:s0] =	ssyncadd.tile.s32 @!p0 $0x1;
	_ =	shalt  }
.Lfunc_end2:
_tile_overlayer_lowered:
.L_overlay_start_2:
0xd3: {  	(tag) =	ssettag $0x2  }
0xd4: {  	s0 =	rddreg [dreg:$0x0];
	s2 =	stileid.u32  }
0xd5: {  	s1 =	rddreg [dreg:$0x1];
	p0 =	sne.s32 s2, $0x0  }
0xd6: {  	s3 =	rddreg [dreg:$0x2];
	[bflag:$0x3] =	sbarrier.arrive $0xFFFF;
	s2 =	simm.s32 @!p0 $0x1C01  }
0xd7: {  	[timem:s3], [sflag:s2] =	dma.local @!p0 [hbm:s0], s1  }
0xd8: {  	s0 =	simm.s32 @!p0 $0x1  }
0xd9: {  	_ =	swait.ge @!p0 [sflag:s0], s1  }
0xda: {  	s1 =	ssub.s32 @!p0 $0x0, s1;
	[sflag:s0] =	ssyncset.done @!p0 $0x0  }
0xdb: {  	[sflag:s0] =	ssyncadd.s32 @!p0 s1  }
0xdc: {  	[bflag:$0x3] =	sbarrier.arrive $0xFFFF  }
0xdd: {  	_ =	shalt  }

</sc_bundles>
